<compile_context>
chip_gen: v7x
topology: tpu7x:2x2x1
jax: 0.10.2.dev20260603
libtpu: 0.0.44.dev20260713+nightly
codegen_flags: <defaults>
</compile_context>

<pallas_src>
import numpy as np
import jax
import jax.numpy as jnp
from jax.experimental import pallas as pl

_FEAT_STRIDE = 8.0
_PRE = 1000
_POST = 300
_THR = 0.7
_PAD = 1024
_NA = 9


def _anchor_table():
    base_size = 16
    size = float(base_size * base_size)
    ctr = (base_size - 1) / 2.0
    rows = []
    for r in (0.5, 1.0, 2.0):
        ws0 = np.round(np.sqrt(size / r))
        hs0 = np.round(ws0 * r)
        for s in (4.0, 8.0, 16.0):
            w = ws0 * s
            h = hs0 * s
            d = base_size * s
            rows.append([ctr - 0.5 * (w - 1), ctr - 0.5 * (h - 1),
                         ctr + 0.5 * (w - 1), ctr + 0.5 * (h - 1),
                         ctr - 0.5 * (d - 1), ctr + 0.5 * (d - 1)])
    return np.array(rows, dtype=np.float32)


_ANCH = _anchor_table()


def _select_body(sc_ref, sel_ref):
    x = sc_ref[0]
    rows = x.shape[0]
    n = rows * 1024
    ii = jax.lax.bitcast_convert_type(x, jnp.int32)
    mapped = jnp.where(ii < 0, ii ^ jnp.int32(0x7FFFFFFF), ii)
    k = jnp.int32(_PRE)

    def cnt_ge(t):
        return jnp.sum((mapped >= t).astype(jnp.int32))

    big = cnt_ge(jnp.int32(0)) >= k
    lo = jnp.where(big, jnp.int32(0), jnp.int32(-2147483648))
    hi = jnp.where(big, jnp.int32(2147483647), jnp.int32(-1))

    def val_step(_, carry):
        lo, hi = carry
        mid = lo + (hi - lo) // 2
        go_up = cnt_ge(mid + 1) >= k
        return jnp.where(go_up, mid + 1, lo), jnp.where(go_up, hi, mid)

    lo, hi = jax.lax.fori_loop(0, 31, val_step, (lo, hi))
    thresh = lo
    extra = k - cnt_ge(thresh + 1)

    ri = jax.lax.broadcasted_iota(jnp.int32, (rows, 1024), 0)
    ci = jax.lax.broadcasted_iota(jnp.int32, (rows, 1024), 1)
    flat = ri * 1024 + ci
    is_tie = mapped == thresh

    def idx_step(_, carry):
        lo, hi = carry
        mid = lo + (hi - lo) // 2
        cnt = jnp.sum((is_tie & (flat <= mid)).astype(jnp.int32))
        enough = cnt >= extra
        return jnp.where(enough, lo, mid + 1), jnp.where(enough, mid, hi)

    tlo, _ = jax.lax.fori_loop(0, 19, idx_step, (jnp.int32(0), jnp.int32(n - 1)))
    sel = (mapped > thresh) | (is_tie & (flat <= tlo))
    sel_ref[0] = sel.astype(jnp.int32)


def _nms_body(anch_ref, delt_ref, sc_ref, info_ref, boxes_ref, masked_ref):
    a = anch_ref[0]
    dl = delt_ref[0]
    sc = sc_ref[0][0]
    h_im = info_ref[0, 0, 0]
    w_im = info_ref[0, 0, 1]
    d_im = info_ref[0, 0, 2]

    widths = a[2] - a[0] + 1.0
    heights = a[3] - a[1] + 1.0
    depths = a[5] - a[4] + 1.0
    ctr_x = a[0] + 0.5 * widths
    ctr_y = a[1] + 0.5 * heights
    ctr_z = a[4] + 0.5 * depths
    pcx = dl[0] * widths + ctr_x
    pcy = dl[1] * heights + ctr_y
    pcz = dl[2] * depths + ctr_z
    pw = jnp.exp(dl[3]) * widths
    ph = jnp.exp(dl[4]) * heights
    pd = jnp.exp(dl[5]) * depths

    x1 = jnp.clip(pcx - 0.5 * pw, 0.0, w_im - 1.0)
    y1 = jnp.clip(pcy - 0.5 * ph, 0.0, h_im - 1.0)
    x2 = jnp.clip(pcx + 0.5 * pw, 0.0, w_im - 1.0)
    y2 = jnp.clip(pcy + 0.5 * ph, 0.0, h_im - 1.0)
    z1 = jnp.clip(pcz - 0.5 * pd, 0.0, d_im - 1.0)
    z2 = jnp.clip(pcz + 0.5 * pd, 0.0, d_im - 1.0)

    area = (x2 - x1) * (y2 - y1) * (z2 - z1)
    iw = jnp.maximum(
        jnp.minimum(x2[:, None], x2[None, :]) - jnp.maximum(x1[:, None], x1[None, :]), 0.0)
    ih = jnp.maximum(
        jnp.minimum(y2[:, None], y2[None, :]) - jnp.maximum(y1[:, None], y1[None, :]), 0.0)
    idp = jnp.maximum(
        jnp.minimum(z2[:, None], z2[None, :]) - jnp.maximum(z1[:, None], z1[None, :]), 0.0)
    inter = iw * ih * idp
    ua = jnp.maximum(area[:, None] + area[None, :] - inter, 1e-8)
    iou = inter / ua
    ri = jax.lax.broadcasted_iota(jnp.int32, (_PAD, _PAD), 0)
    ci = jax.lax.broadcasted_iota(jnp.int32, (_PAD, _PAD), 1)
    iou = jnp.where(ci > ri, iou, 0.0)

    c = iou
    for _ in range(4):
        keep_f = (c.max(axis=0) < _THR).astype(jnp.float32)
        c = iou * keep_f[:, None]
    keep = c.max(axis=0) < _THR

    eye = (ri == ci).astype(jnp.float32)
    wm = (c * (c > _THR).astype(jnp.float32) + eye) * sc[None, :]
    wsum = wm.sum(axis=1)
    boxes_ref[0, 0] = (wm * x1[None, :]).sum(axis=1) / wsum
    boxes_ref[0, 1] = (wm * y1[None, :]).sum(axis=1) / wsum
    boxes_ref[0, 2] = (wm * x2[None, :]).sum(axis=1) / wsum
    boxes_ref[0, 3] = (wm * y2[None, :]).sum(axis=1) / wsum
    boxes_ref[0, 4] = (wm * z1[None, :]).sum(axis=1) / wsum
    boxes_ref[0, 5] = (wm * z2[None, :]).sum(axis=1) / wsum
    boxes_ref[0, 6] = jnp.zeros((_PAD,), jnp.float32)
    boxes_ref[0, 7] = jnp.zeros((_PAD,), jnp.float32)
    masked_ref[0, 0] = jnp.where(keep, sc, -1e9)


def kernel(scores, bbox_deltas, im_info):
    B, _, H, W, D = scores.shape

    sc = jnp.transpose(scores[:, _NA:, :, :, :], (0, 2, 3, 4, 1)).reshape(B, -1)
    n = sc.shape[1]
    rows = n // 1024

    sel = pl.pallas_call(
        _select_body,
        grid=(B,),
        in_specs=[pl.BlockSpec((1, rows, 1024), lambda b: (b, 0, 0))],
        out_specs=pl.BlockSpec((1, rows, 1024), lambda b: (b, 0, 0)),
        out_shape=jax.ShapeDtypeStruct((B, rows, 1024), jnp.int32),
    )(sc.reshape(B, rows, 1024)).reshape(B, n)

    pos = jnp.cumsum(sel, axis=1) - 1
    flat_ids = jnp.broadcast_to(jnp.arange(n, dtype=jnp.int32)[None], (B, n))
    pos = jnp.where(sel.astype(bool), pos, _PRE)

    def _compact(p, f):
        return jnp.zeros((_PRE,), jnp.int32).at[p].set(f, mode="drop")

    idx_asc = jax.vmap(_compact)(pos, flat_ids)
    vals_asc = jnp.take_along_axis(sc, idx_asc, axis=1)
    _, idx, vals = jax.lax.sort((-vals_asc, idx_asc, vals_asc),
                                dimension=1, is_stable=True, num_keys=1)

    a_i = idx % _NA
    sp = idx // _NA
    d_i = sp % D
    w_i = (sp // D) % W
    h_i = sp // (D * W)

    bd = bbox_deltas.reshape(B, -1)
    delt_rows = []
    for coord in range(6):
        ch = 6 * a_i + coord
        fi = ((ch * H + h_i) * W + w_i) * D + d_i
        delt_rows.append(jnp.take_along_axis(bd, fi, axis=1))
    delt = jnp.stack(delt_rows, axis=1)

    base = jnp.asarray(_ANCH)[a_i]
    shift = jnp.stack([w_i, h_i, w_i, h_i, d_i, d_i],
                      axis=-1).astype(jnp.float32) * _FEAT_STRIDE
    anch = jnp.transpose(base + shift, (0, 2, 1))

    anch8 = jnp.zeros((B, 8, _PAD), jnp.float32).at[:, :6, :_PRE].set(anch)
    delt8 = jnp.zeros((B, 8, _PAD), jnp.float32).at[:, :6, :_PRE].set(delt)
    sc_in = jnp.zeros((B, 1, _PAD), jnp.float32).at[:, 0, :_PRE].set(vals)
    info = im_info.reshape(B, 1, 3)

    boxes_out, masked_out = pl.pallas_call(
        _nms_body,
        grid=(B,),
        in_specs=[
            pl.BlockSpec((1, 8, _PAD), lambda b: (b, 0, 0)),
            pl.BlockSpec((1, 8, _PAD), lambda b: (b, 0, 0)),
            pl.BlockSpec((1, 1, _PAD), lambda b: (b, 0, 0)),
            pl.BlockSpec((1, 1, 3), lambda b: (b, 0, 0)),
        ],
        out_specs=[
            pl.BlockSpec((1, 8, _PAD), lambda b: (b, 0, 0)),
            pl.BlockSpec((1, 1, _PAD), lambda b: (b, 0, 0)),
        ],
        out_shape=[
            jax.ShapeDtypeStruct((B, 8, _PAD), jnp.float32),
            jax.ShapeDtypeStruct((B, 1, _PAD), jnp.float32),
        ],
    )(anch8, delt8, sc_in, info)

    masked = masked_out[:, 0, :_PRE]
    _, kidx = jax.lax.top_k(masked, _POST)
    nb = boxes_out[:, :6, :_PRE]
    sel = jnp.take_along_axis(nb, jnp.broadcast_to(kidx[:, None, :], (B, 6, _POST)), axis=2)
    sel = jnp.transpose(sel, (0, 2, 1))
    bid = jnp.broadcast_to(
        jnp.arange(B, dtype=jnp.float32)[:, None, None], (B, _POST, 1))
    return jnp.concatenate([bid, sel], axis=2)

# --- scband reference (transcript-rebuilt; emitter-appended) ---
"""Pipeline reference for scband-proposal-layer-34093450395664 (READ-ONLY COPY).

The authoritative reference and input builder live on the scoring server;
editing this copy changes nothing except your own understanding.
"""

import jax, jax.numpy as jnp
import numpy as np

FEAT_STRIDE = 8
PRE_NMS_TOP_N = 1000
POST_NMS_TOP_N = 300
NMS_THRESH = 0.7

def generate_anchors_3d(base_size=16, ratios=(0.5, 1.0, 2.0), scales=(4.0, 8.0, 16.0)):
    size = float(base_size * base_size)
    ctr = (base_size - 1) / 2.0
    anchors = []
    for r in ratios:
        ws0 = np.round(np.sqrt(size / r))
        hs0 = np.round(ws0 * r)
        for s in scales:
            w = ws0 * s
            h = hs0 * s
            d = base_size * s
            anchors.append([ctr - 0.5 * (w - 1), ctr - 0.5 * (h - 1), ctr + 0.5 * (w - 1), ctr + 0.5 * (h - 1), ctr - 0.5 * (d - 1), ctr + 0.5 * (d - 1)])
    return np.array(anchors, dtype=np.float32)

ANCHORS = generate_anchors_3d()
NUM_ANCHORS = ANCHORS.shape[0]

def setup_inputs(seed: int = 0):
    key = jax.random.key(seed)
    k1, k2 = jax.random.split(key)
    B, A, H, W, D = 2, NUM_ANCHORS, 32, 32, 32
    scores = jax.random.uniform(k1, (B, 2 * A, H, W, D), dtype=jnp.float32)
    bbox_deltas = jax.random.normal(k2, (B, 6 * A, H, W, D), dtype=jnp.float32) * 0.5
    im_info = jnp.ones((B, 3), dtype=jnp.float32) * 256.0
    return {"scores": scores, "bbox_deltas": bbox_deltas, "im_info": im_info}

def bbox_transform_inv(boxes, deltas):
    widths = boxes[..., 2] - boxes[..., 0] + 1.0
    heights = boxes[..., 3] - boxes[..., 1] + 1.0
    depths = boxes[..., 5] - boxes[..., 4] + 1.0
    ctr_x = boxes[..., 0] + 0.5 * widths
    ctr_y = boxes[..., 1] + 0.5 * heights
    ctr_z = boxes[..., 4] + 0.5 * depths
    dx, dy, dz = deltas[..., 0], deltas[..., 1], deltas[..., 2]
    dw, dh, dd = deltas[..., 3], deltas[..., 4], deltas[..., 5]
    pcx = dx * widths + ctr_x
    pcy = dy * heights + ctr_y
    pcz = dz * depths + ctr_z
    pw = jnp.exp(dw) * widths
    ph = jnp.exp(dh) * heights
    pd = jnp.exp(dd) * depths
    return jnp.stack([pcx - 0.5 * pw, pcy - 0.5 * ph, pcx + 0.5 * pw, pcy + 0.5 * ph, pcz - 0.5 * pd, pcz + 0.5 * pd], axis=-1)

def clip_boxes(boxes, im_info):
    h = im_info[:, 0][:, None]
    w = im_info[:, 1][:, None]
    d = im_info[:, 2][:, None]
    x1 = jnp.clip(boxes[..., 0], 0.0, w - 1.0)
    y1 = jnp.clip(boxes[..., 1], 0.0, h - 1.0)
    x2 = jnp.clip(boxes[..., 2], 0.0, w - 1.0)
    y2 = jnp.clip(boxes[..., 3], 0.0, h - 1.0)
    z1 = jnp.clip(boxes[..., 4], 0.0, d - 1.0)
    z2 = jnp.clip(boxes[..., 5], 0.0, d - 1.0)
    return jnp.stack([x1, y1, x2, y2, z1, z2], axis=-1)

def calc_iou(a, b):
    area = (b[:, 2] - b[:, 0]) * (b[:, 3] - b[:, 1]) * (b[:, 5] - b[:, 4])
    iw = jnp.minimum(a[:, 2][:, None], b[None, :, 2]) - jnp.maximum(a[:, 0][:, None], b[None, :, 0])
    ih = jnp.minimum(a[:, 3][:, None], b[None, :, 3]) - jnp.maximum(a[:, 1][:, None], b[None, :, 1])
    idp = jnp.minimum(a[:, 5][:, None], b[None, :, 5]) - jnp.maximum(a[:, 4][:, None], b[None, :, 4])
    iw = jnp.maximum(iw, 0.0)
    ih = jnp.maximum(ih, 0.0)
    idp = jnp.maximum(idp, 0.0)
    area_a = (a[:, 2] - a[:, 0]) * (a[:, 3] - a[:, 1]) * (a[:, 5] - a[:, 4])
    inter = iw * ih * idp
    ua = area_a[:, None] + area[None, :] - inter
    ua = jnp.maximum(ua, 1e-8)
    return inter / ua

def weighted_cluster_nms(boxes, scores):
    n = boxes.shape[0]
    iou = jnp.triu(calc_iou(boxes, boxes), k=1)
    C = iou
    for _ in range(4):
        maxA = C.max(axis=0)
        keep_f = (maxA < NMS_THRESH).astype(jnp.float32)
        C = iou * keep_f[:, None]
    maxA = C.max(axis=0)
    keep = maxA < NMS_THRESH
    weights = (C * (C > NMS_THRESH).astype(jnp.float32) + jnp.eye(n, dtype=jnp.float32)) * scores[None, :]
    wsum = weights.sum(axis=1)
    coords = [(boxes[:, c][None, :] * weights).sum(axis=1) / wsum for c in range(6)]
    new_boxes = jnp.stack(coords, axis=1)
    return new_boxes, keep

def _forward(scores, bbox_deltas, im_info):
    B = scores.shape[0]
    A = NUM_ANCHORS
    sc = scores[:, A:, :, :, :]
    fh, fw, fd = sc.shape[2], sc.shape[3], sc.shape[4]
    shift_x = jnp.arange(fw, dtype=jnp.float32) * FEAT_STRIDE
    shift_y = jnp.arange(fh, dtype=jnp.float32) * FEAT_STRIDE
    shift_z = jnp.arange(fd, dtype=jnp.float32) * FEAT_STRIDE
    sx, sy, sz = jnp.meshgrid(shift_x, shift_y, shift_z)
    shifts = jnp.stack([sx.ravel(), sy.ravel(), sx.ravel(), sy.ravel(), sz.ravel(), sz.ravel()], axis=1)
    K = shifts.shape[0]
    anchors = jnp.asarray(ANCHORS)[None, :, :] + shifts[:, None, :]
    anchors = anchors.reshape(1, K * A, 6)
    anchors = jnp.broadcast_to(anchors, (B, K * A, 6))
    deltas = jnp.transpose(bbox_deltas, (0, 2, 3, 4, 1)).reshape(B, -1, 6)
    sc = jnp.transpose(sc, (0, 2, 3, 4, 1)).reshape(B, -1)
    proposals = clip_boxes(bbox_transform_inv(anchors, deltas), im_info)
    outs = []
    for b in range(B):
        order = jnp.argsort(-sc[b])
        top = order[:PRE_NMS_TOP_N]
        boxes_b = proposals[b][top]
        scores_b = sc[b][top]
        new_boxes, keep = weighted_cluster_nms(boxes_b, scores_b)
        masked = jnp.where(keep, scores_b, -1e9)
        _, idx = jax.lax.top_k(masked, POST_NMS_TOP_N)
        sel = new_boxes[idx]
        bid = jnp.full((POST_NMS_TOP_N, 1), float(b), dtype=jnp.float32)
        outs.append(jnp.concatenate([bid, sel], axis=1))
    return jnp.stack(outs, axis=0)

def reference(scores, bbox_deltas, im_info):
    return _forward(scores, bbox_deltas, im_info)

if __name__ == "__main__":
    import jax
    _d = setup_inputs()
    print(jax.jit(kernel)(*tuple(_d.values())))

</pallas_src>

<mosaic_0001>
module attributes {stable_mosaic.version = 14 : i64} {
  func.func @_select_body(%arg0: i32, %arg1: memref<1x288x1024xf32, #tpu.memory_space<vmem>>, %arg2: memref<1x288x1024xi32, #tpu.memory_space<vmem>>) attributes {dimension_semantics = [#tpu.dimension_semantics<arbitrary>], iteration_bounds = array<i64: 2>, scalar_prefetch = 0 : i64, scratch_operands = 0 : i64, tpu.core_type = #tpu.core_type<tc>, window_params = [{transform_indices = @transform_0, window_bounds = array<i64: 1, 288, 1024>}, {transform_indices = @transform_1, window_bounds = array<i64: 1, 288, 1024>}]} {
    %get3A = arith.constant 0 : index
    %get3A_0 = arith.constant 0 : index
    %get3A_1 = arith.constant 0 : index
    %get3A_2 = vector.load %arg1[%get3A, %get3A_0, %get3A_1] : memref<1x288x1024xf32, #tpu.memory_space<vmem>>, vector<1x288x1024xf32>
    %get3A_3 = vector.shape_cast %get3A_2 : vector<1x288x1024xf32> to vector<288x1024xf32>
    %bitcast_convert_type3A = tpu.bitcast %get3A_3 : vector<288x1024xf32> -> vector<288x1024xi32>
    %lt3A = arith.constant 0 : i32
    %lt3A_4 = vector.broadcast %lt3A : i32 to vector<288x1024xi32>
    %lt3A_5 = arith.cmpi slt, %bitcast_convert_type3A, %lt3A_4 : vector<288x1024xi32>
    %xor3A = arith.constant 2147483647 : i32
    %xor3A_6 = vector.broadcast %xor3A : i32 to vector<288x1024xi32>
    %xor3A_7 = arith.xori %bitcast_convert_type3A, %xor3A_6 : vector<288x1024xi32>
    %select_n3A = arith.select %lt3A_5, %xor3A_7, %bitcast_convert_type3A : vector<288x1024xi1>, vector<288x1024xi32>
    %ge3A = arith.constant 0 : i32
    %ge3A_8 = vector.broadcast %ge3A : i32 to vector<288x1024xi32>
    %ge3A_9 = arith.cmpi sge, %select_n3A, %ge3A_8 : vector<288x1024xi32>
    %convert_element_type3A = arith.extui %ge3A_9 : vector<288x1024xi1> to vector<288x1024xi32>
    %reduce_sum3A = vector.shape_cast %convert_element_type3A : vector<288x1024xi32> to vector<1x288x1024xi32>
    %reduce_sum3A_10 = arith.constant dense<0> : vector<1xi32>
    %reduce_sum3A_11 = vector.multi_reduction <add>, %reduce_sum3A, %reduce_sum3A_10 [1, 2] : vector<1x288x1024xi32> to vector<1xi32>
    %reduce_sum3A_12 = vector.shape_cast %reduce_sum3A_11 : vector<1xi32> to vector<1x1x1xi32>
    %reduce_sum3A_13 = vector.extract %reduce_sum3A_12[0, 0, 0] : i32 from vector<1x1x1xi32>
    %ge3A_14 = arith.constant 1000 : i32
    %ge3A_15 = arith.cmpi sge, %reduce_sum3A_13, %ge3A_14 : i32
    %jit3A = arith.constant 0 : i32
    %jit3A_16 = arith.constant -2147483648 : i32
    %select_n3A_17 = arith.select %ge3A_15, %jit3A, %jit3A_16 : i32
    %jit3A_18 = arith.constant 2147483647 : i32
    %jit3A_19 = arith.constant -1 : i32
    %select_n3A_20 = arith.select %ge3A_15, %jit3A_18, %jit3A_19 : i32
    %scan3A = arith.constant 1000 : i32
    %scan3A_21 = arith.constant 0 : i32
    %scan3A_22 = arith.constant 31 : i32
    %scan3A_23 = arith.addi %scan3A_21, %scan3A_22 : i32
    %scan3A_24 = arith.constant 1 : i32
    %scan3A_25:2 = scf.for %scan3A_56 = %scan3A_21 to %scan3A_23 step %scan3A_24 iter_args(%scan3A_57 = %select_n3A_17, %scan3A_58 = %select_n3A_20) -> (i32, i32)  : i32 {
      %sub3A_59 = arith.subi %scan3A_58, %scan3A_57 : i32
      %jit3A_60 = arith.constant 2 : i32
      %div3A = arith.divsi %sub3A_59, %jit3A_60 : i32
      %sign3A = arith.constant 0 : i32
      %sign3A_61 = arith.cmpi sgt, %sub3A_59, %sign3A : i32
      %sign3A_62 = arith.extui %sign3A_61 : i1 to i32
      %sign3A_63 = arith.constant 0 : i32
      %sign3A_64 = arith.cmpi slt, %sub3A_59, %sign3A_63 : i32
      %sign3A_65 = arith.extui %sign3A_64 : i1 to i32
      %sign3A_66 = arith.subi %sign3A_62, %sign3A_65 : i32
      %sign3A_67 = arith.constant 0 : i32
      %sign3A_68 = arith.cmpi sgt, %jit3A_60, %sign3A_67 : i32
      %sign3A_69 = arith.extui %sign3A_68 : i1 to i32
      %sign3A_70 = arith.constant 0 : i32
      %sign3A_71 = arith.cmpi slt, %jit3A_60, %sign3A_70 : i32
      %sign3A_72 = arith.extui %sign3A_71 : i1 to i32
      %sign3A_73 = arith.subi %sign3A_69, %sign3A_72 : i32
      %ne3A = arith.cmpi ne, %sign3A_66, %sign3A_73 : i32
      %rem3A = arith.remsi %sub3A_59, %jit3A_60 : i32
      %ne3A_74 = arith.constant 0 : i32
      %ne3A_75 = arith.cmpi ne, %rem3A, %ne3A_74 : i32
      %and3A_76 = arith.andi %ne3A, %ne3A_75 : i1
      %sub3A_77 = arith.constant 1 : i32
      %sub3A_78 = arith.subi %div3A, %sub3A_77 : i32
      %select_n3A_79 = arith.select %and3A_76, %sub3A_78, %div3A : i32
      %add3A_80 = arith.addi %scan3A_57, %select_n3A_79 : i32
      %add3A_81 = arith.constant 1 : i32
      %add3A_82 = arith.addi %add3A_80, %add3A_81 : i32
      %ge3A_83 = vector.broadcast %add3A_82 : i32 to vector<288x1024xi32>
      %ge3A_84 = arith.cmpi sge, %select_n3A, %ge3A_83 : vector<288x1024xi32>
      %convert_element_type3A_85 = arith.extui %ge3A_84 : vector<288x1024xi1> to vector<288x1024xi32>
      %reduce_sum3A_86 = vector.shape_cast %convert_element_type3A_85 : vector<288x1024xi32> to vector<1x288x1024xi32>
      %reduce_sum3A_87 = arith.constant dense<0> : vector<1xi32>
      %reduce_sum3A_88 = vector.multi_reduction <add>, %reduce_sum3A_86, %reduce_sum3A_87 [1, 2] : vector<1x288x1024xi32> to vector<1xi32>
      %reduce_sum3A_89 = vector.shape_cast %reduce_sum3A_88 : vector<1xi32> to vector<1x1x1xi32>
      %reduce_sum3A_90 = vector.extract %reduce_sum3A_89[0, 0, 0] : i32 from vector<1x1x1xi32>
      %ge3A_91 = arith.cmpi sge, %reduce_sum3A_90, %scan3A : i32
      %add3A_92 = arith.constant 1 : i32
      %add3A_93 = arith.addi %add3A_80, %add3A_92 : i32
      %select_n3A_94 = arith.select %ge3A_91, %add3A_93, %scan3A_57 : i32
      %select_n3A_95 = arith.select %ge3A_91, %scan3A_58, %add3A_80 : i32
      scf.yield %select_n3A_94, %select_n3A_95 : i32, i32
    }
    %add3A = arith.constant 1 : i32
    %add3A_26 = arith.addi %scan3A_25#0, %add3A : i32
    %ge3A_27 = vector.broadcast %add3A_26 : i32 to vector<288x1024xi32>
    %ge3A_28 = arith.cmpi sge, %select_n3A, %ge3A_27 : vector<288x1024xi32>
    %convert_element_type3A_29 = arith.extui %ge3A_28 : vector<288x1024xi1> to vector<288x1024xi32>
    %reduce_sum3A_30 = vector.shape_cast %convert_element_type3A_29 : vector<288x1024xi32> to vector<1x288x1024xi32>
    %reduce_sum3A_31 = arith.constant dense<0> : vector<1xi32>
    %reduce_sum3A_32 = vector.multi_reduction <add>, %reduce_sum3A_30, %reduce_sum3A_31 [1, 2] : vector<1x288x1024xi32> to vector<1xi32>
    %reduce_sum3A_33 = vector.shape_cast %reduce_sum3A_32 : vector<1xi32> to vector<1x1x1xi32>
    %reduce_sum3A_34 = vector.extract %reduce_sum3A_33[0, 0, 0] : i32 from vector<1x1x1xi32>
    %sub3A = arith.constant 1000 : i32
    %sub3A_35 = arith.subi %sub3A, %reduce_sum3A_34 : i32
    %iota3A = tpu.iota {dimensions = array<i32: 0>} : vector<288x1024xi32>
    %iota3A_36 = tpu.iota {dimensions = array<i32: 1>} : vector<288x1024xi32>
    %mul3A = arith.constant 1024 : i32
    %mul3A_37 = vector.broadcast %mul3A : i32 to vector<288x1024xi32>
    %mul3A_38 = arith.muli %iota3A, %mul3A_37 : vector<288x1024xi32>
    %add3A_39 = arith.addi %mul3A_38, %iota3A_36 : vector<288x1024xi32>
    %eq3A = vector.broadcast %scan3A_25#0 : i32 to vector<288x1024xi32>
    %eq3A_40 = arith.cmpi eq, %select_n3A, %eq3A : vector<288x1024xi32>
    %scan3A_41 = arith.constant 0 : i32
    %scan3A_42 = arith.constant 294911 : i32
    %scan3A_43 = arith.constant 0 : i32
    %scan3A_44 = arith.constant 19 : i32
    %scan3A_45 = arith.addi %scan3A_43, %scan3A_44 : i32
    %scan3A_46 = arith.constant 1 : i32
    %scan3A_47:2 = scf.for %scan3A_56 = %scan3A_43 to %scan3A_45 step %scan3A_46 iter_args(%scan3A_57 = %scan3A_41, %scan3A_58 = %scan3A_42) -> (i32, i32)  : i32 {
      %sub3A_59 = arith.subi %scan3A_58, %scan3A_57 : i32
      %jit3A_60 = arith.constant 2 : i32
      %div3A = arith.divsi %sub3A_59, %jit3A_60 : i32
      %sign3A = arith.constant 0 : i32
      %sign3A_61 = arith.cmpi sgt, %sub3A_59, %sign3A : i32
      %sign3A_62 = arith.extui %sign3A_61 : i1 to i32
      %sign3A_63 = arith.constant 0 : i32
      %sign3A_64 = arith.cmpi slt, %sub3A_59, %sign3A_63 : i32
      %sign3A_65 = arith.extui %sign3A_64 : i1 to i32
      %sign3A_66 = arith.subi %sign3A_62, %sign3A_65 : i32
      %sign3A_67 = arith.constant 0 : i32
      %sign3A_68 = arith.cmpi sgt, %jit3A_60, %sign3A_67 : i32
      %sign3A_69 = arith.extui %sign3A_68 : i1 to i32
      %sign3A_70 = arith.constant 0 : i32
      %sign3A_71 = arith.cmpi slt, %jit3A_60, %sign3A_70 : i32
      %sign3A_72 = arith.extui %sign3A_71 : i1 to i32
      %sign3A_73 = arith.subi %sign3A_69, %sign3A_72 : i32
      %ne3A = arith.cmpi ne, %sign3A_66, %sign3A_73 : i32
      %rem3A = arith.remsi %sub3A_59, %jit3A_60 : i32
      %ne3A_74 = arith.constant 0 : i32
      %ne3A_75 = arith.cmpi ne, %rem3A, %ne3A_74 : i32
      %and3A_76 = arith.andi %ne3A, %ne3A_75 : i1
      %sub3A_77 = arith.constant 1 : i32
      %sub3A_78 = arith.subi %div3A, %sub3A_77 : i32
      %select_n3A_79 = arith.select %and3A_76, %sub3A_78, %div3A : i32
      %add3A_80 = arith.addi %scan3A_57, %select_n3A_79 : i32
      %le3A_81 = vector.broadcast %add3A_80 : i32 to vector<288x1024xi32>
      %le3A_82 = arith.cmpi sle, %add3A_39, %le3A_81 : vector<288x1024xi32>
      %and3A_83 = arith.andi %eq3A_40, %le3A_82 : vector<288x1024xi1>
      %convert_element_type3A_84 = arith.extui %and3A_83 : vector<288x1024xi1> to vector<288x1024xi32>
      %reduce_sum3A_85 = vector.shape_cast %convert_element_type3A_84 : vector<288x1024xi32> to vector<1x288x1024xi32>
      %reduce_sum3A_86 = arith.constant dense<0> : vector<1xi32>
      %reduce_sum3A_87 = vector.multi_reduction <add>, %reduce_sum3A_85, %reduce_sum3A_86 [1, 2] : vector<1x288x1024xi32> to vector<1xi32>
      %reduce_sum3A_88 = vector.shape_cast %reduce_sum3A_87 : vector<1xi32> to vector<1x1x1xi32>
      %reduce_sum3A_89 = vector.extract %reduce_sum3A_88[0, 0, 0] : i32 from vector<1x1x1xi32>
      %ge3A_90 = arith.cmpi sge, %reduce_sum3A_89, %sub3A_35 : i32
      %add3A_91 = arith.constant 1 : i32
      %add3A_92 = arith.addi %add3A_80, %add3A_91 : i32
      %select_n3A_93 = arith.select %ge3A_90, %scan3A_57, %add3A_92 : i32
      %select_n3A_94 = arith.select %ge3A_90, %add3A_80, %scan3A_58 : i32
      scf.yield %select_n3A_93, %select_n3A_94 : i32, i32
    }
    %gt3A = vector.broadcast %scan3A_25#0 : i32 to vector<288x1024xi32>
    %gt3A_48 = arith.cmpi sgt, %select_n3A, %gt3A : vector<288x1024xi32>
    %le3A = vector.broadcast %scan3A_47#0 : i32 to vector<288x1024xi32>
    %le3A_49 = arith.cmpi sle, %add3A_39, %le3A : vector<288x1024xi32>
    %and3A = arith.andi %eq3A_40, %le3A_49 : vector<288x1024xi1>
    %or3A = arith.ori %gt3A_48, %and3A : vector<288x1024xi1>
    %convert_element_type3A_50 = arith.extui %or3A : vector<288x1024xi1> to vector<288x1024xi32>
    %swap3A = arith.constant 0 : index
    %swap3A_51 = arith.constant 0 : index
    %swap3A_52 = arith.constant 0 : index
    %swap3A_53 = vector.load %arg2[%swap3A, %swap3A_51, %swap3A_52] : memref<1x288x1024xi32, #tpu.memory_space<vmem>>, vector<1x288x1024xi32>
    %swap3A_54 = vector.shape_cast %swap3A_53 : vector<1x288x1024xi32> to vector<288x1024xi32>
    %swap3A_55 = vector.shape_cast %convert_element_type3A_50 : vector<288x1024xi32> to vector<1x288x1024xi32>
    tpu.vector_store %arg2[%swap3A, %swap3A_51, %swap3A_52], %swap3A_55 {strides = array<i32>} : memref<1x288x1024xi32, #tpu.memory_space<vmem>>, vector<1x288x1024xi32>,
    return
  }
  func.func @transform_0(%arg0: i32) -> (i32, i32, i32) {
    %c0_i32 = arith.constant 0 : i32
    %c0_i32_0 = arith.constant 0 : i32
    %c0_i32_1 = arith.constant 0 : i32
    return %arg0, %c0_i32, %c0_i32_0 : i32, i32, i32
  }
  func.func @transform_1(%arg0: i32) -> (i32, i32, i32) {
    %c0_i32 = arith.constant 0 : i32
    %c0_i32_0 = arith.constant 0 : i32
    %c0_i32_1 = arith.constant 0 : i32
    return %arg0, %c0_i32, %c0_i32_0 : i32, i32, i32
  }
}

module attributes {stable_mosaic.version = 14 : i64} {
  func.func @_nms_body(%arg0: i32, %arg1: memref<1x8x1024xf32, #tpu.memory_space<vmem>>, %arg2: memref<1x8x1024xf32, #tpu.memory_space<vmem>>, %arg3: memref<1x1x1024xf32, #tpu.memory_space<vmem>>, %arg4: memref<1x1x3xf32, #tpu.memory_space<vmem>>, %arg5: memref<1x8x1024xf32, #tpu.memory_space<vmem>>, %arg6: memref<1x1x1024xf32, #tpu.memory_space<vmem>>) attributes {dimension_semantics = [#tpu.dimension_semantics<arbitrary>], iteration_bounds = array<i64: 2>, scalar_prefetch = 0 : i64, scratch_operands = 0 : i64, tpu.core_type = #tpu.core_type<tc>, window_params = [{transform_indices = @transform_0, window_bounds = array<i64: 1, 8, 1024>}, {transform_indices = @transform_1, window_bounds = array<i64: 1, 8, 1024>}, {transform_indices = @transform_2, window_bounds = array<i64: 1, 1, 1024>}, {transform_indices = @transform_3, window_bounds = array<i64: 1, 1, 3>}, {transform_indices = @transform_4, window_bounds = array<i64: 1, 8, 1024>}, {transform_indices = @transform_5, window_bounds = array<i64: 1, 1, 1024>}]} {
    %get3A = arith.constant 0 : index
    %get3A_0 = arith.constant 0 : index
    %get3A_1 = arith.constant 0 : index
    %get3A_2 = vector.load %arg1[%get3A, %get3A_0, %get3A_1] : memref<1x8x1024xf32, #tpu.memory_space<vmem>>, vector<1x8x1024xf32>
    %get3A_3 = vector.shape_cast %get3A_2 : vector<1x8x1024xf32> to vector<8x1024xf32>
    %get3A_4 = arith.constant 0 : index
    %get3A_5 = arith.constant 0 : index
    %get3A_6 = arith.constant 0 : index
    %get3A_7 = vector.load %arg2[%get3A_4, %get3A_5, %get3A_6] : memref<1x8x1024xf32, #tpu.memory_space<vmem>>, vector<1x8x1024xf32>
    %get3A_8 = vector.shape_cast %get3A_7 : vector<1x8x1024xf32> to vector<8x1024xf32>
    %get3A_9 = arith.constant 0 : index
    %get3A_10 = arith.constant 0 : index
    %get3A_11 = arith.constant 0 : index
    %get3A_12 = vector.load %arg3[%get3A_9, %get3A_10, %get3A_11] : memref<1x1x1024xf32, #tpu.memory_space<vmem>>, vector<1x1x1024xf32>
    %get3A_13 = vector.shape_cast %get3A_12 : vector<1x1x1024xf32> to vector<1x1024xf32>
    %squeeze3A = vector.shape_cast %get3A_13 : vector<1x1024xf32> to vector<1024xf32>
    %get3A_14 = arith.constant 0 : index
    %get3A_15 = arith.constant 0 : index
    %get3A_16 = arith.constant 0 : index
    %get3A_17 = vector.load %arg4[%get3A_14, %get3A_15, %get3A_16] : memref<1x1x3xf32, #tpu.memory_space<vmem>>, vector<1x1x1xf32>
    %get3A_18 = vector.extract %get3A_17[0, 0, 0] : f32 from vector<1x1x1xf32>
    %get3A_19 = arith.constant 0 : index
    %get3A_20 = arith.constant 0 : index
    %get3A_21 = arith.constant 1 : index
    %get3A_22 = vector.load %arg4[%get3A_19, %get3A_20, %get3A_21] : memref<1x1x3xf32, #tpu.memory_space<vmem>>, vector<1x1x1xf32>
    %get3A_23 = vector.extract %get3A_22[0, 0, 0] : f32 from vector<1x1x1xf32>
    %get3A_24 = arith.constant 0 : index
    %get3A_25 = arith.constant 0 : index
    %get3A_26 = arith.constant 2 : index
    %get3A_27 = vector.load %arg4[%get3A_24, %get3A_25, %get3A_26] : memref<1x1x3xf32, #tpu.memory_space<vmem>>, vector<1x1x1xf32>
    %get3A_28 = vector.extract %get3A_27[0, 0, 0] : f32 from vector<1x1x1xf32>
    %slice3A = vector.extract_strided_slice %get3A_3 {offsets = [2, 0], sizes = [1, 1024], strides = [1, 1]} : vector<8x1024xf32> to vector<1x1024xf32>
    %squeeze3A_29 = vector.shape_cast %slice3A : vector<1x1024xf32> to vector<1024xf32>
    %slice3A_30 = vector.extract_strided_slice %get3A_3 {offsets = [0, 0], sizes = [1, 1024], strides = [1, 1]} : vector<8x1024xf32> to vector<1x1024xf32>
    %squeeze3A_31 = vector.shape_cast %slice3A_30 : vector<1x1024xf32> to vector<1024xf32>
    %sub3A = arith.subf %squeeze3A_29, %squeeze3A_31 : vector<1024xf32>
    %add3A = arith.constant 1.000000e+00 : f32
    %add3A_32 = vector.broadcast %add3A : f32 to vector<1024xf32>
    %add3A_33 = arith.addf %sub3A, %add3A_32 : vector<1024xf32>
    %slice3A_34 = vector.extract_strided_slice %get3A_3 {offsets = [3, 0], sizes = [1, 1024], strides = [1, 1]} : vector<8x1024xf32> to vector<1x1024xf32>
    %squeeze3A_35 = vector.shape_cast %slice3A_34 : vector<1x1024xf32> to vector<1024xf32>
    %slice3A_36 = vector.extract_strided_slice %get3A_3 {offsets = [1, 0], sizes = [1, 1024], strides = [1, 1]} : vector<8x1024xf32> to vector<1x1024xf32>
    %squeeze3A_37 = vector.shape_cast %slice3A_36 : vector<1x1024xf32> to vector<1024xf32>
    %sub3A_38 = arith.subf %squeeze3A_35, %squeeze3A_37 : vector<1024xf32>
    %add3A_39 = arith.constant 1.000000e+00 : f32
    %add3A_40 = vector.broadcast %add3A_39 : f32 to vector<1024xf32>
    %add3A_41 = arith.addf %sub3A_38, %add3A_40 : vector<1024xf32>
    %slice3A_42 = vector.extract_strided_slice %get3A_3 {offsets = [5, 0], sizes = [1, 1024], strides = [1, 1]} : vector<8x1024xf32> to vector<1x1024xf32>
    %squeeze3A_43 = vector.shape_cast %slice3A_42 : vector<1x1024xf32> to vector<1024xf32>
    %slice3A_44 = vector.extract_strided_slice %get3A_3 {offsets = [4, 0], sizes = [1, 1024], strides = [1, 1]} : vector<8x1024xf32> to vector<1x1024xf32>
    %squeeze3A_45 = vector.shape_cast %slice3A_44 : vector<1x1024xf32> to vector<1024xf32>
    %sub3A_46 = arith.subf %squeeze3A_43, %squeeze3A_45 : vector<1024xf32>
    %add3A_47 = arith.constant 1.000000e+00 : f32
    %add3A_48 = vector.broadcast %add3A_47 : f32 to vector<1024xf32>
    %add3A_49 = arith.addf %sub3A_46, %add3A_48 : vector<1024xf32>
    %slice3A_50 = vector.extract_strided_slice %get3A_3 {offsets = [0, 0], sizes = [1, 1024], strides = [1, 1]} : vector<8x1024xf32> to vector<1x1024xf32>
    %squeeze3A_51 = vector.shape_cast %slice3A_50 : vector<1x1024xf32> to vector<1024xf32>
    %mul3A = arith.constant 5.000000e-01 : f32
    %mul3A_52 = vector.broadcast %mul3A : f32 to vector<1024xf32>
    %mul3A_53 = arith.mulf %mul3A_52, %add3A_33 : vector<1024xf32>
    %add3A_54 = arith.addf %squeeze3A_51, %mul3A_53 : vector<1024xf32>
    %slice3A_55 = vector.extract_strided_slice %get3A_3 {offsets = [1, 0], sizes = [1, 1024], strides = [1, 1]} : vector<8x1024xf32> to vector<1x1024xf32>
    %squeeze3A_56 = vector.shape_cast %slice3A_55 : vector<1x1024xf32> to vector<1024xf32>
    %mul3A_57 = arith.constant 5.000000e-01 : f32
    %mul3A_58 = vector.broadcast %mul3A_57 : f32 to vector<1024xf32>
    %mul3A_59 = arith.mulf %mul3A_58, %add3A_41 : vector<1024xf32>
    %add3A_60 = arith.addf %squeeze3A_56, %mul3A_59 : vector<1024xf32>
    %slice3A_61 = vector.extract_strided_slice %get3A_3 {offsets = [4, 0], sizes = [1, 1024], strides = [1, 1]} : vector<8x1024xf32> to vector<1x1024xf32>
    %squeeze3A_62 = vector.shape_cast %slice3A_61 : vector<1x1024xf32> to vector<1024xf32>
    %mul3A_63 = arith.constant 5.000000e-01 : f32
    %mul3A_64 = vector.broadcast %mul3A_63 : f32 to vector<1024xf32>
    %mul3A_65 = arith.mulf %mul3A_64, %add3A_49 : vector<1024xf32>
    %add3A_66 = arith.addf %squeeze3A_62, %mul3A_65 : vector<1024xf32>
    %slice3A_67 = vector.extract_strided_slice %get3A_8 {offsets = [0, 0], sizes = [1, 1024], strides = [1, 1]} : vector<8x1024xf32> to vector<1x1024xf32>
    %squeeze3A_68 = vector.shape_cast %slice3A_67 : vector<1x1024xf32> to vector<1024xf32>
    %mul3A_69 = arith.mulf %squeeze3A_68, %add3A_33 : vector<1024xf32>
    %add3A_70 = arith.addf %mul3A_69, %add3A_54 : vector<1024xf32>
    %slice3A_71 = vector.extract_strided_slice %get3A_8 {offsets = [1, 0], sizes = [1, 1024], strides = [1, 1]} : vector<8x1024xf32> to vector<1x1024xf32>
    %squeeze3A_72 = vector.shape_cast %slice3A_71 : vector<1x1024xf32> to vector<1024xf32>
    %mul3A_73 = arith.mulf %squeeze3A_72, %add3A_41 : vector<1024xf32>
    %add3A_74 = arith.addf %mul3A_73, %add3A_60 : vector<1024xf32>
    %slice3A_75 = vector.extract_strided_slice %get3A_8 {offsets = [2, 0], sizes = [1, 1024], strides = [1, 1]} : vector<8x1024xf32> to vector<1x1024xf32>
    %squeeze3A_76 = vector.shape_cast %slice3A_75 : vector<1x1024xf32> to vector<1024xf32>
    %mul3A_77 = arith.mulf %squeeze3A_76, %add3A_49 : vector<1024xf32>
    %add3A_78 = arith.addf %mul3A_77, %add3A_66 : vector<1024xf32>
    %slice3A_79 = vector.extract_strided_slice %get3A_8 {offsets = [3, 0], sizes = [1, 1024], strides = [1, 1]} : vector<8x1024xf32> to vector<1x1024xf32>
    %squeeze3A_80 = vector.shape_cast %slice3A_79 : vector<1x1024xf32> to vector<1024xf32>
    %exp3A = math.exp %squeeze3A_80 : vector<1024xf32>
    %mul3A_81 = arith.mulf %exp3A, %add3A_33 : vector<1024xf32>
    %slice3A_82 = vector.extract_strided_slice %get3A_8 {offsets = [4, 0], sizes = [1, 1024], strides = [1, 1]} : vector<8x1024xf32> to vector<1x1024xf32>
    %squeeze3A_83 = vector.shape_cast %slice3A_82 : vector<1x1024xf32> to vector<1024xf32>
    %exp3A_84 = math.exp %squeeze3A_83 : vector<1024xf32>
    %mul3A_85 = arith.mulf %exp3A_84, %add3A_41 : vector<1024xf32>
    %slice3A_86 = vector.extract_strided_slice %get3A_8 {offsets = [5, 0], sizes = [1, 1024], strides = [1, 1]} : vector<8x1024xf32> to vector<1x1024xf32>
    %squeeze3A_87 = vector.shape_cast %slice3A_86 : vector<1x1024xf32> to vector<1024xf32>
    %exp3A_88 = math.exp %squeeze3A_87 : vector<1024xf32>
    %mul3A_89 = arith.mulf %exp3A_88, %add3A_49 : vector<1024xf32>
    %mul3A_90 = arith.constant 5.000000e-01 : f32
    %mul3A_91 = vector.broadcast %mul3A_90 : f32 to vector<1024xf32>
    %mul3A_92 = arith.mulf %mul3A_91, %mul3A_81 : vector<1024xf32>
    %sub3A_93 = arith.subf %add3A_70, %mul3A_92 : vector<1024xf32>
    %sub3A_94 = arith.constant 1.000000e+00 : f32
    %sub3A_95 = arith.subf %get3A_23, %sub3A_94 : f32
    %jit3A = arith.constant 0.000000e+00 : f32
    %max3A = vector.broadcast %jit3A : f32 to vector<1024xf32>
    %max3A_96 = arith.maximumf %max3A, %sub3A_93 : vector<1024xf32>
    %min3A = vector.broadcast %sub3A_95 : f32 to vector<1024xf32>
    %min3A_97 = arith.minimumf %min3A, %max3A_96 : vector<1024xf32>
    %mul3A_98 = arith.constant 5.000000e-01 : f32
    %mul3A_99 = vector.broadcast %mul3A_98 : f32 to vector<1024xf32>
    %mul3A_100 = arith.mulf %mul3A_99, %mul3A_85 : vector<1024xf32>
    %sub3A_101 = arith.subf %add3A_74, %mul3A_100 : vector<1024xf32>
    %sub3A_102 = arith.constant 1.000000e+00 : f32
    %sub3A_103 = arith.subf %get3A_18, %sub3A_102 : f32
    %jit3A_104 = arith.constant 0.000000e+00 : f32
    %max3A_105 = vector.broadcast %jit3A_104 : f32 to vector<1024xf32>
    %max3A_106 = arith.maximumf %max3A_105, %sub3A_101 : vector<1024xf32>
    %min3A_107 = vector.broadcast %sub3A_103 : f32 to vector<1024xf32>
    %min3A_108 = arith.minimumf %min3A_107, %max3A_106 : vector<1024xf32>
    %mul3A_109 = arith.constant 5.000000e-01 : f32
    %mul3A_110 = vector.broadcast %mul3A_109 : f32 to vector<1024xf32>
    %mul3A_111 = arith.mulf %mul3A_110, %mul3A_81 : vector<1024xf32>
    %add3A_112 = arith.addf %add3A_70, %mul3A_111 : vector<1024xf32>
    %sub3A_113 = arith.constant 1.000000e+00 : f32
    %sub3A_114 = arith.subf %get3A_23, %sub3A_113 : f32
    %jit3A_115 = arith.constant 0.000000e+00 : f32
    %max3A_116 = vector.broadcast %jit3A_115 : f32 to vector<1024xf32>
    %max3A_117 = arith.maximumf %max3A_116, %add3A_112 : vector<1024xf32>
    %min3A_118 = vector.broadcast %sub3A_114 : f32 to vector<1024xf32>
    %min3A_119 = arith.minimumf %min3A_118, %max3A_117 : vector<1024xf32>
    %mul3A_120 = arith.constant 5.000000e-01 : f32
    %mul3A_121 = vector.broadcast %mul3A_120 : f32 to vector<1024xf32>
    %mul3A_122 = arith.mulf %mul3A_121, %mul3A_85 : vector<1024xf32>
    %add3A_123 = arith.addf %add3A_74, %mul3A_122 : vector<1024xf32>
    %sub3A_124 = arith.constant 1.000000e+00 : f32
    %sub3A_125 = arith.subf %get3A_18, %sub3A_124 : f32
    %jit3A_126 = arith.constant 0.000000e+00 : f32
    %max3A_127 = vector.broadcast %jit3A_126 : f32 to vector<1024xf32>
    %max3A_128 = arith.maximumf %max3A_127, %add3A_123 : vector<1024xf32>
    %min3A_129 = vector.broadcast %sub3A_125 : f32 to vector<1024xf32>
    %min3A_130 = arith.minimumf %min3A_129, %max3A_128 : vector<1024xf32>
    %mul3A_131 = arith.constant 5.000000e-01 : f32
    %mul3A_132 = vector.broadcast %mul3A_131 : f32 to vector<1024xf32>
    %mul3A_133 = arith.mulf %mul3A_132, %mul3A_89 : vector<1024xf32>
    %sub3A_134 = arith.subf %add3A_78, %mul3A_133 : vector<1024xf32>
    %sub3A_135 = arith.constant 1.000000e+00 : f32
    %sub3A_136 = arith.subf %get3A_28, %sub3A_135 : f32
    %jit3A_137 = arith.constant 0.000000e+00 : f32
    %max3A_138 = vector.broadcast %jit3A_137 : f32 to vector<1024xf32>
    %max3A_139 = arith.maximumf %max3A_138, %sub3A_134 : vector<1024xf32>
    %min3A_140 = vector.broadcast %sub3A_136 : f32 to vector<1024xf32>
    %min3A_141 = arith.minimumf %min3A_140, %max3A_139 : vector<1024xf32>
    %mul3A_142 = arith.constant 5.000000e-01 : f32
    %mul3A_143 = vector.broadcast %mul3A_142 : f32 to vector<1024xf32>
    %mul3A_144 = arith.mulf %mul3A_143, %mul3A_89 : vector<1024xf32>
    %add3A_145 = arith.addf %add3A_78, %mul3A_144 : vector<1024xf32>
    %sub3A_146 = arith.constant 1.000000e+00 : f32
    %sub3A_147 = arith.subf %get3A_28, %sub3A_146 : f32
    %jit3A_148 = arith.constant 0.000000e+00 : f32
    %max3A_149 = vector.broadcast %jit3A_148 : f32 to vector<1024xf32>
    %max3A_150 = arith.maximumf %max3A_149, %add3A_145 : vector<1024xf32>
    %min3A_151 = vector.broadcast %sub3A_147 : f32 to vector<1024xf32>
    %min3A_152 = arith.minimumf %min3A_151, %max3A_150 : vector<1024xf32>
    %sub3A_153 = arith.subf %min3A_119, %min3A_97 : vector<1024xf32>
    %sub3A_154 = arith.subf %min3A_130, %min3A_108 : vector<1024xf32>
    %mul3A_155 = arith.mulf %sub3A_153, %sub3A_154 : vector<1024xf32>
    %sub3A_156 = arith.subf %min3A_152, %min3A_141 : vector<1024xf32>
    %mul3A_157 = arith.mulf %mul3A_155, %sub3A_156 : vector<1024xf32>
    %broadcast_in_dim3A = vector.shape_cast %min3A_119 : vector<1024xf32> to vector<1024x1xf32>
    %broadcast_in_dim3A_158 = vector.shape_cast %min3A_119 : vector<1024xf32> to vector<1x1024xf32>
    %min3A_159 = vector.broadcast %broadcast_in_dim3A : vector<1024x1xf32> to vector<1024x1024xf32>
    %min3A_160 = vector.broadcast %broadcast_in_dim3A_158 : vector<1x1024xf32> to vector<1024x1024xf32>
    %min3A_161 = arith.minimumf %min3A_159, %min3A_160 : vector<1024x1024xf32>
    %broadcast_in_dim3A_162 = vector.shape_cast %min3A_97 : vector<1024xf32> to vector<1024x1xf32>
    %broadcast_in_dim3A_163 = vector.shape_cast %min3A_97 : vector<1024xf32> to vector<1x1024xf32>
    %max3A_164 = vector.broadcast %broadcast_in_dim3A_162 : vector<1024x1xf32> to vector<1024x1024xf32>
    %max3A_165 = vector.broadcast %broadcast_in_dim3A_163 : vector<1x1024xf32> to vector<1024x1024xf32>
    %max3A_166 = arith.maximumf %max3A_164, %max3A_165 : vector<1024x1024xf32>
    %sub3A_167 = arith.subf %min3A_161, %max3A_166 : vector<1024x1024xf32>
    %max3A_168 = arith.constant 0.000000e+00 : f32
    %max3A_169 = vector.broadcast %max3A_168 : f32 to vector<1024x1024xf32>
    %max3A_170 = arith.maximumf %sub3A_167, %max3A_169 : vector<1024x1024xf32>
    %broadcast_in_dim3A_171 = vector.shape_cast %min3A_130 : vector<1024xf32> to vector<1024x1xf32>
    %broadcast_in_dim3A_172 = vector.shape_cast %min3A_130 : vector<1024xf32> to vector<1x1024xf32>
    %min3A_173 = vector.broadcast %broadcast_in_dim3A_171 : vector<1024x1xf32> to vector<1024x1024xf32>
    %min3A_174 = vector.broadcast %broadcast_in_dim3A_172 : vector<1x1024xf32> to vector<1024x1024xf32>
    %min3A_175 = arith.minimumf %min3A_173, %min3A_174 : vector<1024x1024xf32>
    %broadcast_in_dim3A_176 = vector.shape_cast %min3A_108 : vector<1024xf32> to vector<1024x1xf32>
    %broadcast_in_dim3A_177 = vector.shape_cast %min3A_108 : vector<1024xf32> to vector<1x1024xf32>
    %max3A_178 = vector.broadcast %broadcast_in_dim3A_176 : vector<1024x1xf32> to vector<1024x1024xf32>
    %max3A_179 = vector.broadcast %broadcast_in_dim3A_177 : vector<1x1024xf32> to vector<1024x1024xf32>
    %max3A_180 = arith.maximumf %max3A_178, %max3A_179 : vector<1024x1024xf32>
    %sub3A_181 = arith.subf %min3A_175, %max3A_180 : vector<1024x1024xf32>
    %max3A_182 = arith.constant 0.000000e+00 : f32
    %max3A_183 = vector.broadcast %max3A_182 : f32 to vector<1024x1024xf32>
    %max3A_184 = arith.maximumf %sub3A_181, %max3A_183 : vector<1024x1024xf32>
    %broadcast_in_dim3A_185 = vector.shape_cast %min3A_152 : vector<1024xf32> to vector<1024x1xf32>
    %broadcast_in_dim3A_186 = vector.shape_cast %min3A_152 : vector<1024xf32> to vector<1x1024xf32>
    %min3A_187 = vector.broadcast %broadcast_in_dim3A_185 : vector<1024x1xf32> to vector<1024x1024xf32>
    %min3A_188 = vector.broadcast %broadcast_in_dim3A_186 : vector<1x1024xf32> to vector<1024x1024xf32>
    %min3A_189 = arith.minimumf %min3A_187, %min3A_188 : vector<1024x1024xf32>
    %broadcast_in_dim3A_190 = vector.shape_cast %min3A_141 : vector<1024xf32> to vector<1024x1xf32>
    %broadcast_in_dim3A_191 = vector.shape_cast %min3A_141 : vector<1024xf32> to vector<1x1024xf32>
    %max3A_192 = vector.broadcast %broadcast_in_dim3A_190 : vector<1024x1xf32> to vector<1024x1024xf32>
    %max3A_193 = vector.broadcast %broadcast_in_dim3A_191 : vector<1x1024xf32> to vector<1024x1024xf32>
    %max3A_194 = arith.maximumf %max3A_192, %max3A_193 : vector<1024x1024xf32>
    %sub3A_195 = arith.subf %min3A_189, %max3A_194 : vector<1024x1024xf32>
    %max3A_196 = arith.constant 0.000000e+00 : f32
    %max3A_197 = vector.broadcast %max3A_196 : f32 to vector<1024x1024xf32>
    %max3A_198 = arith.maximumf %sub3A_195, %max3A_197 : vector<1024x1024xf32>
    %mul3A_199 = arith.mulf %max3A_170, %max3A_184 : vector<1024x1024xf32>
    %mul3A_200 = arith.mulf %mul3A_199, %max3A_198 : vector<1024x1024xf32>
    %broadcast_in_dim3A_201 = vector.shape_cast %mul3A_157 : vector<1024xf32> to vector<1024x1xf32>
    %broadcast_in_dim3A_202 = vector.shape_cast %mul3A_157 : vector<1024xf32> to vector<1x1024xf32>
    %add3A_203 = vector.broadcast %broadcast_in_dim3A_201 : vector<1024x1xf32> to vector<1024x1024xf32>
    %add3A_204 = vector.broadcast %broadcast_in_dim3A_202 : vector<1x1024xf32> to vector<1024x1024xf32>
    %add3A_205 = arith.addf %add3A_203, %add3A_204 : vector<1024x1024xf32>
    %sub3A_206 = arith.subf %add3A_205, %mul3A_200 : vector<1024x1024xf32>
    %max3A_207 = arith.constant 9.99999993E-9 : f32
    %max3A_208 = vector.broadcast %max3A_207 : f32 to vector<1024x1024xf32>
    %max3A_209 = arith.maximumf %sub3A_206, %max3A_208 : vector<1024x1024xf32>
    %div3A = arith.divf %mul3A_200, %max3A_209 : vector<1024x1024xf32>
    %iota3A = tpu.iota {dimensions = array<i32: 0>} : vector<1024x1024xi32>
    %iota3A_210 = tpu.iota {dimensions = array<i32: 1>} : vector<1024x1024xi32>
    %gt3A = arith.cmpi sgt, %iota3A_210, %iota3A : vector<1024x1024xi32>
    %jit3A_211 = arith.constant 0.000000e+00 : f32
    %broadcast_in_dim3A_212 = vector.broadcast %jit3A_211 : f32 to vector<1024x1024xf32>
    %select_n3A = arith.select %gt3A, %div3A, %broadcast_in_dim3A_212 : vector<1024x1024xi1>, vector<1024x1024xf32>
    %reduce_max3A = arith.constant dense<0xFF800000> : vector<1024xf32>
    %reduce_max3A_213 = vector.multi_reduction <maximumf>, %select_n3A, %reduce_max3A [0] : vector<1024x1024xf32> to vector<1024xf32>
    %lt3A = arith.constant 0.699999988 : f32
    %lt3A_214 = vector.broadcast %lt3A : f32 to vector<1024xf32>
    %lt3A_215 = arith.cmpf olt, %reduce_max3A_213, %lt3A_214 : vector<1024xf32>
    %convert_element_type3A = arith.extui %lt3A_215 : vector<1024xi1> to vector<1024xi32>
    %convert_element_type3A_216 = arith.sitofp %convert_element_type3A : vector<1024xi32> to vector<1024xf32>
    %broadcast_in_dim3A_217 = vector.shape_cast %convert_element_type3A_216 : vector<1024xf32> to vector<1024x1xf32>
    %mul3A_218 = vector.broadcast %broadcast_in_dim3A_217 : vector<1024x1xf32> to vector<1024x1024xf32>
    %mul3A_219 = arith.mulf %select_n3A, %mul3A_218 : vector<1024x1024xf32>
    %reduce_max3A_220 = arith.constant dense<0xFF800000> : vector<1024xf32>
    %reduce_max3A_221 = vector.multi_reduction <maximumf>, %mul3A_219, %reduce_max3A_220 [0] : vector<1024x1024xf32> to vector<1024xf32>
    %lt3A_222 = arith.constant 0.699999988 : f32
    %lt3A_223 = vector.broadcast %lt3A_222 : f32 to vector<1024xf32>
    %lt3A_224 = arith.cmpf olt, %reduce_max3A_221, %lt3A_223 : vector<1024xf32>
    %convert_element_type3A_225 = arith.extui %lt3A_224 : vector<1024xi1> to vector<1024xi32>
    %convert_element_type3A_226 = arith.sitofp %convert_element_type3A_225 : vector<1024xi32> to vector<1024xf32>
    %broadcast_in_dim3A_227 = vector.shape_cast %convert_element_type3A_226 : vector<1024xf32> to vector<1024x1xf32>
    %mul3A_228 = vector.broadcast %broadcast_in_dim3A_227 : vector<1024x1xf32> to vector<1024x1024xf32>
    %mul3A_229 = arith.mulf %select_n3A, %mul3A_228 : vector<1024x1024xf32>
    %reduce_max3A_230 = arith.constant dense<0xFF800000> : vector<1024xf32>
    %reduce_max3A_231 = vector.multi_reduction <maximumf>, %mul3A_229, %reduce_max3A_230 [0] : vector<1024x1024xf32> to vector<1024xf32>
    %lt3A_232 = arith.constant 0.699999988 : f32
    %lt3A_233 = vector.broadcast %lt3A_232 : f32 to vector<1024xf32>
    %lt3A_234 = arith.cmpf olt, %reduce_max3A_231, %lt3A_233 : vector<1024xf32>
    %convert_element_type3A_235 = arith.extui %lt3A_234 : vector<1024xi1> to vector<1024xi32>
    %convert_element_type3A_236 = arith.sitofp %convert_element_type3A_235 : vector<1024xi32> to vector<1024xf32>
    %broadcast_in_dim3A_237 = vector.shape_cast %convert_element_type3A_236 : vector<1024xf32> to vector<1024x1xf32>
    %mul3A_238 = vector.broadcast %broadcast_in_dim3A_237 : vector<1024x1xf32> to vector<1024x1024xf32>
    %mul3A_239 = arith.mulf %select_n3A, %mul3A_238 : vector<1024x1024xf32>
    %reduce_max3A_240 = arith.constant dense<0xFF800000> : vector<1024xf32>
    %reduce_max3A_241 = vector.multi_reduction <maximumf>, %mul3A_239, %reduce_max3A_240 [0] : vector<1024x1024xf32> to vector<1024xf32>
    %lt3A_242 = arith.constant 0.699999988 : f32
    %lt3A_243 = vector.broadcast %lt3A_242 : f32 to vector<1024xf32>
    %lt3A_244 = arith.cmpf olt, %reduce_max3A_241, %lt3A_243 : vector<1024xf32>
    %convert_element_type3A_245 = arith.extui %lt3A_244 : vector<1024xi1> to vector<1024xi32>
    %convert_element_type3A_246 = arith.sitofp %convert_element_type3A_245 : vector<1024xi32> to vector<1024xf32>
    %broadcast_in_dim3A_247 = vector.shape_cast %convert_element_type3A_246 : vector<1024xf32> to vector<1024x1xf32>
    %mul3A_248 = vector.broadcast %broadcast_in_dim3A_247 : vector<1024x1xf32> to vector<1024x1024xf32>
    %mul3A_249 = arith.mulf %select_n3A, %mul3A_248 : vector<1024x1024xf32>
    %reduce_max3A_250 = arith.constant dense<0xFF800000> : vector<1024xf32>
    %reduce_max3A_251 = vector.multi_reduction <maximumf>, %mul3A_249, %reduce_max3A_250 [0] : vector<1024x1024xf32> to vector<1024xf32>
    %lt3A_252 = arith.constant 0.699999988 : f32
    %lt3A_253 = vector.broadcast %lt3A_252 : f32 to vector<1024xf32>
    %lt3A_254 = arith.cmpf olt, %reduce_max3A_251, %lt3A_253 : vector<1024xf32>
    %eq3A = arith.cmpi eq, %iota3A, %iota3A_210 : vector<1024x1024xi32>
    %convert_element_type3A_255 = arith.extui %eq3A : vector<1024x1024xi1> to vector<1024x1024xi32>
    %convert_element_type3A_256 = arith.sitofp %convert_element_type3A_255 : vector<1024x1024xi32> to vector<1024x1024xf32>
    %gt3A_257 = arith.constant 0.699999988 : f32
    %gt3A_258 = vector.broadcast %gt3A_257 : f32 to vector<1024x1024xf32>
    %gt3A_259 = arith.cmpf ogt, %mul3A_249, %gt3A_258 : vector<1024x1024xf32>
    %convert_element_type3A_260 = arith.extui %gt3A_259 : vector<1024x1024xi1> to vector<1024x1024xi32>
    %convert_element_type3A_261 = arith.sitofp %convert_element_type3A_260 : vector<1024x1024xi32> to vector<1024x1024xf32>
    %mul3A_262 = arith.mulf %mul3A_249, %convert_element_type3A_261 : vector<1024x1024xf32>
    %add3A_263 = arith.addf %mul3A_262, %convert_element_type3A_256 : vector<1024x1024xf32>
    %broadcast_in_dim3A_264 = vector.shape_cast %squeeze3A : vector<1024xf32> to vector<1x1024xf32>
    %mul3A_265 = vector.broadcast %broadcast_in_dim3A_264 : vector<1x1024xf32> to vector<1024x1024xf32>
    %mul3A_266 = arith.mulf %add3A_263, %mul3A_265 : vector<1024x1024xf32>
    %reduce_sum3A = arith.constant dense<0.000000e+00> : vector<1024xf32>
    %reduce_sum3A_267 = vector.multi_reduction <add>, %mul3A_266, %reduce_sum3A [1] : vector<1024x1024xf32> to vector<1024xf32>
    %broadcast_in_dim3A_268 = vector.shape_cast %min3A_97 : vector<1024xf32> to vector<1x1024xf32>
    %mul3A_269 = vector.broadcast %broadcast_in_dim3A_268 : vector<1x1024xf32> to vector<1024x1024xf32>
    %mul3A_270 = arith.mulf %mul3A_266, %mul3A_269 : vector<1024x1024xf32>
    %reduce_sum3A_271 = arith.constant dense<0.000000e+00> : vector<1024xf32>
    %reduce_sum3A_272 = vector.multi_reduction <add>, %mul3A_270, %reduce_sum3A_271 [1] : vector<1024x1024xf32> to vector<1024xf32>
    %div3A_273 = arith.divf %reduce_sum3A_272, %reduce_sum3A_267 : vector<1024xf32>
    %swap3A = arith.constant 0 : index
    %swap3A_274 = arith.constant 0 : index
    %swap3A_275 = arith.constant 0 : index
    %swap3A_276 = vector.load %arg5[%swap3A, %swap3A_274, %swap3A_275] : memref<1x8x1024xf32, #tpu.memory_space<vmem>>, vector<1x1x1024xf32>
    %swap3A_277 = vector.shape_cast %swap3A_276 : vector<1x1x1024xf32> to vector<1024xf32>
    %swap3A_278 = vector.shape_cast %div3A_273 : vector<1024xf32> to vector<1x1x1024xf32>
    tpu.vector_store %arg5[%swap3A, %swap3A_274, %swap3A_275], %swap3A_278 {strides = array<i32>} : memref<1x8x1024xf32, #tpu.memory_space<vmem>>, vector<1x1x1024xf32>,
    %broadcast_in_dim3A_279 = vector.shape_cast %min3A_108 : vector<1024xf32> to vector<1x1024xf32>
    %mul3A_280 = vector.broadcast %broadcast_in_dim3A_279 : vector<1x1024xf32> to vector<1024x1024xf32>
    %mul3A_281 = arith.mulf %mul3A_266, %mul3A_280 : vector<1024x1024xf32>
    %reduce_sum3A_282 = arith.constant dense<0.000000e+00> : vector<1024xf32>
    %reduce_sum3A_283 = vector.multi_reduction <add>, %mul3A_281, %reduce_sum3A_282 [1] : vector<1024x1024xf32> to vector<1024xf32>
    %div3A_284 = arith.divf %reduce_sum3A_283, %reduce_sum3A_267 : vector<1024xf32>
    %swap3A_285 = arith.constant 0 : index
    %swap3A_286 = arith.constant 1 : index
    %swap3A_287 = arith.constant 0 : index
    %swap3A_288 = vector.load %arg5[%swap3A_285, %swap3A_286, %swap3A_287] : memref<1x8x1024xf32, #tpu.memory_space<vmem>>, vector<1x1x1024xf32>
    %swap3A_289 = vector.shape_cast %swap3A_288 : vector<1x1x1024xf32> to vector<1024xf32>
    %swap3A_290 = vector.shape_cast %div3A_284 : vector<1024xf32> to vector<1x1x1024xf32>
    tpu.vector_store %arg5[%swap3A_285, %swap3A_286, %swap3A_287], %swap3A_290 {strides = array<i32>} : memref<1x8x1024xf32, #tpu.memory_space<vmem>>, vector<1x1x1024xf32>,
    %broadcast_in_dim3A_291 = vector.shape_cast %min3A_119 : vector<1024xf32> to vector<1x1024xf32>
    %mul3A_292 = vector.broadcast %broadcast_in_dim3A_291 : vector<1x1024xf32> to vector<1024x1024xf32>
    %mul3A_293 = arith.mulf %mul3A_266, %mul3A_292 : vector<1024x1024xf32>
    %reduce_sum3A_294 = arith.constant dense<0.000000e+00> : vector<1024xf32>
    %reduce_sum3A_295 = vector.multi_reduction <add>, %mul3A_293, %reduce_sum3A_294 [1] : vector<1024x1024xf32> to vector<1024xf32>
    %div3A_296 = arith.divf %reduce_sum3A_295, %reduce_sum3A_267 : vector<1024xf32>
    %swap3A_297 = arith.constant 0 : index
    %swap3A_298 = arith.constant 2 : index
    %swap3A_299 = arith.constant 0 : index
    %swap3A_300 = vector.load %arg5[%swap3A_297, %swap3A_298, %swap3A_299] : memref<1x8x1024xf32, #tpu.memory_space<vmem>>, vector<1x1x1024xf32>
    %swap3A_301 = vector.shape_cast %swap3A_300 : vector<1x1x1024xf32> to vector<1024xf32>
    %swap3A_302 = vector.shape_cast %div3A_296 : vector<1024xf32> to vector<1x1x1024xf32>
    tpu.vector_store %arg5[%swap3A_297, %swap3A_298, %swap3A_299], %swap3A_302 {strides = array<i32>} : memref<1x8x1024xf32, #tpu.memory_space<vmem>>, vector<1x1x1024xf32>,
    %broadcast_in_dim3A_303 = vector.shape_cast %min3A_130 : vector<1024xf32> to vector<1x1024xf32>
    %mul3A_304 = vector.broadcast %broadcast_in_dim3A_303 : vector<1x1024xf32> to vector<1024x1024xf32>
    %mul3A_305 = arith.mulf %mul3A_266, %mul3A_304 : vector<1024x1024xf32>
    %reduce_sum3A_306 = arith.constant dense<0.000000e+00> : vector<1024xf32>
    %reduce_sum3A_307 = vector.multi_reduction <add>, %mul3A_305, %reduce_sum3A_306 [1] : vector<1024x1024xf32> to vector<1024xf32>
    %div3A_308 = arith.divf %reduce_sum3A_307, %reduce_sum3A_267 : vector<1024xf32>
    %swap3A_309 = arith.constant 0 : index
    %swap3A_310 = arith.constant 3 : index
    %swap3A_311 = arith.constant 0 : index
    %swap3A_312 = vector.load %arg5[%swap3A_309, %swap3A_310, %swap3A_311] : memref<1x8x1024xf32, #tpu.memory_space<vmem>>, vector<1x1x1024xf32>
    %swap3A_313 = vector.shape_cast %swap3A_312 : vector<1x1x1024xf32> to vector<1024xf32>
    %swap3A_314 = vector.shape_cast %div3A_308 : vector<1024xf32> to vector<1x1x1024xf32>
    tpu.vector_store %arg5[%swap3A_309, %swap3A_310, %swap3A_311], %swap3A_314 {strides = array<i32>} : memref<1x8x1024xf32, #tpu.memory_space<vmem>>, vector<1x1x1024xf32>,
    %broadcast_in_dim3A_315 = vector.shape_cast %min3A_141 : vector<1024xf32> to vector<1x1024xf32>
    %mul3A_316 = vector.broadcast %broadcast_in_dim3A_315 : vector<1x1024xf32> to vector<1024x1024xf32>
    %mul3A_317 = arith.mulf %mul3A_266, %mul3A_316 : vector<1024x1024xf32>
    %reduce_sum3A_318 = arith.constant dense<0.000000e+00> : vector<1024xf32>
    %reduce_sum3A_319 = vector.multi_reduction <add>, %mul3A_317, %reduce_sum3A_318 [1] : vector<1024x1024xf32> to vector<1024xf32>
    %div3A_320 = arith.divf %reduce_sum3A_319, %reduce_sum3A_267 : vector<1024xf32>
    %swap3A_321 = arith.constant 0 : index
    %swap3A_322 = arith.constant 4 : index
    %swap3A_323 = arith.constant 0 : index
    %swap3A_324 = vector.load %arg5[%swap3A_321, %swap3A_322, %swap3A_323] : memref<1x8x1024xf32, #tpu.memory_space<vmem>>, vector<1x1x1024xf32>
    %swap3A_325 = vector.shape_cast %swap3A_324 : vector<1x1x1024xf32> to vector<1024xf32>
    %swap3A_326 = vector.shape_cast %div3A_320 : vector<1024xf32> to vector<1x1x1024xf32>
    tpu.vector_store %arg5[%swap3A_321, %swap3A_322, %swap3A_323], %swap3A_326 {strides = array<i32>} : memref<1x8x1024xf32, #tpu.memory_space<vmem>>, vector<1x1x1024xf32>,
    %broadcast_in_dim3A_327 = vector.shape_cast %min3A_152 : vector<1024xf32> to vector<1x1024xf32>
    %mul3A_328 = vector.broadcast %broadcast_in_dim3A_327 : vector<1x1024xf32> to vector<1024x1024xf32>
    %mul3A_329 = arith.mulf %mul3A_266, %mul3A_328 : vector<1024x1024xf32>
    %reduce_sum3A_330 = arith.constant dense<0.000000e+00> : vector<1024xf32>
    %reduce_sum3A_331 = vector.multi_reduction <add>, %mul3A_329, %reduce_sum3A_330 [1] : vector<1024x1024xf32> to vector<1024xf32>
    %div3A_332 = arith.divf %reduce_sum3A_331, %reduce_sum3A_267 : vector<1024xf32>
    %swap3A_333 = arith.constant 0 : index
    %swap3A_334 = arith.constant 5 : index
    %swap3A_335 = arith.constant 0 : index
    %swap3A_336 = vector.load %arg5[%swap3A_333, %swap3A_334, %swap3A_335] : memref<1x8x1024xf32, #tpu.memory_space<vmem>>, vector<1x1x1024xf32>
    %swap3A_337 = vector.shape_cast %swap3A_336 : vector<1x1x1024xf32> to vector<1024xf32>
    %swap3A_338 = vector.shape_cast %div3A_332 : vector<1024xf32> to vector<1x1x1024xf32>
    tpu.vector_store %arg5[%swap3A_333, %swap3A_334, %swap3A_335], %swap3A_338 {strides = array<i32>} : memref<1x8x1024xf32, #tpu.memory_space<vmem>>, vector<1x1x1024xf32>,
    %broadcast_in_dim3A_339 = arith.constant 0.000000e+00 : f32
    %broadcast_in_dim3A_340 = vector.broadcast %broadcast_in_dim3A_339 : f32 to vector<1024xf32>
    %swap3A_341 = arith.constant 0 : index
    %swap3A_342 = arith.constant 6 : index
    %swap3A_343 = arith.constant 0 : index
    %swap3A_344 = vector.load %arg5[%swap3A_341, %swap3A_342, %swap3A_343] : memref<1x8x1024xf32, #tpu.memory_space<vmem>>, vector<1x1x1024xf32>
    %swap3A_345 = vector.shape_cast %swap3A_344 : vector<1x1x1024xf32> to vector<1024xf32>
    %swap3A_346 = vector.shape_cast %broadcast_in_dim3A_340 : vector<1024xf32> to vector<1x1x1024xf32>
    tpu.vector_store %arg5[%swap3A_341, %swap3A_342, %swap3A_343], %swap3A_346 {strides = array<i32>} : memref<1x8x1024xf32, #tpu.memory_space<vmem>>, vector<1x1x1024xf32>,
    %broadcast_in_dim3A_347 = arith.constant 0.000000e+00 : f32
    %broadcast_in_dim3A_348 = vector.broadcast %broadcast_in_dim3A_347 : f32 to vector<1024xf32>
    %swap3A_349 = arith.constant 0 : index
    %swap3A_350 = arith.constant 7 : index
    %swap3A_351 = arith.constant 0 : index
    %swap3A_352 = vector.load %arg5[%swap3A_349, %swap3A_350, %swap3A_351] : memref<1x8x1024xf32, #tpu.memory_space<vmem>>, vector<1x1x1024xf32>
    %swap3A_353 = vector.shape_cast %swap3A_352 : vector<1x1x1024xf32> to vector<1024xf32>
    %swap3A_354 = vector.shape_cast %broadcast_in_dim3A_348 : vector<1024xf32> to vector<1x1x1024xf32>
    tpu.vector_store %arg5[%swap3A_349, %swap3A_350, %swap3A_351], %swap3A_354 {strides = array<i32>} : memref<1x8x1024xf32, #tpu.memory_space<vmem>>, vector<1x1x1024xf32>,
    %jit3A_355 = arith.constant -1.000000e+09 : f32
    %broadcast_in_dim3A_356 = vector.broadcast %jit3A_355 : f32 to vector<1024xf32>
    %select_n3A_357 = arith.select %lt3A_254, %squeeze3A, %broadcast_in_dim3A_356 : vector<1024xi1>, vector<1024xf32>
    %swap3A_358 = arith.constant 0 : index
    %swap3A_359 = arith.constant 0 : index
    %swap3A_360 = arith.constant 0 : index
    %swap3A_361 = vector.load %arg6[%swap3A_358, %swap3A_359, %swap3A_360] : memref<1x1x1024xf32, #tpu.memory_space<vmem>>, vector<1x1x1024xf32>
    %swap3A_362 = vector.shape_cast %swap3A_361 : vector<1x1x1024xf32> to vector<1024xf32>
    %swap3A_363 = vector.shape_cast %select_n3A_357 : vector<1024xf32> to vector<1x1x1024xf32>
    tpu.vector_store %arg6[%swap3A_358, %swap3A_359, %swap3A_360], %swap3A_363 {strides = array<i32>} : memref<1x1x1024xf32, #tpu.memory_space<vmem>>, vector<1x1x1024xf32>,
    return
  }
  func.func @transform_0(%arg0: i32) -> (i32, i32, i32) {
    %c0_i32 = arith.constant 0 : i32
    %c0_i32_0 = arith.constant 0 : i32
    %c0_i32_1 = arith.constant 0 : i32
    return %arg0, %c0_i32, %c0_i32_0 : i32, i32, i32
  }
  func.func @transform_1(%arg0: i32) -> (i32, i32, i32) {
    %c0_i32 = arith.constant 0 : i32
    %c0_i32_0 = arith.constant 0 : i32
    %c0_i32_1 = arith.constant 0 : i32
    return %arg0, %c0_i32, %c0_i32_0 : i32, i32, i32
  }
  func.func @transform_2(%arg0: i32) -> (i32, i32, i32) {
    %c0_i32 = arith.constant 0 : i32
    %c0_i32_0 = arith.constant 0 : i32
    %c0_i32_1 = arith.constant 0 : i32
    return %arg0, %c0_i32, %c0_i32_0 : i32, i32, i32
  }
  func.func @transform_3(%arg0: i32) -> (i32, i32, i32) {
    %c0_i32 = arith.constant 0 : i32
    %c0_i32_0 = arith.constant 0 : i32
    %c0_i32_1 = arith.constant 0 : i32
    return %arg0, %c0_i32, %c0_i32_0 : i32, i32, i32
  }
  func.func @transform_4(%arg0: i32) -> (i32, i32, i32) {
    %c0_i32 = arith.constant 0 : i32
    %c0_i32_0 = arith.constant 0 : i32
    %c0_i32_1 = arith.constant 0 : i32
    return %arg0, %c0_i32, %c0_i32_0 : i32, i32, i32
  }
  func.func @transform_5(%arg0: i32) -> (i32, i32, i32) {
    %c0_i32 = arith.constant 0 : i32
    %c0_i32_0 = arith.constant 0 : i32
    %c0_i32_1 = arith.constant 0 : i32
    return %arg0, %c0_i32, %c0_i32_0 : i32, i32, i32
  }
}

</mosaic_0001>

<sc_bundles>
// kernel: gather_offload_async_start.1
scs
__scs_entry_jumppad:
0x0: {  	(pc) =	sbr.rel $0x88, $3  }
0x1: {  	(tag) =	ssettag $0x0;
	lr =	simm.s32 $0x1  }
0x2: {  	[smem:$0x3F9E] =	sst lr;
	_ =	strace $0xD0000000  }
0x3: {  	_ = 	snop  }
0x4: {  	_ = 	snop  }
0x5: {  	_ = 	snop  }
0x6: {  	_ = 	snop  }
0x7: {  	_ = 	snop  }
__scs_overlays_trampoline_lowered:
0x8: {  	[smem:$0x3FAD] =	sst s0  }
0x9: {  	[smem:$0x3FAE] =	sst s1  }
0xa: {  	[smem:$0x3FAF] =	sst s2  }
0xb: {  	[smem:$0x3FB0] =	sst s3  }
0xc: {  	[smem:$0x3FB1] =	sst s4  }
0xd: {  	[smem:$0x3FB2] =	sst s5  }
0xe: {  	[smem:$0x3FB3] =	sst s6  }
0xf: {  	[smem:$0x3FB4] =	sst s7  }
0x10: {  	[smem:$0x3FB5] =	sst s8  }
0x11: {  	[smem:$0x3FB6] =	sst s9;
	s0 =	simm.s32 @!p0 $0x0  }
0x12: {  	s1 =	sld [smem:$0x3F9C];
	s0 =	simm.s32 @p0 $0x1  }
0x13: {  	[smem:$0x3FB7] =	sst s0;
	s0 =	simm.s32 @!p1 $0x0  }
0x14: {  	s2 =	sld [smem:$0x3F9B];
	s0 =	simm.s32 @p1 $0x1  }
0x15: {  	[smem:$0x3FB8] =	sst s0;
	s0 =	simm.s32 @!p2 $0x0  }
0x16: {  	s3 =	sld [smem:$0x3FDB];
	s0 =	simm.s32 @p2 $0x1  }
0x17: {  	s4 =	simm.s32 $0x1BF5;
	[smem:$0x3FBA] =	sst s0  }
0x18: {  	s0 =	sld [smem:$0x3F9D];
	_ =	swait.ge [sflag:s4], $0x0  }
0x19: {  	s7 =	sld [smem:$0x3F9E]  }
0x1a: {  	s8 =	sadd.s32 $0xFFFFE003, lr  }
0x1b: {  	s9 =	sadd.s32 $0xFFFFFEF7, lr;
	s5 =	simm.s32 $0xFFFFFFFF;
	p2 =	slt.u32 s8, $0xFFFFF086  }
0x1c: {  	p1 =	slt.u32 s9, $0xF7A;
	s5 =	simm.s32 @!p2 $0x0  }
0x1d: {  	s5 =	simm.s32 @p1 $0x1;
	p0 =	seq.s32 s7, s2  }
0x1e: {  	s7 =	smul.u32 @!p0 $0xF7A, s2;
	p2 =	seq.s32 @!p0 s5, $0x0  }
0x1f: {  	s9 =	smul.u32 $0xF7A, s1;
	s8 =	simm.s32 @!p0 $0x1BF5;
	p2 =	por !p2, p0  }
0x20: {  	[sflag:s8] =	ssyncset.s32 @!p0 $0xFFFFF086;
	s6 =	sadd.s32 @!p0 s3, s7;
	s7 =	simm.s32 @!p0 $0x108  }
0x21: {  	s3 =	sadd.s32 s3, s9;
	s6 =	sadd.s32 @!p0 $0x88, s6;
	s7 =	simm.s32 @p2 $0x1082  }
0x22: {  	[simem:s7], [sflag:s8] =	dma.local @!p0 [hbm:s6], $0xF7A  }
0x23: {  	s9 =	sor.u32 $0xD0000000, s2;
	s6 =	simm.s32 $0x108;
	_ =	swait.ge @!p0 [sflag:s8], $0x0  }
0x24: {  	s3 =	sadd.s32 $0x88, s3;
	s6 =	simm.s32 @!p1 $0x1082;
	[sflag:s4] =	ssyncset.s32 $0xFFFFF086  }
0x25: {  	[simem:s6], [sflag:s4] =	dma.local [hbm:s3], $0xF7A  }
0x26: {  	[smem:$0x3F9E] =	sst s1;
	(tag) =	ssettag s2;
	_ =	strace s9  }
0x27: {  	s1 =	sld [smem:$0x3FAE]  }
0x28: {  	s2 =	sld [smem:$0x3FAF]  }
0x29: {  	s4 =	sld [smem:$0x3FB1]  }
0x2a: {  	p0 =	seq.s32 s5, $0x0;
	s5 =	sld [smem:$0x3FB2]  }
0x2b: {  	s6 =	sld [smem:$0x3FB3]  }
0x2c: {  	s7 =	sld [smem:$0x3FB4]  }
0x2d: {  	s3 =	simm.s32 $0x108;
	s8 =	sld [smem:$0x3FB5]  }
0x2e: {  	s3 =	simm.s32 @!p0 $0x1082;
	s9 =	sld [smem:$0x3FB6]  }
0x2f: {  	lr =	sadd.s32 s0, s3;
	s0 =	sld [smem:$0x3FAD]  }
0x30: {  	s3 =	sld [smem:$0x3FB0]  }
0x31: {  	[smem:$0x3FB9] =	sst s10  }
0x32: {  	s10 =	sld [smem:$0x3FB7];
	_ =	sdelay $0x3  }
0x33: {  	p0 =	seq.s32 s10, $0x1;
	s10 =	sld [smem:$0x3FB9];
	_ =	sdelay $0x3  }
0x34: {  	[smem:$0x3FB9] =	sst s10  }
0x35: {  	s10 =	sld [smem:$0x3FB8];
	_ =	sdelay $0x3  }
0x36: {  	p1 =	seq.s32 s10, $0x1;
	s10 =	sld [smem:$0x3FB9];
	_ =	sdelay $0x3  }
0x37: {  	[smem:$0x3FB9] =	sst s10  }
0x38: {  	s10 =	sld [smem:$0x3FBA]  }
0x39: {  	_ = 	snop;
	(pc) =	sbr.ind lr, $3  }
0x3a: {  	_ = 	snop  }
0x3b: {  	_ = 	snop  }
0x3c: {  	p2 =	seq.s32 s10, $0x1;
	s10 =	sld [smem:$0x3FB9]  }
0x3d: {  	_ =	shalt  }
0x3e: {  	_ =	shalt  }
0x3f: {  	_ =	shalt  }
0x40: {  	_ =	shalt  }
0x41: {  	_ =	shalt  }
0x42: {  	_ =	shalt  }
0x43: {  	_ =	shalt  }
0x44: {  	_ =	shalt  }
0x45: {  	_ =	shalt  }
0x46: {  	_ =	shalt  }
0x47: {  	_ =	shalt  }
0x48: {  	_ =	shalt  }
0x49: {  	_ =	shalt  }
0x4a: {  	_ =	shalt  }
0x4b: {  	_ =	shalt  }
0x4c: {  	_ =	shalt  }
0x4d: {  	_ =	shalt  }
0x4e: {  	_ =	shalt  }
0x4f: {  	_ =	shalt  }
0x50: {  	_ =	shalt  }
0x51: {  	_ =	shalt  }
0x52: {  	_ =	shalt  }
0x53: {  	_ =	shalt  }
0x54: {  	_ =	shalt  }
0x55: {  	_ =	shalt  }
0x56: {  	_ =	shalt  }
0x57: {  	_ =	shalt  }
0x58: {  	_ =	shalt  }
0x59: {  	_ =	shalt  }
0x5a: {  	_ =	shalt  }
0x5b: {  	_ =	shalt  }
0x5c: {  	_ =	shalt  }
0x5d: {  	_ =	shalt  }
0x5e: {  	_ =	shalt  }
0x5f: {  	_ =	shalt  }
0x60: {  	_ =	shalt  }
0x61: {  	_ =	shalt  }
0x62: {  	_ =	shalt  }
0x63: {  	_ =	shalt  }
0x64: {  	_ =	shalt  }
0x65: {  	_ =	shalt  }
0x66: {  	_ =	shalt  }
0x67: {  	_ =	shalt  }
0x68: {  	_ =	shalt  }
0x69: {  	_ =	shalt  }
0x6a: {  	_ =	shalt  }
0x6b: {  	_ =	shalt  }
0x6c: {  	_ =	shalt  }
0x6d: {  	_ =	shalt  }
0x6e: {  	_ =	shalt  }
0x6f: {  	_ =	shalt  }
0x70: {  	_ =	shalt  }
0x71: {  	_ =	shalt  }
0x72: {  	_ =	shalt  }
0x73: {  	_ =	shalt  }
0x74: {  	_ =	shalt  }
0x75: {  	_ =	shalt  }
0x76: {  	_ =	shalt  }
0x77: {  	_ =	shalt  }
0x78: {  	_ =	shalt  }
0x79: {  	_ =	shalt  }
0x7a: {  	_ =	shalt  }
0x7b: {  	_ =	shalt  }
0x7c: {  	_ =	shalt  }
0x7d: {  	_ =	shalt  }
0x7e: {  	_ =	shalt  }
0x7f: {  	_ =	shalt  }
0x80: {  	_ =	shalt  }
0x81: {  	_ =	shalt  }
0x82: {  	_ =	shalt  }
0x83: {  	_ =	shalt  }
0x84: {  	_ =	shalt  }
0x85: {  	_ =	shalt  }
0x86: {  	_ =	shalt  }
0x87: {  	_ =	shalt  }
.Lfunc_end0:
.L_simem_size_0:
called_computation.1_lowered:
.L_overlay_start_0:
0x88: {  	s0 =	sld [smem:$0x3FD9]  }
0x89: {  	s1 =	sld [smem:$0x3FFE];
	_ =	sdelay $0x3  }
0x8a: {  	s0 =	sadd.s32 s1, s0  }
0x8b: {  	[smem:$0x3FC5] =	sst s0  }
0x8c: {  	_ = 	snop  }
0x8d: {  	s0 =	sld [smem:$0x3FD0];
	(tm) =	ssettm $0x1  }
0x8e: {  	s16 =	sld [smem:$0x3FFB];
	_ =	sdelay $0x3  }
0x8f: {  	_ =	strace s16  }
0x90: {  	s1 =	sld [smem:$0x3FFC];
	_ =	sdelay $0x3  }
0x91: {  	_ =	strace s1  }
0x92: {  	s1 =	sld [smem:$0x3FFD];
	_ =	sdelay $0x3  }
0x93: {  	_ =	strace s1  }
0x94: {  	_ =	strace $0x8FFFFFFF  }
0x95: {  	s17 =	sld [smem:$0x3FDB];
	_ =	sdelay $0x1  }
0x96: {  	s2 =	simm.s32 $_scs_section_size  }
0x97: {  	s3 =	simm.s32 $_size__tile_overlayer_lowered;
	s4 =	simm.s32 $_tile_overlayer_lowered  }
0x98: {  	s20 =	simm.s32 $0x1BFF;
	s19 =	sshll.u32 s4, $0x1;
	s1 =	sadd.s32 s2, s17  }
0x99: {  	s5 =	simm.s32 $0x0;
	s18 =	sshll.u32 s3, $0x1;
	s3 =	sadd.s32 s19, s1  }
0x9a: {  	[timem:s5], [sflag:s20] =	dma.local [hbm:s3], s18  }
0x9b: {  	_ =	swait.ge [sflag:s20], s18  }
0x9c: {  	s2 =	ssub.s32 $0x0, s18;
	[sflag:s20] =	ssyncset.done $0x0  }
0x9d: {  	[sflag:s20] =	ssyncadd.s32 s2;
	_ =	sdelay $0x1  }
0x9e: {  	s21 =	simm.s32 $0x1B8B  }
0x9f: {  	_ =	swait.ge [sflag:s21], $0x1  }
0xa0: {  	[sflag:s21] =	ssyncset.done $0x0  }
0xa1: {  	s23 =	simm.s32 $0x1B8E;
	s22 =	sld [smem:$0x3FFE];
	[sflag:s21] =	ssyncadd.s32 $0xFFFFFFFF  }
0xa2: {  	s24 =	simm.s32 $execute0_lowered;
	[smem:$0x3FD2] =	sst s23  }
0xa3: {  	s3 =	sshll.u32 s24, $0x1;
	_ =	strace $0x8000005B;
	[dreg:$0x1] =	wrdreg $0xFFFFFFFF  }
0xa4: {  	s25 =	simm.s32 $_size_execute0_lowered;
	s1 =	sadd.s32 s1, s3;
	[dreg:$0x0] =	wrdreg $0x0  }
0xa5: {  	s3 =	sshll.u32 s25, $0x1;
	[dreg:$0x2] =	wrdreg s1  }
0xa6: {  	[dreg:$0x3] =	wrdreg s3  }
0xa7: {  	[dreg:$0x4] =	wrdreg $0xC0  }
0xa8: {  	_ =	task [dreg:s5], $0x5FFFF  }
0xa9: {  	[dreg:$0x1] =	wrdreg $0xFFFFFFFF  }
0xaa: {  	[dreg:$0x0] =	wrdreg $0x60  }
0xab: {  	[dreg:$0x2] =	wrdreg s22  }
0xac: {  	[dreg:$0x3] =	wrdreg s0  }
0xad: {  	[dreg:$0x4] =	wrdreg $0x9  }
0xae: {  	_ =	task.clear_ibuf [dreg:s5], $0x5FFFF;
	_ =	strace $0x9000005B  }
0xaf: {  	s26 =	simm.s32 $0x9;
	_ =	strace $0x8000005D  }
0xb0: {  	_ =	swait.ge [sflag:s26], $0x1  }
0xb1: {  	[sflag:s26] =	ssyncadd.s32 $0xFFFFFFFF  }
0xb2: {  	_ =	strace $0x9000005D  }
0xb3: {  	_ =	sfence  }
0xb4: {  	s28 =	sld [smem:$0x0];
	_ =	sdelay $0x1  }
0xb5: {  	s29 =	srdreg.scid  }
0xb6: {  	s30 =	sshll.u32 s29, $0xD;
	s31 =	sshrl.u32 s29, $0x2  }
0xb7: {  	s2 =	sand.u32 $0x4000, s30;
	s1 =	sand.u32 $0x1, s29;
	s0 =	sadd.s32 s31, s28  }
0xb8: {  	s1 =	sor.u32 s2, s1;
	s0 =	sshll.u32 s0, $0x11  }
0xb9: {  	s0 =	sor.u32 s0, s1  }
0xba: {  	s0 =	sadd.s32 $0x8F2B, s0  }
0xbb: {  	[sflag:s0] =	ssyncadd.remote.s32 $0x1  }
0xbc: {  	_ =	sfence.sel $0xFFFF  }
0xbd: {  	[dreg:$0x0] =	wrdreg $0xFFFFFFFF;
	(pc) =	sbr.abs _section_cstart, $3  }
0xbe: {  	[dreg:$0x1] =	wrdreg $0xFFFFFFFF  }
0xbf: {  	_ =	task.clear_ibuf [dreg:s5], $0x2FFFF;
	_ =	strace $0x9FFFFFFF  }
0xc0: {  	(tm) =	ssettm $0x7FFFFFFF  }
0xc1: {  	_ =	shalt  }
tec
execute0_lowered:
.L_overlay_start_1:
0x0: {  	(tag) =	ssettag $0x1  }
0x1: {  	s2 =	rddreg [dreg:$0x0]  }
0x2: {  	s3 =	rddreg [dreg:$0x1]  }
0x3: {  	s0 =	rddreg [dreg:$0x2];
	s1 =	stileid.u32;
	_ =	strace $0x8000005C  }
0x4: {  	s5 =	simm.s32 $0x1;
	s6 =	simm.s32 $0x900;
	s8 =	simm.s32 $0x1  }
0x5: {  	s9 =	simm.s32 $0x3;
	s10 =	simm.s32 $0x0;
	s4 =	smul.u32 $0x90, s1  }
0x6: {  	s13 =	simm.s32 $0x0;
	s12 =	simm.s32 $0x0;
	p0 =	slt.u32 s1, $0xA  }
.Ltmp0:
0x7: {  	s6 =	simm.s32 @!p0 $0x0;
	s7 =	ssub.s32 $0xE10, s4;
	(pc) =	sbr.rel .LBB2_1-.Ltmp0, $4  }
0x8: {  	s8 =	simm.s32 @!p0 $0x0;
	p0 =	sne.s32 s7, s6;
	s7 =	simm.s32 $0x1  }
0x9: {  	[sflag:s5] =	ssyncpa.u1 $0x0;
	s6 =	simm.s32 $0x2;
	s7 =	simm.s32 @!p0 $0x0  }
0xa: {  	s11 =	smov.u32 s4;
	[sflag:s6] =	ssyncpa.u1 $0x0;
	s7 =	sadd.s32 s8, s7  }
0xb: {  	vm0 =	vmmov $0xffff;
	s8 =	sadd.s32 $0x800, s2;
	[sflag:s9] =	ssyncpa.u1 $0x0;
	s9 =	sadd.s32 $0x1, s7  }
.LBB2_4:
0xc: {  	v2 =	vand.u32 $0x7, v2;
	v3 =	vshrl.u32 v0, $0x4;
	v63 =	vshll.u32 v0, $0xD  }
0xd: {  	v2 =	vsel vm1, $0xFFFFFFFF, v2;
	v3 =	vand.u32 $0x3FF, v3;
	v0 =	vand.u32 $0x2000, v63  }
0xe: {  	v3 =	vsel vm1, $0xFFFFFFFF, v3;
	v0 =	vsel vm1, $0xFFFFE000, v0;
	v4 =	vand.u32 $0xFFFFE000, v2  }
0xf: {  	v5 =	vand.u32 $0x7F, v3;
	v0 =	vadd.s32 v0, v4;
	v3 =	vshll.u32 v3, $0x3  }
0x10: {  	v2 =	vshll.u32 v2, $0x7;
	v3 =	vand.u32 $0xFFFFFC00, v3;
	v0 =	vor.u32 v5, v0  }
0x11: {  	v2 =	vand.u32 $0x380, v2;
	v0 =	vadd.s32 v3, v0  }
0x12: {  	v0 =	vor.u32 v2, v0;
	_ =	sdelay $0x1  }
0x13: {  	(ifvalue) =	ssetifvalue $0x7FFFFFFF;
	s15 =	sadd.s32 $0x10, s15  }
0x14: {  	[tilespmem:s15], [sflag:$0x1] =	stream.indirect_vreg.gather [hbm4b:s2+s10], $0x1, v1, vm0, $0x4038;
	[tilespmem:$0x240] =	vst v63  }
0x15: {  	(ifvalue) =	ssetifvalue $0x7FFFFFFF;
	s15 =	sadd.s32 $0x10, s15  }
0x16: {  	[tilespmem:s15], [sflag:$0x1] =	stream.indirect_vreg.gather [hbm4b:s2+s10], $0x1, v0, vm0, $0x4038;
	[tilespmem:$0x240] =	vst v63  }
0x17: {  	_ =	swait.ge [sflag:s5], $0x90  }
0x18: {  	s30 =	sshrl.u32 s13, $0x3;
	[sflag:s5] =	ssyncset.done $0x0  }
0x19: {  	s31 =	sand.u32 $0x7, s13;
	s15 =	sadd.s32 s8, s30;
	[sflag:s5] =	ssyncadd.s32 $0xFFFFFF70  }
0x1a: {  	[hbm4b:s15+s31] =	stream.linear.scatter [tilespmem:s14], [sflag:$0x3], $0x90, $0x38;
	[tilespmem:$0x240] =	vst v63  }
.LBB2_5:
0x1b: {  	s15 =	sadd.s32 $0x900, s11  }
0x1c: {  	p1 =	sgt.s32 s15, $0xE0F  }
0x1d: {  	s15 =	smov.u32 @p1 s4;
	p1 =	sne.s32 s12, s9  }
.Ltmp1:
0x1e: {  	p0 =	slt.u32 s12, $0x2;
	(pc) =	sbr.rel @!p1 .LBB2_6-.Ltmp1, $4  }
0x1f: {  	s14 =	simm.s32 @!p0 $0x3  }
0x20: {  	_ =	swait.ge @!p0 [sflag:s14], $0x90  }
0x21: {  	s16 =	sadd.s32 $0x1, s12;
	s13 =	smov.u32 s11;
	[sflag:s14] =	ssyncset.done @!p0 $0x0  }
0x22: {  	s12 =	smov.u32 s16;
	s11 =	smov.u32 s15;
	[sflag:s14] =	ssyncadd.s32 @!p0 $0xFFFFFF70  }
.LBB2_1:
0x23: {  	p0 =	sge.u32 s12, s7  }
0x24: {  	s14 =	sxor.u32 @!p0 $0x1, s12  }
0x25: {  	s14 =	smul.u32 @!p0 $0x240, s14  }
0x26: {  	s31 =	sadd.s32 $0xFFFFFFFF, s12;
	s15 =	sshrl.u32 @!p0 s11, $0x3  }
0x27: {  	s16 =	sand.u32 @!p0 $0x7, s11;
	s15 =	sadd.s32 @!p0 s3, s15;
	s14 =	sshra.s32 @!p0 s14, $0x2  }
0x28: {  	[tilespmem:s14], [sflag:$0x2] =	stream.linear.gather @!p0 [hbm4b:s15+s16], $0x90, $0x38;
	[tilespmem:$0x240] =	vst v63  }
0x29: {  	p0 =	sge.u32 s31, s7  }
.Ltmp2:
0x2a: {  	_ = 	snop;
	(pc) =	sbr.rel @p0 .LBB2_5-.Ltmp2, $1  }
0x2b: {  	_ =	sdelay $0x3  }
0x2c: {  	s14 =	sand.u32 $0x1, s12  }
0x2d: {  	_ =	swait.ge [sflag:s6], $0x90;
	p0 =	seq.s32 s14, $0x1;
	s14 =	simm.s32 $0x90  }
0x2e: {  	[sflag:s6] =	ssyncset.done $0x0;
	s14 =	simm.s32 @!p0 $0x0  }
0x2f: {  	[sflag:s6] =	ssyncadd.s32 $0xFFFFFF70;
	(ifvalue) =	ssetifvalue $0x7FFFFFFF;
	v0 =	vld.msk [tilespmem:s14+$0x0 ss:$0x1], $0xffff;
	_ =	sdelay $0x1  }
0x30: {  	s15 =	sadd.s32 $0x10, s14  }
0x31: {  	v3 =	vld.msk [tilespmem:s15+$0x0 ss:$0x1], $0xffff;
	_ =	sdelay $0x1  }
0x32: {  	vm1 =	veq.s32 v0, $0x80000000  }
0x33: {  	v1 =	vshrl.u32 v0, $0x1;
	v2 =	vshrl.u32 v0, $0x4;
	v0 =	vshll.u32 v0, $0xD  }
0x34: {  	v1 =	vand.u32 $0x7, v1;
	v2 =	vand.u32 $0x3FF, v2;
	v0 =	vand.u32 $0x2000, v0  }
0x35: {  	v62 =	vshrl.u32 v3, $0x4;
	v1 =	vsel vm1, $0xFFFFFFFF, v1;
	v2 =	vsel vm1, $0xFFFFFFFF, v2  }
0x36: {  	v0 =	vsel vm1, $0xFFFFE000, v0;
	vm1 =	veq.s32 v3, $0x80000000;
	v4 =	vand.u32 $0xFFFFE000, v1  }
0x37: {  	v5 =	vand.u32 $0x7F, v2;
	v2 =	vshll.u32 v2, $0x3;
	v0 =	vadd.s32 v0, v4  }
0x38: {  	v1 =	vshll.u32 v1, $0x7;
	v2 =	vand.u32 $0xFFFFFC00, v2;
	v0 =	vor.u32 v5, v0  }
0x39: {  	v1 =	vand.u32 $0x380, v1;
	v0 =	vadd.s32 v2, v0;
	v2 =	vshrl.u32 v3, $0x1  }
0x3a: {  	s15 =	sadd.s32 $0x10, s15;
	v3 =	vshll.u32 v3, $0xD;
	v1 =	vor.u32 v1, v0;
	v2 =	vand.u32 $0x7, v2  }
0x3b: {  	v4 =	vand.u32 $0x3FF, v62;
	v0 =	vld.msk [tilespmem:s15+$0x0 ss:$0x1], $0xffff;
	v3 =	vand.u32 $0x2000, v3;
	v2 =	vsel vm1, $0xFFFFFFFF, v2  }
0x3c: {  	v4 =	vsel vm1, $0xFFFFFFFF, v4;
	v3 =	vsel vm1, $0xFFFFE000, v3;
	v63 =	vand.u32 $0xFFFFE000, v2  }
0x3d: {  	v6 =	vand.u32 $0x7F, v4;
	v4 =	vshll.u32 v4, $0x3;
	v3 =	vadd.s32 v3, v63  }
0x3e: {  	s14 =	sor.u32 $0x120, s14;
	(ifvalue) =	ssetifvalue $0x7FFFFFFF;
	v4 =	vand.u32 $0xFFFFFC00, v4;
	v2 =	vshll.u32 v2, $0x7;
	v3 =	vor.u32 v6, v3  }
0x3f: {  	[tilespmem:s14], [sflag:$0x1] =	stream.indirect_vreg.gather [hbm4b:s2+s10], $0x1, v1, vm0, $0x4038;
	v1 =	vand.u32 $0x380, v2;
	v3 =	vadd.s32 v4, v3;
	[tilespmem:$0x240] =	vst v63  }
0x40: {  	s16 =	simm.s32 $0x20;
	s17 =	sadd.s32 $0x10, s15;
	s15 =	smov.u32 s14;
	vm1 =	veq.s32 v0, $0x80000000;
	v2 =	vshrl.u32 v0, $0x1;
	v1 =	vor.u32 v1, v3  }
.LBB2_3:
0x41: {  	s16 =	sadd.s32 $0x10, s16;
	v2 =	vand.u32 $0x7, v2;
	v3 =	vshrl.u32 v0, $0x4;
	v4 =	vshll.u32 v0, $0xD;
	v0 =	vld.msk [tilespmem:s17+$0x0 ss:$0x1], $0xffff  }
0x42: {  	p0 =	slt.u32 s16, $0x80;
	v2 =	vsel vm1, $0xFFFFFFFF, v2;
	v3 =	vand.u32 $0x3FF, v3;
	v4 =	vand.u32 $0x2000, v4  }
.Ltmp3:
0x43: {  	v3 =	vsel vm1, $0xFFFFFFFF, v3;
	v4 =	vsel vm1, $0xFFFFE000, v4;
	v5 =	vand.u32 $0xFFFFE000, v2;
	(pc) =	sbr.rel @p0 .LBB2_3-.Ltmp3, $4  }
0x44: {  	s15 =	sadd.s32 $0x10, s15;
	v6 =	vand.u32 $0x7F, v3;
	v4 =	vadd.s32 v4, v5;
	v3 =	vshll.u32 v3, $0x3;
	(ifvalue) =	ssetifvalue $0x7FFFFFFF  }
0x45: {  	v2 =	vshll.u32 v2, $0x7;
	v3 =	vand.u32 $0xFFFFFC00, v3;
	v4 =	vor.u32 v6, v4;
	[tilespmem:s15], [sflag:$0x1] =	stream.indirect_vreg.gather [hbm4b:s2+s10], $0x1, v1, vm0, $0x4038;
	[tilespmem:$0x240] =	vst v63  }
0x46: {  	v1 =	vand.u32 $0x380, v2;
	v3 =	vadd.s32 v3, v4  }
0x47: {  	s17 =	sadd.s32 $0x10, s17;
	vm1 =	veq.s32 v0, $0x80000000;
	v2 =	vshrl.u32 v0, $0x1;
	v1 =	vor.u32 v1, v3  }
.Ltmp4:
0x48: {  	_ = 	snop;
	(pc) =	sbr.rel .LBB2_4-.Ltmp4, $1  }
0x49: {  	_ =	sdelay $0x3  }
.LBB2_6:
0x4a: {  	_ =	sfence.sel $0x180000  }
0x4b: {  	s2 =	simm.s32 $0x2;
	[bflag:$0x0] =	sbarrier.arrive $0xFFFF  }
0x4c: {  	s30 =	simm.s32 $0x3;
	[sflag:s2] =	ssyncpa.u1 $0x1  }
0x4d: {  	s31 =	simm.s32 $0x1;
	[sflag:s30] =	ssyncpa.u1 $0x1  }
0x4e: {  	[sflag:s31] =	ssyncpa.u1 $0x1  }
0x4f: {  	p0 =	sne.s32 s1, $0x0;
	_ =	strace $0x9000005C  }
0x50: {  	s0 =	sadd.s32 @!p0 $0x100000, s0;
	[bflag:$0x2] =	sbarrier.arrive $0xFFFF  }
0x51: {  	[sflag:s0] =	ssyncadd.tile.s32 @!p0 $0x1;
	_ =	shalt  }
.Lfunc_end2:
_tile_overlayer_lowered:
.L_overlay_start_2:
0x52: {  	(tag) =	ssettag $0x2  }
0x53: {  	s0 =	rddreg [dreg:$0x0];
	s2 =	stileid.u32  }
0x54: {  	s1 =	rddreg [dreg:$0x1];
	p0 =	sne.s32 s2, $0x0  }
0x55: {  	s3 =	rddreg [dreg:$0x2];
	[bflag:$0x3] =	sbarrier.arrive $0xFFFF;
	s2 =	simm.s32 @!p0 $0x1C01  }
0x56: {  	[timem:s3], [sflag:s2] =	dma.local @!p0 [hbm:s0], s1  }
0x57: {  	s0 =	simm.s32 @!p0 $0x1  }
0x58: {  	_ =	swait.ge @!p0 [sflag:s0], s1  }
0x59: {  	s1 =	ssub.s32 @!p0 $0x0, s1;
	[sflag:s0] =	ssyncset.done @!p0 $0x0  }
0x5a: {  	[sflag:s0] =	ssyncadd.s32 @!p0 s1  }
0x5b: {  	[bflag:$0x3] =	sbarrier.arrive $0xFFFF  }
0x5c: {  	_ =	shalt  }

// kernel: gather_offload_async_start.2
scs
__scs_entry_jumppad:
0x0: {  	(pc) =	sbr.rel $0x88, $3  }
0x1: {  	(tag) =	ssettag $0x0;
	lr =	simm.s32 $0x1  }
0x2: {  	[smem:$0x3F9E] =	sst lr;
	_ =	strace $0xD0000000  }
0x3: {  	_ = 	snop  }
0x4: {  	_ = 	snop  }
0x5: {  	_ = 	snop  }
0x6: {  	_ = 	snop  }
0x7: {  	_ = 	snop  }
__scs_overlays_trampoline_lowered:
0x8: {  	[smem:$0x3FAD] =	sst s0  }
0x9: {  	[smem:$0x3FAE] =	sst s1  }
0xa: {  	[smem:$0x3FAF] =	sst s2  }
0xb: {  	[smem:$0x3FB0] =	sst s3  }
0xc: {  	[smem:$0x3FB1] =	sst s4  }
0xd: {  	[smem:$0x3FB2] =	sst s5  }
0xe: {  	[smem:$0x3FB3] =	sst s6  }
0xf: {  	[smem:$0x3FB4] =	sst s7  }
0x10: {  	[smem:$0x3FB5] =	sst s8  }
0x11: {  	[smem:$0x3FB6] =	sst s9;
	s0 =	simm.s32 @!p0 $0x0  }
0x12: {  	s1 =	sld [smem:$0x3F9C];
	s0 =	simm.s32 @p0 $0x1  }
0x13: {  	[smem:$0x3FB7] =	sst s0;
	s0 =	simm.s32 @!p1 $0x0  }
0x14: {  	s2 =	sld [smem:$0x3F9B];
	s0 =	simm.s32 @p1 $0x1  }
0x15: {  	[smem:$0x3FB8] =	sst s0;
	s0 =	simm.s32 @!p2 $0x0  }
0x16: {  	s3 =	sld [smem:$0x3FDB];
	s0 =	simm.s32 @p2 $0x1  }
0x17: {  	s4 =	simm.s32 $0x1BF5;
	[smem:$0x3FBA] =	sst s0  }
0x18: {  	s0 =	sld [smem:$0x3F9D];
	_ =	swait.ge [sflag:s4], $0x0  }
0x19: {  	s7 =	sld [smem:$0x3F9E]  }
0x1a: {  	s8 =	sadd.s32 $0xFFFFE003, lr  }
0x1b: {  	s9 =	sadd.s32 $0xFFFFFEF7, lr;
	s5 =	simm.s32 $0xFFFFFFFF;
	p2 =	slt.u32 s8, $0xFFFFF086  }
0x1c: {  	p1 =	slt.u32 s9, $0xF7A;
	s5 =	simm.s32 @!p2 $0x0  }
0x1d: {  	s5 =	simm.s32 @p1 $0x1;
	p0 =	seq.s32 s7, s2  }
0x1e: {  	s7 =	smul.u32 @!p0 $0xF7A, s2;
	p2 =	seq.s32 @!p0 s5, $0x0  }
0x1f: {  	s9 =	smul.u32 $0xF7A, s1;
	s8 =	simm.s32 @!p0 $0x1BF5;
	p2 =	por !p2, p0  }
0x20: {  	[sflag:s8] =	ssyncset.s32 @!p0 $0xFFFFF086;
	s6 =	sadd.s32 @!p0 s3, s7;
	s7 =	simm.s32 @!p0 $0x108  }
0x21: {  	s3 =	sadd.s32 s3, s9;
	s6 =	sadd.s32 @!p0 $0x88, s6;
	s7 =	simm.s32 @p2 $0x1082  }
0x22: {  	[simem:s7], [sflag:s8] =	dma.local @!p0 [hbm:s6], $0xF7A  }
0x23: {  	s9 =	sor.u32 $0xD0000000, s2;
	s6 =	simm.s32 $0x108;
	_ =	swait.ge @!p0 [sflag:s8], $0x0  }
0x24: {  	s3 =	sadd.s32 $0x88, s3;
	s6 =	simm.s32 @!p1 $0x1082;
	[sflag:s4] =	ssyncset.s32 $0xFFFFF086  }
0x25: {  	[simem:s6], [sflag:s4] =	dma.local [hbm:s3], $0xF7A  }
0x26: {  	[smem:$0x3F9E] =	sst s1;
	(tag) =	ssettag s2;
	_ =	strace s9  }
0x27: {  	s1 =	sld [smem:$0x3FAE]  }
0x28: {  	s2 =	sld [smem:$0x3FAF]  }
0x29: {  	s4 =	sld [smem:$0x3FB1]  }
0x2a: {  	p0 =	seq.s32 s5, $0x0;
	s5 =	sld [smem:$0x3FB2]  }
0x2b: {  	s6 =	sld [smem:$0x3FB3]  }
0x2c: {  	s7 =	sld [smem:$0x3FB4]  }
0x2d: {  	s3 =	simm.s32 $0x108;
	s8 =	sld [smem:$0x3FB5]  }
0x2e: {  	s3 =	simm.s32 @!p0 $0x1082;
	s9 =	sld [smem:$0x3FB6]  }
0x2f: {  	lr =	sadd.s32 s0, s3;
	s0 =	sld [smem:$0x3FAD]  }
0x30: {  	s3 =	sld [smem:$0x3FB0]  }
0x31: {  	[smem:$0x3FB9] =	sst s10  }
0x32: {  	s10 =	sld [smem:$0x3FB7];
	_ =	sdelay $0x3  }
0x33: {  	p0 =	seq.s32 s10, $0x1;
	s10 =	sld [smem:$0x3FB9];
	_ =	sdelay $0x3  }
0x34: {  	[smem:$0x3FB9] =	sst s10  }
0x35: {  	s10 =	sld [smem:$0x3FB8];
	_ =	sdelay $0x3  }
0x36: {  	p1 =	seq.s32 s10, $0x1;
	s10 =	sld [smem:$0x3FB9];
	_ =	sdelay $0x3  }
0x37: {  	[smem:$0x3FB9] =	sst s10  }
0x38: {  	s10 =	sld [smem:$0x3FBA]  }
0x39: {  	_ = 	snop;
	(pc) =	sbr.ind lr, $3  }
0x3a: {  	_ = 	snop  }
0x3b: {  	_ = 	snop  }
0x3c: {  	p2 =	seq.s32 s10, $0x1;
	s10 =	sld [smem:$0x3FB9]  }
0x3d: {  	_ =	shalt  }
0x3e: {  	_ =	shalt  }
0x3f: {  	_ =	shalt  }
0x40: {  	_ =	shalt  }
0x41: {  	_ =	shalt  }
0x42: {  	_ =	shalt  }
0x43: {  	_ =	shalt  }
0x44: {  	_ =	shalt  }
0x45: {  	_ =	shalt  }
0x46: {  	_ =	shalt  }
0x47: {  	_ =	shalt  }
0x48: {  	_ =	shalt  }
0x49: {  	_ =	shalt  }
0x4a: {  	_ =	shalt  }
0x4b: {  	_ =	shalt  }
0x4c: {  	_ =	shalt  }
0x4d: {  	_ =	shalt  }
0x4e: {  	_ =	shalt  }
0x4f: {  	_ =	shalt  }
0x50: {  	_ =	shalt  }
0x51: {  	_ =	shalt  }
0x52: {  	_ =	shalt  }
0x53: {  	_ =	shalt  }
0x54: {  	_ =	shalt  }
0x55: {  	_ =	shalt  }
0x56: {  	_ =	shalt  }
0x57: {  	_ =	shalt  }
0x58: {  	_ =	shalt  }
0x59: {  	_ =	shalt  }
0x5a: {  	_ =	shalt  }
0x5b: {  	_ =	shalt  }
0x5c: {  	_ =	shalt  }
0x5d: {  	_ =	shalt  }
0x5e: {  	_ =	shalt  }
0x5f: {  	_ =	shalt  }
0x60: {  	_ =	shalt  }
0x61: {  	_ =	shalt  }
0x62: {  	_ =	shalt  }
0x63: {  	_ =	shalt  }
0x64: {  	_ =	shalt  }
0x65: {  	_ =	shalt  }
0x66: {  	_ =	shalt  }
0x67: {  	_ =	shalt  }
0x68: {  	_ =	shalt  }
0x69: {  	_ =	shalt  }
0x6a: {  	_ =	shalt  }
0x6b: {  	_ =	shalt  }
0x6c: {  	_ =	shalt  }
0x6d: {  	_ =	shalt  }
0x6e: {  	_ =	shalt  }
0x6f: {  	_ =	shalt  }
0x70: {  	_ =	shalt  }
0x71: {  	_ =	shalt  }
0x72: {  	_ =	shalt  }
0x73: {  	_ =	shalt  }
0x74: {  	_ =	shalt  }
0x75: {  	_ =	shalt  }
0x76: {  	_ =	shalt  }
0x77: {  	_ =	shalt  }
0x78: {  	_ =	shalt  }
0x79: {  	_ =	shalt  }
0x7a: {  	_ =	shalt  }
0x7b: {  	_ =	shalt  }
0x7c: {  	_ =	shalt  }
0x7d: {  	_ =	shalt  }
0x7e: {  	_ =	shalt  }
0x7f: {  	_ =	shalt  }
0x80: {  	_ =	shalt  }
0x81: {  	_ =	shalt  }
0x82: {  	_ =	shalt  }
0x83: {  	_ =	shalt  }
0x84: {  	_ =	shalt  }
0x85: {  	_ =	shalt  }
0x86: {  	_ =	shalt  }
0x87: {  	_ =	shalt  }
.Lfunc_end0:
.L_simem_size_0:
called_computation.2_lowered:
.L_overlay_start_0:
0x88: {  	s0 =	sld [smem:$0x3FD9]  }
0x89: {  	s1 =	sld [smem:$0x3FFE];
	_ =	sdelay $0x3  }
0x8a: {  	s0 =	sadd.s32 s1, s0  }
0x8b: {  	[smem:$0x3FC5] =	sst s0  }
0x8c: {  	_ = 	snop  }
0x8d: {  	s0 =	sld [smem:$0x3FD0];
	(tm) =	ssettm $0x1  }
0x8e: {  	s16 =	sld [smem:$0x3FFB];
	_ =	sdelay $0x3  }
0x8f: {  	_ =	strace s16  }
0x90: {  	s1 =	sld [smem:$0x3FFC];
	_ =	sdelay $0x3  }
0x91: {  	_ =	strace s1  }
0x92: {  	s1 =	sld [smem:$0x3FFD];
	_ =	sdelay $0x3  }
0x93: {  	_ =	strace s1  }
0x94: {  	_ =	strace $0x8FFFFFFF  }
0x95: {  	s17 =	sld [smem:$0x3FDB];
	_ =	sdelay $0x1  }
0x96: {  	s2 =	simm.s32 $_scs_section_size  }
0x97: {  	s3 =	simm.s32 $_size__tile_overlayer_lowered;
	s4 =	simm.s32 $_tile_overlayer_lowered  }
0x98: {  	s20 =	simm.s32 $0x1BFF;
	s19 =	sshll.u32 s4, $0x1;
	s1 =	sadd.s32 s2, s17  }
0x99: {  	s5 =	simm.s32 $0x0;
	s18 =	sshll.u32 s3, $0x1;
	s3 =	sadd.s32 s19, s1  }
0x9a: {  	[timem:s5], [sflag:s20] =	dma.local [hbm:s3], s18  }
0x9b: {  	_ =	swait.ge [sflag:s20], s18  }
0x9c: {  	s2 =	ssub.s32 $0x0, s18;
	[sflag:s20] =	ssyncset.done $0x0  }
0x9d: {  	[sflag:s20] =	ssyncadd.s32 s2;
	_ =	sdelay $0x1  }
0x9e: {  	s21 =	simm.s32 $0x1B8B  }
0x9f: {  	_ =	swait.ge [sflag:s21], $0x1  }
0xa0: {  	[sflag:s21] =	ssyncset.done $0x0  }
0xa1: {  	s23 =	simm.s32 $0x1B8E;
	s22 =	sld [smem:$0x3FFE];
	[sflag:s21] =	ssyncadd.s32 $0xFFFFFFFF  }
0xa2: {  	s24 =	simm.s32 $execute0_lowered;
	[smem:$0x3FD2] =	sst s23  }
0xa3: {  	s3 =	sshll.u32 s24, $0x1;
	_ =	strace $0x80000055;
	[dreg:$0x1] =	wrdreg $0xFFFFFFFF  }
0xa4: {  	s25 =	simm.s32 $_size_execute0_lowered;
	s1 =	sadd.s32 s1, s3;
	[dreg:$0x0] =	wrdreg $0x0  }
0xa5: {  	s3 =	sshll.u32 s25, $0x1;
	[dreg:$0x2] =	wrdreg s1  }
0xa6: {  	[dreg:$0x3] =	wrdreg s3  }
0xa7: {  	[dreg:$0x4] =	wrdreg $0xC0  }
0xa8: {  	_ =	task [dreg:s5], $0x5FFFF  }
0xa9: {  	[dreg:$0x1] =	wrdreg $0xFFFFFFFF  }
0xaa: {  	[dreg:$0x0] =	wrdreg $0x60  }
0xab: {  	[dreg:$0x2] =	wrdreg s22  }
0xac: {  	[dreg:$0x3] =	wrdreg s0  }
0xad: {  	[dreg:$0x4] =	wrdreg $0x9  }
0xae: {  	_ =	task.clear_ibuf [dreg:s5], $0x5FFFF;
	_ =	strace $0x90000055  }
0xaf: {  	s26 =	simm.s32 $0x9;
	_ =	strace $0x80000057  }
0xb0: {  	_ =	swait.ge [sflag:s26], $0x1  }
0xb1: {  	[sflag:s26] =	ssyncadd.s32 $0xFFFFFFFF  }
0xb2: {  	_ =	strace $0x90000057  }
0xb3: {  	_ =	sfence  }
0xb4: {  	s28 =	sld [smem:$0x0];
	_ =	sdelay $0x1  }
0xb5: {  	s29 =	srdreg.scid  }
0xb6: {  	s30 =	sshll.u32 s29, $0xD;
	s31 =	sshrl.u32 s29, $0x2  }
0xb7: {  	s2 =	sand.u32 $0x4000, s30;
	s1 =	sand.u32 $0x1, s29;
	s0 =	sadd.s32 s31, s28  }
0xb8: {  	s1 =	sor.u32 s2, s1;
	s0 =	sshll.u32 s0, $0x11  }
0xb9: {  	s0 =	sor.u32 s0, s1  }
0xba: {  	s0 =	sadd.s32 $0x8F2B, s0  }
0xbb: {  	[sflag:s0] =	ssyncadd.remote.s32 $0x1  }
0xbc: {  	_ =	sfence.sel $0xFFFF  }
0xbd: {  	[dreg:$0x0] =	wrdreg $0xFFFFFFFF;
	(pc) =	sbr.abs _section_cstart, $3  }
0xbe: {  	[dreg:$0x1] =	wrdreg $0xFFFFFFFF  }
0xbf: {  	_ =	task.clear_ibuf [dreg:s5], $0x2FFFF;
	_ =	strace $0x9FFFFFFF  }
0xc0: {  	(tm) =	ssettm $0x7FFFFFFF  }
0xc1: {  	_ =	shalt  }
tec
execute0_lowered:
.L_overlay_start_1:
0x0: {  	(tag) =	ssettag $0x1  }
0x1: {  	s2 =	rddreg [dreg:$0x0]  }
0x2: {  	s3 =	rddreg [dreg:$0x1]  }
0x3: {  	s0 =	rddreg [dreg:$0x2];
	s1 =	stileid.u32;
	_ =	strace $0x80000056  }
0x4: {  	s5 =	simm.s32 $0x1;
	s6 =	simm.s32 $0x500;
	s8 =	simm.s32 $0x1  }
0x5: {  	s9 =	simm.s32 $0x3;
	s10 =	simm.s32 $0x0;
	s4 =	smul.u32 $0x50, s1  }
0x6: {  	s13 =	simm.s32 $0x0;
	s12 =	simm.s32 $0x0;
	p0 =	slt.u32 s1, $0xA  }
.Ltmp0:
0x7: {  	s6 =	simm.s32 @!p0 $0x0;
	s7 =	ssub.s32 $0x7D0, s4;
	(pc) =	sbr.rel .LBB2_1-.Ltmp0, $4  }
0x8: {  	s8 =	simm.s32 @!p0 $0x0;
	p0 =	sne.s32 s7, s6;
	s7 =	simm.s32 $0x1  }
0x9: {  	[sflag:s5] =	ssyncpa.u1 $0x0;
	s6 =	simm.s32 $0x2;
	s7 =	simm.s32 @!p0 $0x0  }
0xa: {  	s11 =	smov.u32 s4;
	[sflag:s6] =	ssyncpa.u1 $0x0;
	s7 =	sadd.s32 s8, s7  }
0xb: {  	vm0 =	vmmov $0xffff;
	s8 =	sadd.s32 $0x200, s2;
	[sflag:s9] =	ssyncpa.u1 $0x0;
	s9 =	sadd.s32 $0x1, s7  }
.LBB2_4:
0xc: {  	vm1 =	veq.s32 v4, $0x80000000;
	v56 =	vand.u32 $0x1, v4;
	v6 =	vand.u32 $0x1FFFFF, v6  }
0xd: {  	v2 =	vor.u32 v2, v5;
	v59 =	vshrl.u32 v1, $0x1;
	v60 =	vand.u32 $0x1, v1  }
0xe: {  	v4 =	vsel vm1, $0xFFFFFFFF, v56;
	v6 =	vsel vm1, $0xFFFFFFFF, v6;
	v2 =	vor.u32 v3, v2  }
0xf: {  	vm1 =	veq.s32 v1, $0x80000000;
	v5 =	vand.u32 $0x1FFFFF, v59;
	v7 =	vshrl.u32 v4, $0x1  }
0x10: {  	v57 =	vshll.u32 v6, $0x1;
	v4 =	vshll.u32 v4, $0x7;
	v1 =	vsel vm1, $0xFFFFFFFF, v60  }
0x11: {  	v5 =	vsel vm1, $0xFFFFFFFF, v5;
	v6 =	vand.u32 $0x7F, v6;
	v7 =	vmul.u32 $0x360000, v7  }
0x12: {  	v58 =	vand.u32 $0xFFFFFF00, v57;
	v4 =	vand.u32 $0x80, v4;
	v61 =	vshrl.u32 v1, $0x1  }
0x13: {  	v62 =	vshll.u32 v5, $0x1;
	v3 =	vadd.s32 v7, v58;
	v7 =	vmul.u32 $0x360000, v61  }
0x14: {  	v1 =	vshll.u32 v1, $0x7;
	v3 =	vor.u32 v4, v3;
	v4 =	vand.u32 $0xFFFFFF00, v62  }
0x15: {  	v1 =	vand.u32 $0x80, v1;
	v3 =	vor.u32 v6, v3;
	v4 =	vadd.s32 v7, v4  }
0x16: {  	[tilespmem:s16], [sflag:$0x1] =	stream.indirect_vreg.gather [hbm4b:s8+s10], $0x1, v0, vm0, $0x4038;
	v63 =	vand.u32 $0x7F, v5;
	v1 =	vor.u32 v1, v4;
	[tilespmem:$0x140] =	vst v63  }
0x17: {  	s15 =	sadd.s32 $0x10, s15;
	(ifvalue) =	ssetifvalue $0x7FFFFFFF;
	v0 =	vor.u32 v63, v1  }
0x18: {  	[tilespmem:s15], [sflag:$0x1] =	stream.indirect_vreg.gather [hbm4b:s8+s10], $0x1, v2, vm0, $0x4038;
	[tilespmem:$0x140] =	vst v63  }
0x19: {  	s15 =	sadd.s32 $0x10, s15;
	(ifvalue) =	ssetifvalue $0x7FFFFFFF  }
0x1a: {  	[tilespmem:s15], [sflag:$0x1] =	stream.indirect_vreg.gather [hbm4b:s8+s10], $0x1, v3, vm0, $0x4038;
	[tilespmem:$0x140] =	vst v63  }
0x1b: {  	s15 =	sadd.s32 $0x10, s15;
	(ifvalue) =	ssetifvalue $0x7FFFFFFF  }
0x1c: {  	[tilespmem:s15], [sflag:$0x1] =	stream.indirect_vreg.gather [hbm4b:s8+s10], $0x1, v0, vm0, $0x4038;
	[tilespmem:$0x140] =	vst v63  }
0x1d: {  	_ =	swait.ge [sflag:s5], $0x50  }
0x1e: {  	s30 =	sshrl.u32 s13, $0x3;
	[sflag:s5] =	ssyncset.done $0x0  }
0x1f: {  	s31 =	sand.u32 $0x7, s13;
	s15 =	sadd.s32 s2, s30;
	[sflag:s5] =	ssyncadd.s32 $0xFFFFFFB0  }
0x20: {  	[hbm4b:s15+s31] =	stream.linear.scatter [tilespmem:s14], [sflag:$0x3], $0x50, $0x38;
	[tilespmem:$0x140] =	vst v63  }
.LBB2_5:
0x21: {  	s15 =	sadd.s32 $0x500, s11  }
0x22: {  	p1 =	sgt.s32 s15, $0x7CF  }
0x23: {  	s15 =	smov.u32 @p1 s4;
	p1 =	sne.s32 s12, s9  }
.Ltmp1:
0x24: {  	p0 =	slt.u32 s12, $0x2;
	(pc) =	sbr.rel @!p1 .LBB2_6-.Ltmp1, $4  }
0x25: {  	s14 =	simm.s32 @!p0 $0x3  }
0x26: {  	_ =	swait.ge @!p0 [sflag:s14], $0x50  }
0x27: {  	s16 =	sadd.s32 $0x1, s12;
	s13 =	smov.u32 s11;
	[sflag:s14] =	ssyncset.done @!p0 $0x0  }
0x28: {  	s12 =	smov.u32 s16;
	s11 =	smov.u32 s15;
	[sflag:s14] =	ssyncadd.s32 @!p0 $0xFFFFFFB0  }
.LBB2_1:
0x29: {  	p0 =	sge.u32 s12, s7  }
0x2a: {  	s14 =	sxor.u32 @!p0 $0x1, s12  }
0x2b: {  	s14 =	smul.u32 @!p0 $0x140, s14  }
0x2c: {  	s31 =	sadd.s32 $0xFFFFFFFF, s12;
	s15 =	sshrl.u32 @!p0 s11, $0x3  }
0x2d: {  	s16 =	sand.u32 @!p0 $0x7, s11;
	s15 =	sadd.s32 @!p0 s3, s15;
	s14 =	sshra.s32 @!p0 s14, $0x2  }
0x2e: {  	[tilespmem:s14], [sflag:$0x2] =	stream.linear.gather @!p0 [hbm4b:s15+s16], $0x50, $0x38;
	[tilespmem:$0x140] =	vst v63  }
0x2f: {  	p0 =	sge.u32 s31, s7  }
.Ltmp2:
0x30: {  	_ = 	snop;
	(pc) =	sbr.rel @p0 .LBB2_5-.Ltmp2, $1  }
0x31: {  	_ =	sdelay $0x3  }
0x32: {  	s14 =	sand.u32 $0x1, s12  }
0x33: {  	_ =	swait.ge [sflag:s6], $0x50;
	p0 =	seq.s32 s14, $0x1;
	s14 =	simm.s32 $0x50  }
0x34: {  	[sflag:s6] =	ssyncset.done $0x0;
	s14 =	simm.s32 @!p0 $0x0  }
0x35: {  	[sflag:s6] =	ssyncadd.s32 $0xFFFFFFB0;
	(ifvalue) =	ssetifvalue $0x7FFFFFFF;
	v0 =	vld.msk [tilespmem:s14+$0x0 ss:$0x1], $0xffff  }
0x36: {  	s15 =	sadd.s32 $0x10, s14  }
0x37: {  	v1 =	vld.msk [tilespmem:s15+$0x0 ss:$0x1], $0xffff;
	_ =	sdelay $0x2  }
0x38: {  	v2 =	vshrl.u32 v0, $0x1  }
0x39: {  	vm1 =	veq.s32 v0, $0x80000000;
	v0 =	vand.u32 $0x1, v0;
	v2 =	vand.u32 $0x1FFFFF, v2  }
0x3a: {  	v0 =	vsel vm1, $0xFFFFFFFF, v0;
	v6 =	vshrl.u32 v1, $0x1;
	v2 =	vsel vm1, $0xFFFFFFFF, v2  }
0x3b: {  	v3 =	vshrl.u32 v0, $0x1;
	v0 =	vshll.u32 v0, $0x7;
	vm1 =	veq.s32 v1, $0x80000000  }
0x3c: {  	s15 =	sadd.s32 $0x10, s15;
	v1 =	vand.u32 $0x1, v1;
	v4 =	vshll.u32 v2, $0x1;
	v3 =	vmul.u32 $0x360000, v3  }
0x3d: {  	v0 =	vand.u32 $0x80, v0;
	v7 =	vand.u32 $0x7F, v2;
	v5 =	vand.u32 $0xFFFFFF00, v4;
	v4 =	vld.msk [tilespmem:s15+$0x0 ss:$0x1], $0xffff  }
0x3e: {  	v1 =	vsel vm1, $0xFFFFFFFF, v1;
	v2 =	vadd.s32 v3, v5;
	v3 =	vand.u32 $0x1FFFFF, v6  }
0x3f: {  	v3 =	vsel vm1, $0xFFFFFFFF, v3;
	v0 =	vor.u32 v0, v2;
	v2 =	vshrl.u32 v1, $0x1  }
0x40: {  	v1 =	vshll.u32 v1, $0x7;
	v5 =	vshll.u32 v3, $0x1;
	v8 =	vmul.u32 $0x360000, v2  }
0x41: {  	s18 =	simm.s32 $0x30;
	s14 =	sor.u32 $0xA0, s14;
	s17 =	sadd.s32 $0x10, s15;
	v2 =	vand.u32 $0x80, v1;
	v0 =	vor.u32 v7, v0;
	v5 =	vand.u32 $0xFFFFFF00, v5  }
0x42: {  	s16 =	smov.u32 s14;
	s15 =	smov.u32 s14;
	v1 =	vld.msk [tilespmem:s17+$0x0 ss:$0x1], $0xffff;
	v3 =	vand.u32 $0x7F, v3;
	(ifvalue) =	ssetifvalue $0x7FFFFFFF;
	v6 =	vshrl.u32 v4, $0x1;
	v5 =	vadd.s32 v8, v5  }
.LBB2_3:
0x43: {  	s18 =	sadd.s32 $0x10, s18  }
0x44: {  	vm1 =	veq.s32 v4, $0x80000000;
	v4 =	vand.u32 $0x1, v4;
	v6 =	vand.u32 $0x1FFFFF, v6;
	s15 =	sadd.s32 $0x10, s15;
	p0 =	slt.u32 s18, $0x40  }
.Ltmp3:
0x45: {  	v5 =	vor.u32 v2, v5;
	v4 =	vsel vm1, $0xFFFFFFFF, v4;
	v7 =	vsel vm1, $0xFFFFFFFF, v6;
	(pc) =	sbr.rel @p0 .LBB2_3-.Ltmp3, $4  }
0x46: {  	v2 =	vshrl.u32 v4, $0x1;
	v6 =	vshll.u32 v7, $0x1;
	v4 =	vshll.u32 v4, $0x7;
	[tilespmem:s16], [sflag:$0x1] =	stream.indirect_vreg.gather [hbm4b:s8+s10], $0x1, v0, vm0, $0x4038;
	[tilespmem:$0x140] =	vst v63  }
0x47: {  	v0 =	vor.u32 v3, v5;
	s16 =	smov.u32 s15;
	v8 =	vmul.u32 $0x360000, v2;
	v2 =	vand.u32 $0x80, v4  }
0x48: {  	s17 =	sadd.s32 $0x10, s17;
	v9 =	vand.u32 $0xFFFFFF00, v6  }
0x49: {  	v3 =	vand.u32 $0x7F, v7;
	v6 =	vshrl.u32 v1, $0x1;
	v5 =	vadd.s32 v8, v9;
	(ifvalue) =	ssetifvalue $0x7FFFFFFF;
	v4 =	vmovc v1;
	v1 =	vld.msk [tilespmem:s17+$0x0 ss:$0x1], $0xffff  }
.Ltmp4:
0x4a: {  	_ = 	snop;
	(pc) =	sbr.rel .LBB2_4-.Ltmp4, $1  }
0x4b: {  	_ =	sdelay $0x3  }
.LBB2_6:
0x4c: {  	_ =	sfence.sel $0x180000  }
0x4d: {  	s2 =	simm.s32 $0x2;
	[bflag:$0x0] =	sbarrier.arrive $0xFFFF  }
0x4e: {  	s30 =	simm.s32 $0x3;
	[sflag:s2] =	ssyncpa.u1 $0x1  }
0x4f: {  	s31 =	simm.s32 $0x1;
	[sflag:s30] =	ssyncpa.u1 $0x1  }
0x50: {  	[sflag:s31] =	ssyncpa.u1 $0x1  }
0x51: {  	p0 =	sne.s32 s1, $0x0;
	_ =	strace $0x90000056  }
0x52: {  	s0 =	sadd.s32 @!p0 $0x100000, s0;
	[bflag:$0x2] =	sbarrier.arrive $0xFFFF  }
0x53: {  	[sflag:s0] =	ssyncadd.tile.s32 @!p0 $0x1;
	_ =	shalt  }
.Lfunc_end2:
_tile_overlayer_lowered:
.L_overlay_start_2:
0x54: {  	(tag) =	ssettag $0x2  }
0x55: {  	s0 =	rddreg [dreg:$0x0];
	s2 =	stileid.u32  }
0x56: {  	s1 =	rddreg [dreg:$0x1];
	p0 =	sne.s32 s2, $0x0  }
0x57: {  	s3 =	rddreg [dreg:$0x2];
	[bflag:$0x3] =	sbarrier.arrive $0xFFFF;
	s2 =	simm.s32 @!p0 $0x1C01  }
0x58: {  	[timem:s3], [sflag:s2] =	dma.local @!p0 [hbm:s0], s1  }
0x59: {  	s0 =	simm.s32 @!p0 $0x1  }
0x5a: {  	_ =	swait.ge @!p0 [sflag:s0], s1  }
0x5b: {  	s1 =	ssub.s32 @!p0 $0x0, s1;
	[sflag:s0] =	ssyncset.done @!p0 $0x0  }
0x5c: {  	[sflag:s0] =	ssyncadd.s32 @!p0 s1  }
0x5d: {  	[bflag:$0x3] =	sbarrier.arrive $0xFFFF  }
0x5e: {  	_ =	shalt  }

// kernel: gather_offload_async_start.3
scs
__scs_entry_jumppad:
0x0: {  	(pc) =	sbr.rel $0x88, $3  }
0x1: {  	(tag) =	ssettag $0x0;
	lr =	simm.s32 $0x1  }
0x2: {  	[smem:$0x3F9E] =	sst lr;
	_ =	strace $0xD0000000  }
0x3: {  	_ = 	snop  }
0x4: {  	_ = 	snop  }
0x5: {  	_ = 	snop  }
0x6: {  	_ = 	snop  }
0x7: {  	_ = 	snop  }
__scs_overlays_trampoline_lowered:
0x8: {  	[smem:$0x3FAD] =	sst s0  }
0x9: {  	[smem:$0x3FAE] =	sst s1  }
0xa: {  	[smem:$0x3FAF] =	sst s2  }
0xb: {  	[smem:$0x3FB0] =	sst s3  }
0xc: {  	[smem:$0x3FB1] =	sst s4  }
0xd: {  	[smem:$0x3FB2] =	sst s5  }
0xe: {  	[smem:$0x3FB3] =	sst s6  }
0xf: {  	[smem:$0x3FB4] =	sst s7  }
0x10: {  	[smem:$0x3FB5] =	sst s8  }
0x11: {  	[smem:$0x3FB6] =	sst s9;
	s0 =	simm.s32 @!p0 $0x0  }
0x12: {  	s1 =	sld [smem:$0x3F9C];
	s0 =	simm.s32 @p0 $0x1  }
0x13: {  	[smem:$0x3FB7] =	sst s0;
	s0 =	simm.s32 @!p1 $0x0  }
0x14: {  	s2 =	sld [smem:$0x3F9B];
	s0 =	simm.s32 @p1 $0x1  }
0x15: {  	[smem:$0x3FB8] =	sst s0;
	s0 =	simm.s32 @!p2 $0x0  }
0x16: {  	s3 =	sld [smem:$0x3FDB];
	s0 =	simm.s32 @p2 $0x1  }
0x17: {  	s4 =	simm.s32 $0x1BF5;
	[smem:$0x3FBA] =	sst s0  }
0x18: {  	s0 =	sld [smem:$0x3F9D];
	_ =	swait.ge [sflag:s4], $0x0  }
0x19: {  	s7 =	sld [smem:$0x3F9E]  }
0x1a: {  	s8 =	sadd.s32 $0xFFFFE003, lr  }
0x1b: {  	s9 =	sadd.s32 $0xFFFFFEF7, lr;
	s5 =	simm.s32 $0xFFFFFFFF;
	p2 =	slt.u32 s8, $0xFFFFF086  }
0x1c: {  	p1 =	slt.u32 s9, $0xF7A;
	s5 =	simm.s32 @!p2 $0x0  }
0x1d: {  	s5 =	simm.s32 @p1 $0x1;
	p0 =	seq.s32 s7, s2  }
0x1e: {  	s7 =	smul.u32 @!p0 $0xF7A, s2;
	p2 =	seq.s32 @!p0 s5, $0x0  }
0x1f: {  	s9 =	smul.u32 $0xF7A, s1;
	s8 =	simm.s32 @!p0 $0x1BF5;
	p2 =	por !p2, p0  }
0x20: {  	[sflag:s8] =	ssyncset.s32 @!p0 $0xFFFFF086;
	s6 =	sadd.s32 @!p0 s3, s7;
	s7 =	simm.s32 @!p0 $0x108  }
0x21: {  	s3 =	sadd.s32 s3, s9;
	s6 =	sadd.s32 @!p0 $0x88, s6;
	s7 =	simm.s32 @p2 $0x1082  }
0x22: {  	[simem:s7], [sflag:s8] =	dma.local @!p0 [hbm:s6], $0xF7A  }
0x23: {  	s9 =	sor.u32 $0xD0000000, s2;
	s6 =	simm.s32 $0x108;
	_ =	swait.ge @!p0 [sflag:s8], $0x0  }
0x24: {  	s3 =	sadd.s32 $0x88, s3;
	s6 =	simm.s32 @!p1 $0x1082;
	[sflag:s4] =	ssyncset.s32 $0xFFFFF086  }
0x25: {  	[simem:s6], [sflag:s4] =	dma.local [hbm:s3], $0xF7A  }
0x26: {  	[smem:$0x3F9E] =	sst s1;
	(tag) =	ssettag s2;
	_ =	strace s9  }
0x27: {  	s1 =	sld [smem:$0x3FAE]  }
0x28: {  	s2 =	sld [smem:$0x3FAF]  }
0x29: {  	s4 =	sld [smem:$0x3FB1]  }
0x2a: {  	p0 =	seq.s32 s5, $0x0;
	s5 =	sld [smem:$0x3FB2]  }
0x2b: {  	s6 =	sld [smem:$0x3FB3]  }
0x2c: {  	s7 =	sld [smem:$0x3FB4]  }
0x2d: {  	s3 =	simm.s32 $0x108;
	s8 =	sld [smem:$0x3FB5]  }
0x2e: {  	s3 =	simm.s32 @!p0 $0x1082;
	s9 =	sld [smem:$0x3FB6]  }
0x2f: {  	lr =	sadd.s32 s0, s3;
	s0 =	sld [smem:$0x3FAD]  }
0x30: {  	s3 =	sld [smem:$0x3FB0]  }
0x31: {  	[smem:$0x3FB9] =	sst s10  }
0x32: {  	s10 =	sld [smem:$0x3FB7];
	_ =	sdelay $0x3  }
0x33: {  	p0 =	seq.s32 s10, $0x1;
	s10 =	sld [smem:$0x3FB9];
	_ =	sdelay $0x3  }
0x34: {  	[smem:$0x3FB9] =	sst s10  }
0x35: {  	s10 =	sld [smem:$0x3FB8];
	_ =	sdelay $0x3  }
0x36: {  	p1 =	seq.s32 s10, $0x1;
	s10 =	sld [smem:$0x3FB9];
	_ =	sdelay $0x3  }
0x37: {  	[smem:$0x3FB9] =	sst s10  }
0x38: {  	s10 =	sld [smem:$0x3FBA]  }
0x39: {  	_ = 	snop;
	(pc) =	sbr.ind lr, $3  }
0x3a: {  	_ = 	snop  }
0x3b: {  	_ = 	snop  }
0x3c: {  	p2 =	seq.s32 s10, $0x1;
	s10 =	sld [smem:$0x3FB9]  }
0x3d: {  	_ =	shalt  }
0x3e: {  	_ =	shalt  }
0x3f: {  	_ =	shalt  }
0x40: {  	_ =	shalt  }
0x41: {  	_ =	shalt  }
0x42: {  	_ =	shalt  }
0x43: {  	_ =	shalt  }
0x44: {  	_ =	shalt  }
0x45: {  	_ =	shalt  }
0x46: {  	_ =	shalt  }
0x47: {  	_ =	shalt  }
0x48: {  	_ =	shalt  }
0x49: {  	_ =	shalt  }
0x4a: {  	_ =	shalt  }
0x4b: {  	_ =	shalt  }
0x4c: {  	_ =	shalt  }
0x4d: {  	_ =	shalt  }
0x4e: {  	_ =	shalt  }
0x4f: {  	_ =	shalt  }
0x50: {  	_ =	shalt  }
0x51: {  	_ =	shalt  }
0x52: {  	_ =	shalt  }
0x53: {  	_ =	shalt  }
0x54: {  	_ =	shalt  }
0x55: {  	_ =	shalt  }
0x56: {  	_ =	shalt  }
0x57: {  	_ =	shalt  }
0x58: {  	_ =	shalt  }
0x59: {  	_ =	shalt  }
0x5a: {  	_ =	shalt  }
0x5b: {  	_ =	shalt  }
0x5c: {  	_ =	shalt  }
0x5d: {  	_ =	shalt  }
0x5e: {  	_ =	shalt  }
0x5f: {  	_ =	shalt  }
0x60: {  	_ =	shalt  }
0x61: {  	_ =	shalt  }
0x62: {  	_ =	shalt  }
0x63: {  	_ =	shalt  }
0x64: {  	_ =	shalt  }
0x65: {  	_ =	shalt  }
0x66: {  	_ =	shalt  }
0x67: {  	_ =	shalt  }
0x68: {  	_ =	shalt  }
0x69: {  	_ =	shalt  }
0x6a: {  	_ =	shalt  }
0x6b: {  	_ =	shalt  }
0x6c: {  	_ =	shalt  }
0x6d: {  	_ =	shalt  }
0x6e: {  	_ =	shalt  }
0x6f: {  	_ =	shalt  }
0x70: {  	_ =	shalt  }
0x71: {  	_ =	shalt  }
0x72: {  	_ =	shalt  }
0x73: {  	_ =	shalt  }
0x74: {  	_ =	shalt  }
0x75: {  	_ =	shalt  }
0x76: {  	_ =	shalt  }
0x77: {  	_ =	shalt  }
0x78: {  	_ =	shalt  }
0x79: {  	_ =	shalt  }
0x7a: {  	_ =	shalt  }
0x7b: {  	_ =	shalt  }
0x7c: {  	_ =	shalt  }
0x7d: {  	_ =	shalt  }
0x7e: {  	_ =	shalt  }
0x7f: {  	_ =	shalt  }
0x80: {  	_ =	shalt  }
0x81: {  	_ =	shalt  }
0x82: {  	_ =	shalt  }
0x83: {  	_ =	shalt  }
0x84: {  	_ =	shalt  }
0x85: {  	_ =	shalt  }
0x86: {  	_ =	shalt  }
0x87: {  	_ =	shalt  }
.Lfunc_end0:
.L_simem_size_0:
called_computation.3_lowered:
.L_overlay_start_0:
0x88: {  	s0 =	sld [smem:$0x3FD9]  }
0x89: {  	s1 =	sld [smem:$0x3FFE];
	_ =	sdelay $0x3  }
0x8a: {  	s0 =	sadd.s32 s1, s0  }
0x8b: {  	[smem:$0x3FC5] =	sst s0  }
0x8c: {  	_ = 	snop  }
0x8d: {  	(tm) =	ssettm $0x1  }
0x8e: {  	s15 =	sld [smem:$0x3FFB];
	_ =	sdelay $0x3  }
0x8f: {  	_ =	strace s15  }
0x90: {  	s0 =	sld [smem:$0x3FFC];
	_ =	sdelay $0x3  }
0x91: {  	_ =	strace s0  }
0x92: {  	s0 =	sld [smem:$0x3FFD];
	_ =	sdelay $0x3  }
0x93: {  	_ =	strace s0  }
0x94: {  	_ =	strace $0x8FFFFFFF  }
0x95: {  	s16 =	sld [smem:$0x3FDB];
	_ =	sdelay $0x1  }
0x96: {  	s17 =	simm.s32 $_scs_section_size  }
0x97: {  	s2 =	simm.s32 $_size__tile_overlayer_lowered;
	s3 =	simm.s32 $_tile_overlayer_lowered  }
0x98: {  	s20 =	simm.s32 $0x1BFF;
	s19 =	sshll.u32 s3, $0x1;
	s0 =	sadd.s32 s17, s16  }
0x99: {  	s4 =	simm.s32 $0x0;
	s18 =	sshll.u32 s2, $0x1;
	s2 =	sadd.s32 s19, s0  }
0x9a: {  	[timem:s4], [sflag:s20] =	dma.local [hbm:s2], s18  }
0x9b: {  	_ =	swait.ge [sflag:s20], s18  }
0x9c: {  	s1 =	ssub.s32 $0x0, s18;
	[sflag:s20] =	ssyncset.done $0x0  }
0x9d: {  	[sflag:s20] =	ssyncadd.s32 s1;
	_ =	sdelay $0x1  }
0x9e: {  	s21 =	simm.s32 $0x1B8B  }
0x9f: {  	_ =	swait.ge [sflag:s21], $0x1  }
0xa0: {  	[sflag:s21] =	ssyncset.done $0x0  }
0xa1: {  	s23 =	simm.s32 $0x1B8E;
	s22 =	sld [smem:$0x3FFE];
	[sflag:s21] =	ssyncadd.s32 $0xFFFFFFFF  }
0xa2: {  	s24 =	simm.s32 $execute0_lowered;
	[smem:$0x3FD2] =	sst s23  }
0xa3: {  	s2 =	sshll.u32 s24, $0x1;
	_ =	strace $0x80000058;
	[dreg:$0x1] =	wrdreg $0xFFFFFFFF  }
0xa4: {  	s25 =	simm.s32 $_size_execute0_lowered;
	s0 =	sadd.s32 s0, s2;
	[dreg:$0x0] =	wrdreg $0x0  }
0xa5: {  	s2 =	sshll.u32 s25, $0x1;
	[dreg:$0x2] =	wrdreg s0  }
0xa6: {  	[dreg:$0x3] =	wrdreg s2  }
0xa7: {  	[dreg:$0x4] =	wrdreg $0xC0  }
0xa8: {  	_ =	task [dreg:s4], $0x5FFFF  }
0xa9: {  	[dreg:$0x1] =	wrdreg $0xFFFFFFFF  }
0xaa: {  	[dreg:$0x0] =	wrdreg $0x60  }
0xab: {  	[dreg:$0x2] =	wrdreg s22  }
0xac: {  	[dreg:$0x3] =	wrdreg $0xA  }
0xad: {  	_ =	task.clear_ibuf [dreg:s4], $0x4FFFF;
	_ =	strace $0x90000058  }
0xae: {  	s26 =	simm.s32 $0xA;
	_ =	strace $0x8000005A  }
0xaf: {  	_ =	swait.ge [sflag:s26], $0x1  }
0xb0: {  	[sflag:s26] =	ssyncadd.s32 $0xFFFFFFFF  }
0xb1: {  	_ =	strace $0x9000005A  }
0xb2: {  	_ =	sfence  }
0xb3: {  	s28 =	sld [smem:$0x0];
	_ =	sdelay $0x1  }
0xb4: {  	s29 =	srdreg.scid  }
0xb5: {  	s30 =	sshll.u32 s29, $0xD;
	s31 =	sshrl.u32 s29, $0x2  }
0xb6: {  	s1 =	sand.u32 $0x1, s29;
	s2 =	sand.u32 $0x4000, s30;
	s0 =	sadd.s32 s31, s28  }
0xb7: {  	s1 =	sor.u32 s2, s1;
	s0 =	sshll.u32 s0, $0x11  }
0xb8: {  	s0 =	sor.u32 s0, s1  }
0xb9: {  	s0 =	sadd.s32 $0x8F2B, s0  }
0xba: {  	[sflag:s0] =	ssyncadd.remote.s32 $0x1  }
0xbb: {  	_ =	sfence.sel $0xFFFF  }
0xbc: {  	[dreg:$0x0] =	wrdreg $0xFFFFFFFF;
	(pc) =	sbr.abs _section_cstart, $3  }
0xbd: {  	[dreg:$0x1] =	wrdreg $0xFFFFFFFF  }
0xbe: {  	_ =	task.clear_ibuf [dreg:s4], $0x2FFFF;
	_ =	strace $0x9FFFFFFF  }
0xbf: {  	(tm) =	ssettm $0x7FFFFFFF  }
tec
execute0_lowered:
.L_overlay_start_1:
0x0: {  	(tag) =	ssettag $0x1  }
0x1: {  	s8 =	rddreg [dreg:$0x0]  }
0x2: {  	s0 =	rddreg [dreg:$0x1];
	_ =	strace $0x80000059  }
0x3: {  	s1 =	stileid.u32;
	s5 =	simm.s32 $0x1;
	s6 =	simm.s32 $0x500  }
0x4: {  	s9 =	simm.s32 $0x1;
	s10 =	simm.s32 $0x3;
	s13 =	simm.s32 $0x0  }
0x5: {  	s12 =	simm.s32 $0x0;
	s2 =	sadd.s32 $0x200, s8;
	s4 =	smul.u32 $0x50, s1  }
0x6: {  	s3 =	sadd.s32 $0x6C800, s8;
	p0 =	slt.u32 s1, $0xA;
	[sflag:s5] =	ssyncpa.u1 $0x0  }
.Ltmp0:
0x7: {  	s6 =	simm.s32 @!p0 $0x0;
	s7 =	ssub.s32 $0x7D0, s4;
	(pc) =	sbr.rel .LBB2_1-.Ltmp0, $4  }
0x8: {  	s9 =	simm.s32 @!p0 $0x0;
	p0 =	sne.s32 s7, s6;
	s7 =	simm.s32 $0x1  }
0x9: {  	s8 =	sadd.s32 $0x6C200, s8;
	s6 =	simm.s32 $0x2;
	s7 =	simm.s32 @!p0 $0x0  }
0xa: {  	s11 =	smov.u32 s4;
	[sflag:s6] =	ssyncpa.u1 $0x0;
	s7 =	sadd.s32 s9, s7  }
0xb: {  	vm0 =	vmmov $0xffff;
	[sflag:s10] =	ssyncpa.u1 $0x0;
	s10 =	simm.s32 $0x0;
	s9 =	sadd.s32 $0x1, s7  }
.LBB2_4:
0xc: {  	vm1 =	veq.s32 v4, $0x80000000;
	v56 =	vand.u32 $0x1, v4;
	v6 =	vand.u32 $0x1FFFFF, v6  }
0xd: {  	v2 =	vor.u32 v2, v5;
	v59 =	vshrl.u32 v1, $0x1;
	v60 =	vand.u32 $0x1, v1  }
0xe: {  	v4 =	vsel vm1, $0xFFFFFFFF, v56;
	v6 =	vsel vm1, $0xFFFFFFFF, v6;
	v2 =	vor.u32 v3, v2  }
0xf: {  	vm1 =	veq.s32 v1, $0x80000000;
	v5 =	vand.u32 $0x1FFFFF, v59;
	v7 =	vshrl.u32 v4, $0x1  }
0x10: {  	v57 =	vshll.u32 v6, $0x1;
	v4 =	vshll.u32 v4, $0x7;
	v1 =	vsel vm1, $0xFFFFFFFF, v60  }
0x11: {  	v5 =	vsel vm1, $0xFFFFFFFF, v5;
	v6 =	vand.u32 $0x7F, v6;
	v7 =	vmul.u32 $0x360000, v7  }
0x12: {  	v58 =	vand.u32 $0xFFFFFF00, v57;
	v4 =	vand.u32 $0x80, v4;
	v61 =	vshrl.u32 v1, $0x1  }
0x13: {  	v62 =	vshll.u32 v5, $0x1;
	v3 =	vadd.s32 v7, v58;
	v7 =	vmul.u32 $0x360000, v61  }
0x14: {  	v1 =	vshll.u32 v1, $0x7;
	v3 =	vor.u32 v4, v3;
	v4 =	vand.u32 $0xFFFFFF00, v62  }
0x15: {  	v1 =	vand.u32 $0x80, v1;
	v3 =	vor.u32 v6, v3;
	v4 =	vadd.s32 v7, v4  }
0x16: {  	[tilespmem:s16], [sflag:$0x1] =	stream.indirect_vreg.gather [hbm4b:s2+s10], $0x1, v0, vm0, $0x4038;
	v63 =	vand.u32 $0x7F, v5;
	v1 =	vor.u32 v1, v4;
	[tilespmem:$0x140] =	vst v63  }
0x17: {  	s15 =	sadd.s32 $0x10, s15;
	(ifvalue) =	ssetifvalue $0x7FFFFFFF;
	v0 =	vor.u32 v63, v1  }
0x18: {  	[tilespmem:s15], [sflag:$0x1] =	stream.indirect_vreg.gather [hbm4b:s2+s10], $0x1, v2, vm0, $0x4038;
	[tilespmem:$0x140] =	vst v63  }
0x19: {  	s15 =	sadd.s32 $0x10, s15;
	(ifvalue) =	ssetifvalue $0x7FFFFFFF  }
0x1a: {  	[tilespmem:s15], [sflag:$0x1] =	stream.indirect_vreg.gather [hbm4b:s2+s10], $0x1, v3, vm0, $0x4038;
	[tilespmem:$0x140] =	vst v63  }
0x1b: {  	s15 =	sadd.s32 $0x10, s15;
	(ifvalue) =	ssetifvalue $0x7FFFFFFF  }
0x1c: {  	[tilespmem:s15], [sflag:$0x1] =	stream.indirect_vreg.gather [hbm4b:s2+s10], $0x1, v0, vm0, $0x4038;
	[tilespmem:$0x140] =	vst v63  }
0x1d: {  	_ =	swait.ge [sflag:s5], $0x50  }
0x1e: {  	s30 =	sshrl.u32 s13, $0x3;
	[sflag:s5] =	ssyncset.done $0x0  }
0x1f: {  	s31 =	sand.u32 $0x7, s13;
	s15 =	sadd.s32 s8, s30;
	[sflag:s5] =	ssyncadd.s32 $0xFFFFFFB0  }
0x20: {  	[hbm4b:s15+s31] =	stream.linear.scatter [tilespmem:s14], [sflag:$0x3], $0x50, $0x38;
	[tilespmem:$0x140] =	vst v63  }
.LBB2_5:
0x21: {  	s15 =	sadd.s32 $0x500, s11  }
0x22: {  	p1 =	sgt.s32 s15, $0x7CF  }
0x23: {  	s15 =	smov.u32 @p1 s4;
	p1 =	sne.s32 s12, s9  }
.Ltmp1:
0x24: {  	p0 =	slt.u32 s12, $0x2;
	(pc) =	sbr.rel @!p1 .LBB2_6-.Ltmp1, $4  }
0x25: {  	s14 =	simm.s32 @!p0 $0x3  }
0x26: {  	_ =	swait.ge @!p0 [sflag:s14], $0x50  }
0x27: {  	s16 =	sadd.s32 $0x1, s12;
	s13 =	smov.u32 s11;
	[sflag:s14] =	ssyncset.done @!p0 $0x0  }
0x28: {  	s12 =	smov.u32 s16;
	s11 =	smov.u32 s15;
	[sflag:s14] =	ssyncadd.s32 @!p0 $0xFFFFFFB0  }
.LBB2_1:
0x29: {  	p0 =	sge.u32 s12, s7  }
0x2a: {  	s14 =	sxor.u32 @!p0 $0x1, s12  }
0x2b: {  	s14 =	smul.u32 @!p0 $0x140, s14  }
0x2c: {  	s31 =	sadd.s32 $0xFFFFFFFF, s12;
	s15 =	sshrl.u32 @!p0 s11, $0x3  }
0x2d: {  	s16 =	sand.u32 @!p0 $0x7, s11;
	s15 =	sadd.s32 @!p0 s3, s15;
	s14 =	sshra.s32 @!p0 s14, $0x2  }
0x2e: {  	[tilespmem:s14], [sflag:$0x2] =	stream.linear.gather @!p0 [hbm4b:s15+s16], $0x50, $0x38;
	[tilespmem:$0x140] =	vst v63  }
0x2f: {  	p0 =	sge.u32 s31, s7  }
.Ltmp2:
0x30: {  	_ = 	snop;
	(pc) =	sbr.rel @p0 .LBB2_5-.Ltmp2, $1  }
0x31: {  	_ =	sdelay $0x3  }
0x32: {  	s14 =	sand.u32 $0x1, s12  }
0x33: {  	_ =	swait.ge [sflag:s6], $0x50;
	p0 =	seq.s32 s14, $0x1;
	s14 =	simm.s32 $0x50  }
0x34: {  	[sflag:s6] =	ssyncset.done $0x0;
	s14 =	simm.s32 @!p0 $0x0  }
0x35: {  	[sflag:s6] =	ssyncadd.s32 $0xFFFFFFB0;
	(ifvalue) =	ssetifvalue $0x7FFFFFFF;
	v0 =	vld.msk [tilespmem:s14+$0x0 ss:$0x1], $0xffff  }
0x36: {  	s15 =	sadd.s32 $0x10, s14  }
0x37: {  	v1 =	vld.msk [tilespmem:s15+$0x0 ss:$0x1], $0xffff;
	_ =	sdelay $0x2  }
0x38: {  	v2 =	vshrl.u32 v0, $0x1  }
0x39: {  	vm1 =	veq.s32 v0, $0x80000000;
	v0 =	vand.u32 $0x1, v0;
	v2 =	vand.u32 $0x1FFFFF, v2  }
0x3a: {  	v0 =	vsel vm1, $0xFFFFFFFF, v0;
	v6 =	vshrl.u32 v1, $0x1;
	v2 =	vsel vm1, $0xFFFFFFFF, v2  }
0x3b: {  	v3 =	vshrl.u32 v0, $0x1;
	v0 =	vshll.u32 v0, $0x7;
	vm1 =	veq.s32 v1, $0x80000000  }
0x3c: {  	s15 =	sadd.s32 $0x10, s15;
	v1 =	vand.u32 $0x1, v1;
	v4 =	vshll.u32 v2, $0x1;
	v3 =	vmul.u32 $0x360000, v3  }
0x3d: {  	v0 =	vand.u32 $0x80, v0;
	v7 =	vand.u32 $0x7F, v2;
	v5 =	vand.u32 $0xFFFFFF00, v4;
	v4 =	vld.msk [tilespmem:s15+$0x0 ss:$0x1], $0xffff  }
0x3e: {  	v1 =	vsel vm1, $0xFFFFFFFF, v1;
	v2 =	vadd.s32 v3, v5;
	v3 =	vand.u32 $0x1FFFFF, v6  }
0x3f: {  	v3 =	vsel vm1, $0xFFFFFFFF, v3;
	v0 =	vor.u32 v0, v2;
	v2 =	vshrl.u32 v1, $0x1  }
0x40: {  	v1 =	vshll.u32 v1, $0x7;
	v5 =	vshll.u32 v3, $0x1;
	v8 =	vmul.u32 $0x360000, v2  }
0x41: {  	s18 =	simm.s32 $0x30;
	s14 =	sor.u32 $0xA0, s14;
	s17 =	sadd.s32 $0x10, s15;
	v2 =	vand.u32 $0x80, v1;
	v0 =	vor.u32 v7, v0;
	v5 =	vand.u32 $0xFFFFFF00, v5  }
0x42: {  	s16 =	smov.u32 s14;
	s15 =	smov.u32 s14;
	v1 =	vld.msk [tilespmem:s17+$0x0 ss:$0x1], $0xffff;
	v3 =	vand.u32 $0x7F, v3;
	(ifvalue) =	ssetifvalue $0x7FFFFFFF;
	v6 =	vshrl.u32 v4, $0x1;
	v5 =	vadd.s32 v8, v5  }
.LBB2_3:
0x43: {  	s18 =	sadd.s32 $0x10, s18  }
0x44: {  	vm1 =	veq.s32 v4, $0x80000000;
	v4 =	vand.u32 $0x1, v4;
	v6 =	vand.u32 $0x1FFFFF, v6;
	s15 =	sadd.s32 $0x10, s15;
	p0 =	slt.u32 s18, $0x40  }
.Ltmp3:
0x45: {  	v5 =	vor.u32 v2, v5;
	v4 =	vsel vm1, $0xFFFFFFFF, v4;
	v7 =	vsel vm1, $0xFFFFFFFF, v6;
	(pc) =	sbr.rel @p0 .LBB2_3-.Ltmp3, $4  }
0x46: {  	v2 =	vshrl.u32 v4, $0x1;
	v6 =	vshll.u32 v7, $0x1;
	v4 =	vshll.u32 v4, $0x7;
	[tilespmem:s16], [sflag:$0x1] =	stream.indirect_vreg.gather [hbm4b:s2+s10], $0x1, v0, vm0, $0x4038;
	[tilespmem:$0x140] =	vst v63  }
0x47: {  	v0 =	vor.u32 v3, v5;
	s16 =	smov.u32 s15;
	v8 =	vmul.u32 $0x360000, v2;
	v2 =	vand.u32 $0x80, v4  }
0x48: {  	s17 =	sadd.s32 $0x10, s17;
	v9 =	vand.u32 $0xFFFFFF00, v6  }
0x49: {  	v3 =	vand.u32 $0x7F, v7;
	v6 =	vshrl.u32 v1, $0x1;
	v5 =	vadd.s32 v8, v9;
	(ifvalue) =	ssetifvalue $0x7FFFFFFF;
	v4 =	vmovc v1;
	v1 =	vld.msk [tilespmem:s17+$0x0 ss:$0x1], $0xffff  }
.Ltmp4:
0x4a: {  	_ = 	snop;
	(pc) =	sbr.rel .LBB2_4-.Ltmp4, $1  }
0x4b: {  	_ =	sdelay $0x3  }
.LBB2_6:
0x4c: {  	_ =	sfence.sel $0x180000  }
0x4d: {  	s2 =	simm.s32 $0x2;
	[bflag:$0x0] =	sbarrier.arrive $0xFFFF  }
0x4e: {  	s30 =	simm.s32 $0x3;
	[sflag:s2] =	ssyncpa.u1 $0x1  }
0x4f: {  	s31 =	simm.s32 $0x1;
	[sflag:s30] =	ssyncpa.u1 $0x1  }
0x50: {  	[sflag:s31] =	ssyncpa.u1 $0x1  }
0x51: {  	p0 =	sne.s32 s1, $0x0;
	_ =	strace $0x90000059  }
0x52: {  	s0 =	sadd.s32 @!p0 $0x100000, s0;
	[bflag:$0x2] =	sbarrier.arrive $0xFFFF  }
0x53: {  	[sflag:s0] =	ssyncadd.tile.s32 @!p0 $0x1;
	_ =	shalt  }
.Lfunc_end2:
_tile_overlayer_lowered:
.L_overlay_start_2:
0x54: {  	(tag) =	ssettag $0x2  }
0x55: {  	s0 =	rddreg [dreg:$0x0];
	s2 =	stileid.u32  }
0x56: {  	s1 =	rddreg [dreg:$0x1];
	p0 =	sne.s32 s2, $0x0  }
0x57: {  	s3 =	rddreg [dreg:$0x2];
	[bflag:$0x3] =	sbarrier.arrive $0xFFFF;
	s2 =	simm.s32 @!p0 $0x1C01  }
0x58: {  	[timem:s3], [sflag:s2] =	dma.local @!p0 [hbm:s0], s1  }
0x59: {  	s0 =	simm.s32 @!p0 $0x1  }
0x5a: {  	_ =	swait.ge @!p0 [sflag:s0], s1  }
0x5b: {  	s1 =	ssub.s32 @!p0 $0x0, s1;
	[sflag:s0] =	ssyncset.done @!p0 $0x0  }
0x5c: {  	[sflag:s0] =	ssyncadd.s32 @!p0 s1  }
0x5d: {  	[bflag:$0x3] =	sbarrier.arrive $0xFFFF  }
0x5e: {  	_ =	shalt  }

// kernel: gather_offload_async_start.4
scs
__scs_entry_jumppad:
0x0: {  	(pc) =	sbr.rel $0x88, $3  }
0x1: {  	(tag) =	ssettag $0x0;
	lr =	simm.s32 $0x1  }
0x2: {  	[smem:$0x3F9E] =	sst lr;
	_ =	strace $0xD0000000  }
0x3: {  	_ = 	snop  }
0x4: {  	_ = 	snop  }
0x5: {  	_ = 	snop  }
0x6: {  	_ = 	snop  }
0x7: {  	_ = 	snop  }
__scs_overlays_trampoline_lowered:
0x8: {  	[smem:$0x3FAD] =	sst s0  }
0x9: {  	[smem:$0x3FAE] =	sst s1  }
0xa: {  	[smem:$0x3FAF] =	sst s2  }
0xb: {  	[smem:$0x3FB0] =	sst s3  }
0xc: {  	[smem:$0x3FB1] =	sst s4  }
0xd: {  	[smem:$0x3FB2] =	sst s5  }
0xe: {  	[smem:$0x3FB3] =	sst s6  }
0xf: {  	[smem:$0x3FB4] =	sst s7  }
0x10: {  	[smem:$0x3FB5] =	sst s8  }
0x11: {  	[smem:$0x3FB6] =	sst s9;
	s0 =	simm.s32 @!p0 $0x0  }
0x12: {  	s1 =	sld [smem:$0x3F9C];
	s0 =	simm.s32 @p0 $0x1  }
0x13: {  	[smem:$0x3FB7] =	sst s0;
	s0 =	simm.s32 @!p1 $0x0  }
0x14: {  	s2 =	sld [smem:$0x3F9B];
	s0 =	simm.s32 @p1 $0x1  }
0x15: {  	[smem:$0x3FB8] =	sst s0;
	s0 =	simm.s32 @!p2 $0x0  }
0x16: {  	s3 =	sld [smem:$0x3FDB];
	s0 =	simm.s32 @p2 $0x1  }
0x17: {  	s4 =	simm.s32 $0x1BF5;
	[smem:$0x3FBA] =	sst s0  }
0x18: {  	s0 =	sld [smem:$0x3F9D];
	_ =	swait.ge [sflag:s4], $0x0  }
0x19: {  	s7 =	sld [smem:$0x3F9E]  }
0x1a: {  	s8 =	sadd.s32 $0xFFFFE003, lr  }
0x1b: {  	s9 =	sadd.s32 $0xFFFFFEF7, lr;
	s5 =	simm.s32 $0xFFFFFFFF;
	p2 =	slt.u32 s8, $0xFFFFF086  }
0x1c: {  	p1 =	slt.u32 s9, $0xF7A;
	s5 =	simm.s32 @!p2 $0x0  }
0x1d: {  	s5 =	simm.s32 @p1 $0x1;
	p0 =	seq.s32 s7, s2  }
0x1e: {  	s7 =	smul.u32 @!p0 $0xF7A, s2;
	p2 =	seq.s32 @!p0 s5, $0x0  }
0x1f: {  	s9 =	smul.u32 $0xF7A, s1;
	s8 =	simm.s32 @!p0 $0x1BF5;
	p2 =	por !p2, p0  }
0x20: {  	[sflag:s8] =	ssyncset.s32 @!p0 $0xFFFFF086;
	s6 =	sadd.s32 @!p0 s3, s7;
	s7 =	simm.s32 @!p0 $0x108  }
0x21: {  	s3 =	sadd.s32 s3, s9;
	s6 =	sadd.s32 @!p0 $0x88, s6;
	s7 =	simm.s32 @p2 $0x1082  }
0x22: {  	[simem:s7], [sflag:s8] =	dma.local @!p0 [hbm:s6], $0xF7A  }
0x23: {  	s9 =	sor.u32 $0xD0000000, s2;
	s6 =	simm.s32 $0x108;
	_ =	swait.ge @!p0 [sflag:s8], $0x0  }
0x24: {  	s3 =	sadd.s32 $0x88, s3;
	s6 =	simm.s32 @!p1 $0x1082;
	[sflag:s4] =	ssyncset.s32 $0xFFFFF086  }
0x25: {  	[simem:s6], [sflag:s4] =	dma.local [hbm:s3], $0xF7A  }
0x26: {  	[smem:$0x3F9E] =	sst s1;
	(tag) =	ssettag s2;
	_ =	strace s9  }
0x27: {  	s1 =	sld [smem:$0x3FAE]  }
0x28: {  	s2 =	sld [smem:$0x3FAF]  }
0x29: {  	s4 =	sld [smem:$0x3FB1]  }
0x2a: {  	p0 =	seq.s32 s5, $0x0;
	s5 =	sld [smem:$0x3FB2]  }
0x2b: {  	s6 =	sld [smem:$0x3FB3]  }
0x2c: {  	s7 =	sld [smem:$0x3FB4]  }
0x2d: {  	s3 =	simm.s32 $0x108;
	s8 =	sld [smem:$0x3FB5]  }
0x2e: {  	s3 =	simm.s32 @!p0 $0x1082;
	s9 =	sld [smem:$0x3FB6]  }
0x2f: {  	lr =	sadd.s32 s0, s3;
	s0 =	sld [smem:$0x3FAD]  }
0x30: {  	s3 =	sld [smem:$0x3FB0]  }
0x31: {  	[smem:$0x3FB9] =	sst s10  }
0x32: {  	s10 =	sld [smem:$0x3FB7];
	_ =	sdelay $0x3  }
0x33: {  	p0 =	seq.s32 s10, $0x1;
	s10 =	sld [smem:$0x3FB9];
	_ =	sdelay $0x3  }
0x34: {  	[smem:$0x3FB9] =	sst s10  }
0x35: {  	s10 =	sld [smem:$0x3FB8];
	_ =	sdelay $0x3  }
0x36: {  	p1 =	seq.s32 s10, $0x1;
	s10 =	sld [smem:$0x3FB9];
	_ =	sdelay $0x3  }
0x37: {  	[smem:$0x3FB9] =	sst s10  }
0x38: {  	s10 =	sld [smem:$0x3FBA]  }
0x39: {  	_ = 	snop;
	(pc) =	sbr.ind lr, $3  }
0x3a: {  	_ = 	snop  }
0x3b: {  	_ = 	snop  }
0x3c: {  	p2 =	seq.s32 s10, $0x1;
	s10 =	sld [smem:$0x3FB9]  }
0x3d: {  	_ =	shalt  }
0x3e: {  	_ =	shalt  }
0x3f: {  	_ =	shalt  }
0x40: {  	_ =	shalt  }
0x41: {  	_ =	shalt  }
0x42: {  	_ =	shalt  }
0x43: {  	_ =	shalt  }
0x44: {  	_ =	shalt  }
0x45: {  	_ =	shalt  }
0x46: {  	_ =	shalt  }
0x47: {  	_ =	shalt  }
0x48: {  	_ =	shalt  }
0x49: {  	_ =	shalt  }
0x4a: {  	_ =	shalt  }
0x4b: {  	_ =	shalt  }
0x4c: {  	_ =	shalt  }
0x4d: {  	_ =	shalt  }
0x4e: {  	_ =	shalt  }
0x4f: {  	_ =	shalt  }
0x50: {  	_ =	shalt  }
0x51: {  	_ =	shalt  }
0x52: {  	_ =	shalt  }
0x53: {  	_ =	shalt  }
0x54: {  	_ =	shalt  }
0x55: {  	_ =	shalt  }
0x56: {  	_ =	shalt  }
0x57: {  	_ =	shalt  }
0x58: {  	_ =	shalt  }
0x59: {  	_ =	shalt  }
0x5a: {  	_ =	shalt  }
0x5b: {  	_ =	shalt  }
0x5c: {  	_ =	shalt  }
0x5d: {  	_ =	shalt  }
0x5e: {  	_ =	shalt  }
0x5f: {  	_ =	shalt  }
0x60: {  	_ =	shalt  }
0x61: {  	_ =	shalt  }
0x62: {  	_ =	shalt  }
0x63: {  	_ =	shalt  }
0x64: {  	_ =	shalt  }
0x65: {  	_ =	shalt  }
0x66: {  	_ =	shalt  }
0x67: {  	_ =	shalt  }
0x68: {  	_ =	shalt  }
0x69: {  	_ =	shalt  }
0x6a: {  	_ =	shalt  }
0x6b: {  	_ =	shalt  }
0x6c: {  	_ =	shalt  }
0x6d: {  	_ =	shalt  }
0x6e: {  	_ =	shalt  }
0x6f: {  	_ =	shalt  }
0x70: {  	_ =	shalt  }
0x71: {  	_ =	shalt  }
0x72: {  	_ =	shalt  }
0x73: {  	_ =	shalt  }
0x74: {  	_ =	shalt  }
0x75: {  	_ =	shalt  }
0x76: {  	_ =	shalt  }
0x77: {  	_ =	shalt  }
0x78: {  	_ =	shalt  }
0x79: {  	_ =	shalt  }
0x7a: {  	_ =	shalt  }
0x7b: {  	_ =	shalt  }
0x7c: {  	_ =	shalt  }
0x7d: {  	_ =	shalt  }
0x7e: {  	_ =	shalt  }
0x7f: {  	_ =	shalt  }
0x80: {  	_ =	shalt  }
0x81: {  	_ =	shalt  }
0x82: {  	_ =	shalt  }
0x83: {  	_ =	shalt  }
0x84: {  	_ =	shalt  }
0x85: {  	_ =	shalt  }
0x86: {  	_ =	shalt  }
0x87: {  	_ =	shalt  }
.Lfunc_end0:
.L_simem_size_0:
called_computation.4_lowered:
.L_overlay_start_0:
0x88: {  	s0 =	sld [smem:$0x3FD9]  }
0x89: {  	s1 =	sld [smem:$0x3FFE];
	_ =	sdelay $0x3  }
0x8a: {  	s0 =	sadd.s32 s1, s0  }
0x8b: {  	[smem:$0x3FC5] =	sst s0  }
0x8c: {  	_ = 	snop  }
0x8d: {  	(tm) =	ssettm $0x1  }
0x8e: {  	s15 =	sld [smem:$0x3FFB];
	_ =	sdelay $0x3  }
0x8f: {  	_ =	strace s15  }
0x90: {  	s0 =	sld [smem:$0x3FFC];
	_ =	sdelay $0x3  }
0x91: {  	_ =	strace s0  }
0x92: {  	s0 =	sld [smem:$0x3FFD];
	_ =	sdelay $0x3  }
0x93: {  	_ =	strace s0  }
0x94: {  	_ =	strace $0x8FFFFFFF  }
0x95: {  	s16 =	sld [smem:$0x3FDB];
	_ =	sdelay $0x1  }
0x96: {  	s17 =	simm.s32 $_scs_section_size  }
0x97: {  	s2 =	simm.s32 $_size__tile_overlayer_lowered;
	s3 =	simm.s32 $_tile_overlayer_lowered  }
0x98: {  	s20 =	simm.s32 $0x1BFF;
	s19 =	sshll.u32 s3, $0x1;
	s0 =	sadd.s32 s17, s16  }
0x99: {  	s4 =	simm.s32 $0x0;
	s18 =	sshll.u32 s2, $0x1;
	s2 =	sadd.s32 s19, s0  }
0x9a: {  	[timem:s4], [sflag:s20] =	dma.local [hbm:s2], s18  }
0x9b: {  	_ =	swait.ge [sflag:s20], s18  }
0x9c: {  	s1 =	ssub.s32 $0x0, s18;
	[sflag:s20] =	ssyncset.done $0x0  }
0x9d: {  	[sflag:s20] =	ssyncadd.s32 s1;
	_ =	sdelay $0x1  }
0x9e: {  	s21 =	simm.s32 $0x1B8B  }
0x9f: {  	_ =	swait.ge [sflag:s21], $0x1  }
0xa0: {  	[sflag:s21] =	ssyncset.done $0x0  }
0xa1: {  	s23 =	simm.s32 $0x1B8E;
	s22 =	sld [smem:$0x3FFE];
	[sflag:s21] =	ssyncadd.s32 $0xFFFFFFFF  }
0xa2: {  	s24 =	simm.s32 $execute0_lowered;
	[smem:$0x3FD2] =	sst s23  }
0xa3: {  	s2 =	sshll.u32 s24, $0x1;
	_ =	strace $0x8000004F;
	[dreg:$0x1] =	wrdreg $0xFFFFFFFF  }
0xa4: {  	s25 =	simm.s32 $_size_execute0_lowered;
	s0 =	sadd.s32 s0, s2;
	[dreg:$0x0] =	wrdreg $0x0  }
0xa5: {  	s2 =	sshll.u32 s25, $0x1;
	[dreg:$0x2] =	wrdreg s0  }
0xa6: {  	[dreg:$0x3] =	wrdreg s2  }
0xa7: {  	[dreg:$0x4] =	wrdreg $0xC0  }
0xa8: {  	_ =	task [dreg:s4], $0x5FFFF  }
0xa9: {  	[dreg:$0x1] =	wrdreg $0xFFFFFFFF  }
0xaa: {  	[dreg:$0x0] =	wrdreg $0x60  }
0xab: {  	[dreg:$0x2] =	wrdreg s22  }
0xac: {  	[dreg:$0x3] =	wrdreg $0x9  }
0xad: {  	_ =	task.clear_ibuf [dreg:s4], $0x4FFFF;
	_ =	strace $0x9000004F  }
0xae: {  	s26 =	simm.s32 $0x9;
	_ =	strace $0x80000051  }
0xaf: {  	_ =	swait.ge [sflag:s26], $0x1  }
0xb0: {  	[sflag:s26] =	ssyncadd.s32 $0xFFFFFFFF  }
0xb1: {  	_ =	strace $0x90000051  }
0xb2: {  	_ =	sfence  }
0xb3: {  	s28 =	sld [smem:$0x0];
	_ =	sdelay $0x1  }
0xb4: {  	s29 =	srdreg.scid  }
0xb5: {  	s30 =	sshll.u32 s29, $0xD;
	s31 =	sshrl.u32 s29, $0x2  }
0xb6: {  	s1 =	sand.u32 $0x1, s29;
	s2 =	sand.u32 $0x4000, s30;
	s0 =	sadd.s32 s31, s28  }
0xb7: {  	s1 =	sor.u32 s2, s1;
	s0 =	sshll.u32 s0, $0x11  }
0xb8: {  	s0 =	sor.u32 s0, s1  }
0xb9: {  	s0 =	sadd.s32 $0x8F2B, s0  }
0xba: {  	[sflag:s0] =	ssyncadd.remote.s32 $0x1  }
0xbb: {  	_ =	sfence.sel $0xFFFF  }
0xbc: {  	[dreg:$0x0] =	wrdreg $0xFFFFFFFF;
	(pc) =	sbr.abs _section_cstart, $3  }
0xbd: {  	[dreg:$0x1] =	wrdreg $0xFFFFFFFF  }
0xbe: {  	_ =	task.clear_ibuf [dreg:s4], $0x2FFFF;
	_ =	strace $0x9FFFFFFF  }
0xbf: {  	(tm) =	ssettm $0x7FFFFFFF  }
tec
execute0_lowered:
.L_overlay_start_1:
0x0: {  	(tag) =	ssettag $0x1  }
0x1: {  	s2 =	rddreg [dreg:$0x0]  }
0x2: {  	s0 =	rddreg [dreg:$0x1]  }
0x3: {  	s1 =	stileid.u32;
	_ =	strace $0x80000050;
	s5 =	simm.s32 $0x1  }
0x4: {  	s6 =	simm.s32 $0x500;
	s8 =	simm.s32 $0x1;
	s9 =	simm.s32 $0x3  }
0x5: {  	s10 =	simm.s32 $0x0;
	s13 =	simm.s32 $0x0;
	s4 =	smul.u32 $0x50, s1  }
0x6: {  	s12 =	simm.s32 $0x0;
	s3 =	sadd.s32 $0x200, s2;
	p0 =	slt.u32 s1, $0xA  }
.Ltmp0:
0x7: {  	s6 =	simm.s32 @!p0 $0x0;
	s7 =	ssub.s32 $0x7D0, s4;
	(pc) =	sbr.rel .LBB2_1-.Ltmp0, $4  }
0x8: {  	s8 =	simm.s32 @!p0 $0x0;
	p0 =	sne.s32 s7, s6;
	s7 =	simm.s32 $0x1  }
0x9: {  	[sflag:s5] =	ssyncpa.u1 $0x0;
	s6 =	simm.s32 $0x2;
	s7 =	simm.s32 @!p0 $0x0  }
0xa: {  	s11 =	smov.u32 s4;
	[sflag:s6] =	ssyncpa.u1 $0x0;
	s7 =	sadd.s32 s8, s7  }
0xb: {  	vm0 =	vmmov $0xffff;
	s8 =	sadd.s32 $0x6C400, s2;
	[sflag:s9] =	ssyncpa.u1 $0x0;
	s9 =	sadd.s32 $0x1, s7  }
.LBB2_4:
0xc: {  	vm1 =	veq.s32 v4, $0x80000000;
	v56 =	vand.u32 $0x1, v4;
	v6 =	vand.u32 $0x1FFFFF, v6  }
0xd: {  	v2 =	vor.u32 v2, v5;
	v59 =	vshrl.u32 v1, $0x1;
	v60 =	vand.u32 $0x1, v1  }
0xe: {  	v4 =	vsel vm1, $0xFFFFFFFF, v56;
	v6 =	vsel vm1, $0xFFFFFFFF, v6;
	v2 =	vor.u32 v3, v2  }
0xf: {  	vm1 =	veq.s32 v1, $0x80000000;
	v5 =	vand.u32 $0x1FFFFF, v59;
	v7 =	vshrl.u32 v4, $0x1  }
0x10: {  	v57 =	vshll.u32 v6, $0x1;
	v4 =	vshll.u32 v4, $0x7;
	v1 =	vsel vm1, $0xFFFFFFFF, v60  }
0x11: {  	v5 =	vsel vm1, $0xFFFFFFFF, v5;
	v6 =	vand.u32 $0x7F, v6;
	v7 =	vmul.u32 $0x360000, v7  }
0x12: {  	v58 =	vand.u32 $0xFFFFFF00, v57;
	v4 =	vand.u32 $0x80, v4;
	v61 =	vshrl.u32 v1, $0x1  }
0x13: {  	v62 =	vshll.u32 v5, $0x1;
	v3 =	vadd.s32 v7, v58;
	v7 =	vmul.u32 $0x360000, v61  }
0x14: {  	v1 =	vshll.u32 v1, $0x7;
	v3 =	vor.u32 v4, v3;
	v4 =	vand.u32 $0xFFFFFF00, v62  }
0x15: {  	v1 =	vand.u32 $0x80, v1;
	v3 =	vor.u32 v6, v3;
	v4 =	vadd.s32 v7, v4  }
0x16: {  	[tilespmem:s16], [sflag:$0x1] =	stream.indirect_vreg.gather [hbm4b:s3+s10], $0x1, v0, vm0, $0x4038;
	v63 =	vand.u32 $0x7F, v5;
	v1 =	vor.u32 v1, v4;
	[tilespmem:$0x140] =	vst v63  }
0x17: {  	s15 =	sadd.s32 $0x10, s15;
	(ifvalue) =	ssetifvalue $0x7FFFFFFF;
	v0 =	vor.u32 v63, v1  }
0x18: {  	[tilespmem:s15], [sflag:$0x1] =	stream.indirect_vreg.gather [hbm4b:s3+s10], $0x1, v2, vm0, $0x4038;
	[tilespmem:$0x140] =	vst v63  }
0x19: {  	s15 =	sadd.s32 $0x10, s15;
	(ifvalue) =	ssetifvalue $0x7FFFFFFF  }
0x1a: {  	[tilespmem:s15], [sflag:$0x1] =	stream.indirect_vreg.gather [hbm4b:s3+s10], $0x1, v3, vm0, $0x4038;
	[tilespmem:$0x140] =	vst v63  }
0x1b: {  	s15 =	sadd.s32 $0x10, s15;
	(ifvalue) =	ssetifvalue $0x7FFFFFFF  }
0x1c: {  	[tilespmem:s15], [sflag:$0x1] =	stream.indirect_vreg.gather [hbm4b:s3+s10], $0x1, v0, vm0, $0x4038;
	[tilespmem:$0x140] =	vst v63  }
0x1d: {  	_ =	swait.ge [sflag:s5], $0x50  }
0x1e: {  	s30 =	sshrl.u32 s13, $0x3;
	[sflag:s5] =	ssyncset.done $0x0  }
0x1f: {  	s31 =	sand.u32 $0x7, s13;
	s15 =	sadd.s32 s2, s30;
	[sflag:s5] =	ssyncadd.s32 $0xFFFFFFB0  }
0x20: {  	[hbm4b:s15+s31] =	stream.linear.scatter [tilespmem:s14], [sflag:$0x3], $0x50, $0x38;
	[tilespmem:$0x140] =	vst v63  }
.LBB2_5:
0x21: {  	s15 =	sadd.s32 $0x500, s11  }
0x22: {  	p1 =	sgt.s32 s15, $0x7CF  }
0x23: {  	s15 =	smov.u32 @p1 s4;
	p1 =	sne.s32 s12, s9  }
.Ltmp1:
0x24: {  	p0 =	slt.u32 s12, $0x2;
	(pc) =	sbr.rel @!p1 .LBB2_6-.Ltmp1, $4  }
0x25: {  	s14 =	simm.s32 @!p0 $0x3  }
0x26: {  	_ =	swait.ge @!p0 [sflag:s14], $0x50  }
0x27: {  	s16 =	sadd.s32 $0x1, s12;
	s13 =	smov.u32 s11;
	[sflag:s14] =	ssyncset.done @!p0 $0x0  }
0x28: {  	s12 =	smov.u32 s16;
	s11 =	smov.u32 s15;
	[sflag:s14] =	ssyncadd.s32 @!p0 $0xFFFFFFB0  }
.LBB2_1:
0x29: {  	p0 =	sge.u32 s12, s7  }
0x2a: {  	s14 =	sxor.u32 @!p0 $0x1, s12  }
0x2b: {  	s14 =	smul.u32 @!p0 $0x140, s14  }
0x2c: {  	s31 =	sadd.s32 $0xFFFFFFFF, s12;
	s15 =	sshrl.u32 @!p0 s11, $0x3  }
0x2d: {  	s16 =	sand.u32 @!p0 $0x7, s11;
	s15 =	sadd.s32 @!p0 s8, s15;
	s14 =	sshra.s32 @!p0 s14, $0x2  }
0x2e: {  	[tilespmem:s14], [sflag:$0x2] =	stream.linear.gather @!p0 [hbm4b:s15+s16], $0x50, $0x38;
	[tilespmem:$0x140] =	vst v63  }
0x2f: {  	p0 =	sge.u32 s31, s7  }
.Ltmp2:
0x30: {  	_ = 	snop;
	(pc) =	sbr.rel @p0 .LBB2_5-.Ltmp2, $1  }
0x31: {  	_ =	sdelay $0x3  }
0x32: {  	s14 =	sand.u32 $0x1, s12  }
0x33: {  	_ =	swait.ge [sflag:s6], $0x50;
	p0 =	seq.s32 s14, $0x1;
	s14 =	simm.s32 $0x50  }
0x34: {  	[sflag:s6] =	ssyncset.done $0x0;
	s14 =	simm.s32 @!p0 $0x0  }
0x35: {  	[sflag:s6] =	ssyncadd.s32 $0xFFFFFFB0;
	(ifvalue) =	ssetifvalue $0x7FFFFFFF;
	v0 =	vld.msk [tilespmem:s14+$0x0 ss:$0x1], $0xffff  }
0x36: {  	s15 =	sadd.s32 $0x10, s14  }
0x37: {  	v1 =	vld.msk [tilespmem:s15+$0x0 ss:$0x1], $0xffff;
	_ =	sdelay $0x2  }
0x38: {  	v2 =	vshrl.u32 v0, $0x1  }
0x39: {  	vm1 =	veq.s32 v0, $0x80000000;
	v0 =	vand.u32 $0x1, v0;
	v2 =	vand.u32 $0x1FFFFF, v2  }
0x3a: {  	v0 =	vsel vm1, $0xFFFFFFFF, v0;
	v6 =	vshrl.u32 v1, $0x1;
	v2 =	vsel vm1, $0xFFFFFFFF, v2  }
0x3b: {  	v3 =	vshrl.u32 v0, $0x1;
	v0 =	vshll.u32 v0, $0x7;
	vm1 =	veq.s32 v1, $0x80000000  }
0x3c: {  	s15 =	sadd.s32 $0x10, s15;
	v1 =	vand.u32 $0x1, v1;
	v4 =	vshll.u32 v2, $0x1;
	v3 =	vmul.u32 $0x360000, v3  }
0x3d: {  	v0 =	vand.u32 $0x80, v0;
	v7 =	vand.u32 $0x7F, v2;
	v5 =	vand.u32 $0xFFFFFF00, v4;
	v4 =	vld.msk [tilespmem:s15+$0x0 ss:$0x1], $0xffff  }
0x3e: {  	v1 =	vsel vm1, $0xFFFFFFFF, v1;
	v2 =	vadd.s32 v3, v5;
	v3 =	vand.u32 $0x1FFFFF, v6  }
0x3f: {  	v3 =	vsel vm1, $0xFFFFFFFF, v3;
	v0 =	vor.u32 v0, v2;
	v2 =	vshrl.u32 v1, $0x1  }
0x40: {  	v1 =	vshll.u32 v1, $0x7;
	v5 =	vshll.u32 v3, $0x1;
	v8 =	vmul.u32 $0x360000, v2  }
0x41: {  	s18 =	simm.s32 $0x30;
	s14 =	sor.u32 $0xA0, s14;
	s17 =	sadd.s32 $0x10, s15;
	v2 =	vand.u32 $0x80, v1;
	v0 =	vor.u32 v7, v0;
	v5 =	vand.u32 $0xFFFFFF00, v5  }
0x42: {  	s16 =	smov.u32 s14;
	s15 =	smov.u32 s14;
	v1 =	vld.msk [tilespmem:s17+$0x0 ss:$0x1], $0xffff;
	v3 =	vand.u32 $0x7F, v3;
	(ifvalue) =	ssetifvalue $0x7FFFFFFF;
	v6 =	vshrl.u32 v4, $0x1;
	v5 =	vadd.s32 v8, v5  }
.LBB2_3:
0x43: {  	s18 =	sadd.s32 $0x10, s18  }
0x44: {  	vm1 =	veq.s32 v4, $0x80000000;
	v4 =	vand.u32 $0x1, v4;
	v6 =	vand.u32 $0x1FFFFF, v6;
	s15 =	sadd.s32 $0x10, s15;
	p0 =	slt.u32 s18, $0x40  }
.Ltmp3:
0x45: {  	v5 =	vor.u32 v2, v5;
	v4 =	vsel vm1, $0xFFFFFFFF, v4;
	v7 =	vsel vm1, $0xFFFFFFFF, v6;
	(pc) =	sbr.rel @p0 .LBB2_3-.Ltmp3, $4  }
0x46: {  	v2 =	vshrl.u32 v4, $0x1;
	v6 =	vshll.u32 v7, $0x1;
	v4 =	vshll.u32 v4, $0x7;
	[tilespmem:s16], [sflag:$0x1] =	stream.indirect_vreg.gather [hbm4b:s3+s10], $0x1, v0, vm0, $0x4038;
	[tilespmem:$0x140] =	vst v63  }
0x47: {  	v0 =	vor.u32 v3, v5;
	s16 =	smov.u32 s15;
	v8 =	vmul.u32 $0x360000, v2;
	v2 =	vand.u32 $0x80, v4  }
0x48: {  	s17 =	sadd.s32 $0x10, s17;
	v9 =	vand.u32 $0xFFFFFF00, v6  }
0x49: {  	v3 =	vand.u32 $0x7F, v7;
	v6 =	vshrl.u32 v1, $0x1;
	v5 =	vadd.s32 v8, v9;
	(ifvalue) =	ssetifvalue $0x7FFFFFFF;
	v4 =	vmovc v1;
	v1 =	vld.msk [tilespmem:s17+$0x0 ss:$0x1], $0xffff  }
.Ltmp4:
0x4a: {  	_ = 	snop;
	(pc) =	sbr.rel .LBB2_4-.Ltmp4, $1  }
0x4b: {  	_ =	sdelay $0x3  }
.LBB2_6:
0x4c: {  	_ =	sfence.sel $0x180000  }
0x4d: {  	s2 =	simm.s32 $0x2;
	[bflag:$0x0] =	sbarrier.arrive $0xFFFF  }
0x4e: {  	s30 =	simm.s32 $0x3;
	[sflag:s2] =	ssyncpa.u1 $0x1  }
0x4f: {  	s31 =	simm.s32 $0x1;
	[sflag:s30] =	ssyncpa.u1 $0x1  }
0x50: {  	[sflag:s31] =	ssyncpa.u1 $0x1  }
0x51: {  	p0 =	sne.s32 s1, $0x0;
	_ =	strace $0x90000050  }
0x52: {  	s0 =	sadd.s32 @!p0 $0x100000, s0;
	[bflag:$0x2] =	sbarrier.arrive $0xFFFF  }
0x53: {  	[sflag:s0] =	ssyncadd.tile.s32 @!p0 $0x1;
	_ =	shalt  }
.Lfunc_end2:
_tile_overlayer_lowered:
.L_overlay_start_2:
0x54: {  	(tag) =	ssettag $0x2  }
0x55: {  	s0 =	rddreg [dreg:$0x0];
	s2 =	stileid.u32  }
0x56: {  	s1 =	rddreg [dreg:$0x1];
	p0 =	sne.s32 s2, $0x0  }
0x57: {  	s3 =	rddreg [dreg:$0x2];
	[bflag:$0x3] =	sbarrier.arrive $0xFFFF;
	s2 =	simm.s32 @!p0 $0x1C01  }
0x58: {  	[timem:s3], [sflag:s2] =	dma.local @!p0 [hbm:s0], s1  }
0x59: {  	s0 =	simm.s32 @!p0 $0x1  }
0x5a: {  	_ =	swait.ge @!p0 [sflag:s0], s1  }
0x5b: {  	s1 =	ssub.s32 @!p0 $0x0, s1;
	[sflag:s0] =	ssyncset.done @!p0 $0x0  }
0x5c: {  	[sflag:s0] =	ssyncadd.s32 @!p0 s1  }
0x5d: {  	[bflag:$0x3] =	sbarrier.arrive $0xFFFF  }
0x5e: {  	_ =	shalt  }

// kernel: gather_offload_async_start.5
scs
__scs_entry_jumppad:
0x0: {  	(pc) =	sbr.rel $0x88, $3  }
0x1: {  	(tag) =	ssettag $0x0;
	lr =	simm.s32 $0x1  }
0x2: {  	[smem:$0x3F9E] =	sst lr;
	_ =	strace $0xD0000000  }
0x3: {  	_ = 	snop  }
0x4: {  	_ = 	snop  }
0x5: {  	_ = 	snop  }
0x6: {  	_ = 	snop  }
0x7: {  	_ = 	snop  }
__scs_overlays_trampoline_lowered:
0x8: {  	[smem:$0x3FAD] =	sst s0  }
0x9: {  	[smem:$0x3FAE] =	sst s1  }
0xa: {  	[smem:$0x3FAF] =	sst s2  }
0xb: {  	[smem:$0x3FB0] =	sst s3  }
0xc: {  	[smem:$0x3FB1] =	sst s4  }
0xd: {  	[smem:$0x3FB2] =	sst s5  }
0xe: {  	[smem:$0x3FB3] =	sst s6  }
0xf: {  	[smem:$0x3FB4] =	sst s7  }
0x10: {  	[smem:$0x3FB5] =	sst s8  }
0x11: {  	[smem:$0x3FB6] =	sst s9;
	s0 =	simm.s32 @!p0 $0x0  }
0x12: {  	s1 =	sld [smem:$0x3F9C];
	s0 =	simm.s32 @p0 $0x1  }
0x13: {  	[smem:$0x3FB7] =	sst s0;
	s0 =	simm.s32 @!p1 $0x0  }
0x14: {  	s2 =	sld [smem:$0x3F9B];
	s0 =	simm.s32 @p1 $0x1  }
0x15: {  	[smem:$0x3FB8] =	sst s0;
	s0 =	simm.s32 @!p2 $0x0  }
0x16: {  	s3 =	sld [smem:$0x3FDB];
	s0 =	simm.s32 @p2 $0x1  }
0x17: {  	s4 =	simm.s32 $0x1BF5;
	[smem:$0x3FBA] =	sst s0  }
0x18: {  	s0 =	sld [smem:$0x3F9D];
	_ =	swait.ge [sflag:s4], $0x0  }
0x19: {  	s7 =	sld [smem:$0x3F9E]  }
0x1a: {  	s8 =	sadd.s32 $0xFFFFE003, lr  }
0x1b: {  	s9 =	sadd.s32 $0xFFFFFEF7, lr;
	s5 =	simm.s32 $0xFFFFFFFF;
	p2 =	slt.u32 s8, $0xFFFFF086  }
0x1c: {  	p1 =	slt.u32 s9, $0xF7A;
	s5 =	simm.s32 @!p2 $0x0  }
0x1d: {  	s5 =	simm.s32 @p1 $0x1;
	p0 =	seq.s32 s7, s2  }
0x1e: {  	s7 =	smul.u32 @!p0 $0xF7A, s2;
	p2 =	seq.s32 @!p0 s5, $0x0  }
0x1f: {  	s9 =	smul.u32 $0xF7A, s1;
	s8 =	simm.s32 @!p0 $0x1BF5;
	p2 =	por !p2, p0  }
0x20: {  	[sflag:s8] =	ssyncset.s32 @!p0 $0xFFFFF086;
	s6 =	sadd.s32 @!p0 s3, s7;
	s7 =	simm.s32 @!p0 $0x108  }
0x21: {  	s3 =	sadd.s32 s3, s9;
	s6 =	sadd.s32 @!p0 $0x88, s6;
	s7 =	simm.s32 @p2 $0x1082  }
0x22: {  	[simem:s7], [sflag:s8] =	dma.local @!p0 [hbm:s6], $0xF7A  }
0x23: {  	s9 =	sor.u32 $0xD0000000, s2;
	s6 =	simm.s32 $0x108;
	_ =	swait.ge @!p0 [sflag:s8], $0x0  }
0x24: {  	s3 =	sadd.s32 $0x88, s3;
	s6 =	simm.s32 @!p1 $0x1082;
	[sflag:s4] =	ssyncset.s32 $0xFFFFF086  }
0x25: {  	[simem:s6], [sflag:s4] =	dma.local [hbm:s3], $0xF7A  }
0x26: {  	[smem:$0x3F9E] =	sst s1;
	(tag) =	ssettag s2;
	_ =	strace s9  }
0x27: {  	s1 =	sld [smem:$0x3FAE]  }
0x28: {  	s2 =	sld [smem:$0x3FAF]  }
0x29: {  	s4 =	sld [smem:$0x3FB1]  }
0x2a: {  	p0 =	seq.s32 s5, $0x0;
	s5 =	sld [smem:$0x3FB2]  }
0x2b: {  	s6 =	sld [smem:$0x3FB3]  }
0x2c: {  	s7 =	sld [smem:$0x3FB4]  }
0x2d: {  	s3 =	simm.s32 $0x108;
	s8 =	sld [smem:$0x3FB5]  }
0x2e: {  	s3 =	simm.s32 @!p0 $0x1082;
	s9 =	sld [smem:$0x3FB6]  }
0x2f: {  	lr =	sadd.s32 s0, s3;
	s0 =	sld [smem:$0x3FAD]  }
0x30: {  	s3 =	sld [smem:$0x3FB0]  }
0x31: {  	[smem:$0x3FB9] =	sst s10  }
0x32: {  	s10 =	sld [smem:$0x3FB7];
	_ =	sdelay $0x3  }
0x33: {  	p0 =	seq.s32 s10, $0x1;
	s10 =	sld [smem:$0x3FB9];
	_ =	sdelay $0x3  }
0x34: {  	[smem:$0x3FB9] =	sst s10  }
0x35: {  	s10 =	sld [smem:$0x3FB8];
	_ =	sdelay $0x3  }
0x36: {  	p1 =	seq.s32 s10, $0x1;
	s10 =	sld [smem:$0x3FB9];
	_ =	sdelay $0x3  }
0x37: {  	[smem:$0x3FB9] =	sst s10  }
0x38: {  	s10 =	sld [smem:$0x3FBA]  }
0x39: {  	_ = 	snop;
	(pc) =	sbr.ind lr, $3  }
0x3a: {  	_ = 	snop  }
0x3b: {  	_ = 	snop  }
0x3c: {  	p2 =	seq.s32 s10, $0x1;
	s10 =	sld [smem:$0x3FB9]  }
0x3d: {  	_ =	shalt  }
0x3e: {  	_ =	shalt  }
0x3f: {  	_ =	shalt  }
0x40: {  	_ =	shalt  }
0x41: {  	_ =	shalt  }
0x42: {  	_ =	shalt  }
0x43: {  	_ =	shalt  }
0x44: {  	_ =	shalt  }
0x45: {  	_ =	shalt  }
0x46: {  	_ =	shalt  }
0x47: {  	_ =	shalt  }
0x48: {  	_ =	shalt  }
0x49: {  	_ =	shalt  }
0x4a: {  	_ =	shalt  }
0x4b: {  	_ =	shalt  }
0x4c: {  	_ =	shalt  }
0x4d: {  	_ =	shalt  }
0x4e: {  	_ =	shalt  }
0x4f: {  	_ =	shalt  }
0x50: {  	_ =	shalt  }
0x51: {  	_ =	shalt  }
0x52: {  	_ =	shalt  }
0x53: {  	_ =	shalt  }
0x54: {  	_ =	shalt  }
0x55: {  	_ =	shalt  }
0x56: {  	_ =	shalt  }
0x57: {  	_ =	shalt  }
0x58: {  	_ =	shalt  }
0x59: {  	_ =	shalt  }
0x5a: {  	_ =	shalt  }
0x5b: {  	_ =	shalt  }
0x5c: {  	_ =	shalt  }
0x5d: {  	_ =	shalt  }
0x5e: {  	_ =	shalt  }
0x5f: {  	_ =	shalt  }
0x60: {  	_ =	shalt  }
0x61: {  	_ =	shalt  }
0x62: {  	_ =	shalt  }
0x63: {  	_ =	shalt  }
0x64: {  	_ =	shalt  }
0x65: {  	_ =	shalt  }
0x66: {  	_ =	shalt  }
0x67: {  	_ =	shalt  }
0x68: {  	_ =	shalt  }
0x69: {  	_ =	shalt  }
0x6a: {  	_ =	shalt  }
0x6b: {  	_ =	shalt  }
0x6c: {  	_ =	shalt  }
0x6d: {  	_ =	shalt  }
0x6e: {  	_ =	shalt  }
0x6f: {  	_ =	shalt  }
0x70: {  	_ =	shalt  }
0x71: {  	_ =	shalt  }
0x72: {  	_ =	shalt  }
0x73: {  	_ =	shalt  }
0x74: {  	_ =	shalt  }
0x75: {  	_ =	shalt  }
0x76: {  	_ =	shalt  }
0x77: {  	_ =	shalt  }
0x78: {  	_ =	shalt  }
0x79: {  	_ =	shalt  }
0x7a: {  	_ =	shalt  }
0x7b: {  	_ =	shalt  }
0x7c: {  	_ =	shalt  }
0x7d: {  	_ =	shalt  }
0x7e: {  	_ =	shalt  }
0x7f: {  	_ =	shalt  }
0x80: {  	_ =	shalt  }
0x81: {  	_ =	shalt  }
0x82: {  	_ =	shalt  }
0x83: {  	_ =	shalt  }
0x84: {  	_ =	shalt  }
0x85: {  	_ =	shalt  }
0x86: {  	_ =	shalt  }
0x87: {  	_ =	shalt  }
.Lfunc_end0:
.L_simem_size_0:
called_computation.5_lowered:
.L_overlay_start_0:
0x88: {  	s0 =	sld [smem:$0x3FD9]  }
0x89: {  	s1 =	sld [smem:$0x3FFE];
	_ =	sdelay $0x3  }
0x8a: {  	s0 =	sadd.s32 s1, s0  }
0x8b: {  	[smem:$0x3FC5] =	sst s0  }
0x8c: {  	_ = 	snop  }
0x8d: {  	(tm) =	ssettm $0x1  }
0x8e: {  	s15 =	sld [smem:$0x3FFB];
	_ =	sdelay $0x3  }
0x8f: {  	_ =	strace s15  }
0x90: {  	s0 =	sld [smem:$0x3FFC];
	_ =	sdelay $0x3  }
0x91: {  	_ =	strace s0  }
0x92: {  	s0 =	sld [smem:$0x3FFD];
	_ =	sdelay $0x3  }
0x93: {  	_ =	strace s0  }
0x94: {  	_ =	strace $0x8FFFFFFF  }
0x95: {  	s16 =	sld [smem:$0x3FDB];
	_ =	sdelay $0x1  }
0x96: {  	s17 =	simm.s32 $_scs_section_size  }
0x97: {  	s2 =	simm.s32 $_size__tile_overlayer_lowered;
	s3 =	simm.s32 $_tile_overlayer_lowered  }
0x98: {  	s20 =	simm.s32 $0x1BFF;
	s19 =	sshll.u32 s3, $0x1;
	s0 =	sadd.s32 s17, s16  }
0x99: {  	s4 =	simm.s32 $0x0;
	s18 =	sshll.u32 s2, $0x1;
	s2 =	sadd.s32 s19, s0  }
0x9a: {  	[timem:s4], [sflag:s20] =	dma.local [hbm:s2], s18  }
0x9b: {  	_ =	swait.ge [sflag:s20], s18  }
0x9c: {  	s1 =	ssub.s32 $0x0, s18;
	[sflag:s20] =	ssyncset.done $0x0  }
0x9d: {  	[sflag:s20] =	ssyncadd.s32 s1;
	_ =	sdelay $0x1  }
0x9e: {  	s21 =	simm.s32 $0x1B8B  }
0x9f: {  	_ =	swait.ge [sflag:s21], $0x1  }
0xa0: {  	[sflag:s21] =	ssyncset.done $0x0  }
0xa1: {  	s23 =	simm.s32 $0x1B8E;
	s22 =	sld [smem:$0x3FFE];
	[sflag:s21] =	ssyncadd.s32 $0xFFFFFFFF  }
0xa2: {  	s24 =	simm.s32 $execute0_lowered;
	[smem:$0x3FD2] =	sst s23  }
0xa3: {  	s2 =	sshll.u32 s24, $0x1;
	_ =	strace $0x80000052;
	[dreg:$0x1] =	wrdreg $0xFFFFFFFF  }
0xa4: {  	s25 =	simm.s32 $_size_execute0_lowered;
	s0 =	sadd.s32 s0, s2;
	[dreg:$0x0] =	wrdreg $0x0  }
0xa5: {  	s2 =	sshll.u32 s25, $0x1;
	[dreg:$0x2] =	wrdreg s0  }
0xa6: {  	[dreg:$0x3] =	wrdreg s2  }
0xa7: {  	[dreg:$0x4] =	wrdreg $0xC0  }
0xa8: {  	_ =	task [dreg:s4], $0x5FFFF  }
0xa9: {  	[dreg:$0x1] =	wrdreg $0xFFFFFFFF  }
0xaa: {  	[dreg:$0x0] =	wrdreg $0x60  }
0xab: {  	[dreg:$0x2] =	wrdreg s22  }
0xac: {  	[dreg:$0x3] =	wrdreg $0xA  }
0xad: {  	_ =	task.clear_ibuf [dreg:s4], $0x4FFFF;
	_ =	strace $0x90000052  }
0xae: {  	s26 =	simm.s32 $0xA;
	_ =	strace $0x80000054  }
0xaf: {  	_ =	swait.ge [sflag:s26], $0x1  }
0xb0: {  	[sflag:s26] =	ssyncadd.s32 $0xFFFFFFFF  }
0xb1: {  	_ =	strace $0x90000054  }
0xb2: {  	_ =	sfence  }
0xb3: {  	s28 =	sld [smem:$0x0];
	_ =	sdelay $0x1  }
0xb4: {  	s29 =	srdreg.scid  }
0xb5: {  	s30 =	sshll.u32 s29, $0xD;
	s31 =	sshrl.u32 s29, $0x2  }
0xb6: {  	s1 =	sand.u32 $0x1, s29;
	s2 =	sand.u32 $0x4000, s30;
	s0 =	sadd.s32 s31, s28  }
0xb7: {  	s1 =	sor.u32 s2, s1;
	s0 =	sshll.u32 s0, $0x11  }
0xb8: {  	s0 =	sor.u32 s0, s1  }
0xb9: {  	s0 =	sadd.s32 $0x8F2B, s0  }
0xba: {  	[sflag:s0] =	ssyncadd.remote.s32 $0x1  }
0xbb: {  	_ =	sfence.sel $0xFFFF  }
0xbc: {  	[dreg:$0x0] =	wrdreg $0xFFFFFFFF;
	(pc) =	sbr.abs _section_cstart, $3  }
0xbd: {  	[dreg:$0x1] =	wrdreg $0xFFFFFFFF  }
0xbe: {  	_ =	task.clear_ibuf [dreg:s4], $0x2FFFF;
	_ =	strace $0x9FFFFFFF  }
0xbf: {  	(tm) =	ssettm $0x7FFFFFFF  }
tec
execute0_lowered:
.L_overlay_start_1:
0x0: {  	(tag) =	ssettag $0x1  }
0x1: {  	s8 =	rddreg [dreg:$0x0]  }
0x2: {  	s0 =	rddreg [dreg:$0x1];
	_ =	strace $0x80000053  }
0x3: {  	s1 =	stileid.u32;
	s5 =	simm.s32 $0x1;
	s6 =	simm.s32 $0x500  }
0x4: {  	s9 =	simm.s32 $0x1;
	s10 =	simm.s32 $0x3;
	s13 =	simm.s32 $0x0  }
0x5: {  	s12 =	simm.s32 $0x0;
	s2 =	sadd.s32 $0x200, s8;
	s4 =	smul.u32 $0x50, s1  }
0x6: {  	s3 =	sadd.s32 $0x6C600, s8;
	p0 =	slt.u32 s1, $0xA;
	[sflag:s5] =	ssyncpa.u1 $0x0  }
.Ltmp0:
0x7: {  	s6 =	simm.s32 @!p0 $0x0;
	s7 =	ssub.s32 $0x7D0, s4;
	(pc) =	sbr.rel .LBB2_1-.Ltmp0, $4  }
0x8: {  	s9 =	simm.s32 @!p0 $0x0;
	p0 =	sne.s32 s7, s6;
	s7 =	simm.s32 $0x1  }
0x9: {  	s8 =	sadd.s32 $0x6C200, s8;
	s6 =	simm.s32 $0x2;
	s7 =	simm.s32 @!p0 $0x0  }
0xa: {  	s11 =	smov.u32 s4;
	[sflag:s6] =	ssyncpa.u1 $0x0;
	s7 =	sadd.s32 s9, s7  }
0xb: {  	vm0 =	vmmov $0xffff;
	[sflag:s10] =	ssyncpa.u1 $0x0;
	s10 =	simm.s32 $0x0;
	s9 =	sadd.s32 $0x1, s7  }
.LBB2_4:
0xc: {  	vm1 =	veq.s32 v4, $0x80000000;
	v56 =	vand.u32 $0x1, v4;
	v6 =	vand.u32 $0x1FFFFF, v6  }
0xd: {  	v2 =	vor.u32 v2, v5;
	v59 =	vshrl.u32 v1, $0x1;
	v60 =	vand.u32 $0x1, v1  }
0xe: {  	v4 =	vsel vm1, $0xFFFFFFFF, v56;
	v6 =	vsel vm1, $0xFFFFFFFF, v6;
	v2 =	vor.u32 v3, v2  }
0xf: {  	vm1 =	veq.s32 v1, $0x80000000;
	v5 =	vand.u32 $0x1FFFFF, v59;
	v7 =	vshrl.u32 v4, $0x1  }
0x10: {  	v57 =	vshll.u32 v6, $0x1;
	v4 =	vshll.u32 v4, $0x7;
	v1 =	vsel vm1, $0xFFFFFFFF, v60  }
0x11: {  	v5 =	vsel vm1, $0xFFFFFFFF, v5;
	v6 =	vand.u32 $0x7F, v6;
	v7 =	vmul.u32 $0x360000, v7  }
0x12: {  	v58 =	vand.u32 $0xFFFFFF00, v57;
	v4 =	vand.u32 $0x80, v4;
	v61 =	vshrl.u32 v1, $0x1  }
0x13: {  	v62 =	vshll.u32 v5, $0x1;
	v3 =	vadd.s32 v7, v58;
	v7 =	vmul.u32 $0x360000, v61  }
0x14: {  	v1 =	vshll.u32 v1, $0x7;
	v3 =	vor.u32 v4, v3;
	v4 =	vand.u32 $0xFFFFFF00, v62  }
0x15: {  	v1 =	vand.u32 $0x80, v1;
	v3 =	vor.u32 v6, v3;
	v4 =	vadd.s32 v7, v4  }
0x16: {  	[tilespmem:s16], [sflag:$0x1] =	stream.indirect_vreg.gather [hbm4b:s2+s10], $0x1, v0, vm0, $0x4038;
	v63 =	vand.u32 $0x7F, v5;
	v1 =	vor.u32 v1, v4;
	[tilespmem:$0x140] =	vst v63  }
0x17: {  	s15 =	sadd.s32 $0x10, s15;
	(ifvalue) =	ssetifvalue $0x7FFFFFFF;
	v0 =	vor.u32 v63, v1  }
0x18: {  	[tilespmem:s15], [sflag:$0x1] =	stream.indirect_vreg.gather [hbm4b:s2+s10], $0x1, v2, vm0, $0x4038;
	[tilespmem:$0x140] =	vst v63  }
0x19: {  	s15 =	sadd.s32 $0x10, s15;
	(ifvalue) =	ssetifvalue $0x7FFFFFFF  }
0x1a: {  	[tilespmem:s15], [sflag:$0x1] =	stream.indirect_vreg.gather [hbm4b:s2+s10], $0x1, v3, vm0, $0x4038;
	[tilespmem:$0x140] =	vst v63  }
0x1b: {  	s15 =	sadd.s32 $0x10, s15;
	(ifvalue) =	ssetifvalue $0x7FFFFFFF  }
0x1c: {  	[tilespmem:s15], [sflag:$0x1] =	stream.indirect_vreg.gather [hbm4b:s2+s10], $0x1, v0, vm0, $0x4038;
	[tilespmem:$0x140] =	vst v63  }
0x1d: {  	_ =	swait.ge [sflag:s5], $0x50  }
0x1e: {  	s30 =	sshrl.u32 s13, $0x3;
	[sflag:s5] =	ssyncset.done $0x0  }
0x1f: {  	s31 =	sand.u32 $0x7, s13;
	s15 =	sadd.s32 s8, s30;
	[sflag:s5] =	ssyncadd.s32 $0xFFFFFFB0  }
0x20: {  	[hbm4b:s15+s31] =	stream.linear.scatter [tilespmem:s14], [sflag:$0x3], $0x50, $0x38;
	[tilespmem:$0x140] =	vst v63  }
.LBB2_5:
0x21: {  	s15 =	sadd.s32 $0x500, s11  }
0x22: {  	p1 =	sgt.s32 s15, $0x7CF  }
0x23: {  	s15 =	smov.u32 @p1 s4;
	p1 =	sne.s32 s12, s9  }
.Ltmp1:
0x24: {  	p0 =	slt.u32 s12, $0x2;
	(pc) =	sbr.rel @!p1 .LBB2_6-.Ltmp1, $4  }
0x25: {  	s14 =	simm.s32 @!p0 $0x3  }
0x26: {  	_ =	swait.ge @!p0 [sflag:s14], $0x50  }
0x27: {  	s16 =	sadd.s32 $0x1, s12;
	s13 =	smov.u32 s11;
	[sflag:s14] =	ssyncset.done @!p0 $0x0  }
0x28: {  	s12 =	smov.u32 s16;
	s11 =	smov.u32 s15;
	[sflag:s14] =	ssyncadd.s32 @!p0 $0xFFFFFFB0  }
.LBB2_1:
0x29: {  	p0 =	sge.u32 s12, s7  }
0x2a: {  	s14 =	sxor.u32 @!p0 $0x1, s12  }
0x2b: {  	s14 =	smul.u32 @!p0 $0x140, s14  }
0x2c: {  	s31 =	sadd.s32 $0xFFFFFFFF, s12;
	s15 =	sshrl.u32 @!p0 s11, $0x3  }
0x2d: {  	s16 =	sand.u32 @!p0 $0x7, s11;
	s15 =	sadd.s32 @!p0 s3, s15;
	s14 =	sshra.s32 @!p0 s14, $0x2  }
0x2e: {  	[tilespmem:s14], [sflag:$0x2] =	stream.linear.gather @!p0 [hbm4b:s15+s16], $0x50, $0x38;
	[tilespmem:$0x140] =	vst v63  }
0x2f: {  	p0 =	sge.u32 s31, s7  }
.Ltmp2:
0x30: {  	_ = 	snop;
	(pc) =	sbr.rel @p0 .LBB2_5-.Ltmp2, $1  }
0x31: {  	_ =	sdelay $0x3  }
0x32: {  	s14 =	sand.u32 $0x1, s12  }
0x33: {  	_ =	swait.ge [sflag:s6], $0x50;
	p0 =	seq.s32 s14, $0x1;
	s14 =	simm.s32 $0x50  }
0x34: {  	[sflag:s6] =	ssyncset.done $0x0;
	s14 =	simm.s32 @!p0 $0x0  }
0x35: {  	[sflag:s6] =	ssyncadd.s32 $0xFFFFFFB0;
	(ifvalue) =	ssetifvalue $0x7FFFFFFF;
	v0 =	vld.msk [tilespmem:s14+$0x0 ss:$0x1], $0xffff  }
0x36: {  	s15 =	sadd.s32 $0x10, s14  }
0x37: {  	v1 =	vld.msk [tilespmem:s15+$0x0 ss:$0x1], $0xffff;
	_ =	sdelay $0x2  }
0x38: {  	v2 =	vshrl.u32 v0, $0x1  }
0x39: {  	vm1 =	veq.s32 v0, $0x80000000;
	v0 =	vand.u32 $0x1, v0;
	v2 =	vand.u32 $0x1FFFFF, v2  }
0x3a: {  	v0 =	vsel vm1, $0xFFFFFFFF, v0;
	v6 =	vshrl.u32 v1, $0x1;
	v2 =	vsel vm1, $0xFFFFFFFF, v2  }
0x3b: {  	v3 =	vshrl.u32 v0, $0x1;
	v0 =	vshll.u32 v0, $0x7;
	vm1 =	veq.s32 v1, $0x80000000  }
0x3c: {  	s15 =	sadd.s32 $0x10, s15;
	v1 =	vand.u32 $0x1, v1;
	v4 =	vshll.u32 v2, $0x1;
	v3 =	vmul.u32 $0x360000, v3  }
0x3d: {  	v0 =	vand.u32 $0x80, v0;
	v7 =	vand.u32 $0x7F, v2;
	v5 =	vand.u32 $0xFFFFFF00, v4;
	v4 =	vld.msk [tilespmem:s15+$0x0 ss:$0x1], $0xffff  }
0x3e: {  	v1 =	vsel vm1, $0xFFFFFFFF, v1;
	v2 =	vadd.s32 v3, v5;
	v3 =	vand.u32 $0x1FFFFF, v6  }
0x3f: {  	v3 =	vsel vm1, $0xFFFFFFFF, v3;
	v0 =	vor.u32 v0, v2;
	v2 =	vshrl.u32 v1, $0x1  }
0x40: {  	v1 =	vshll.u32 v1, $0x7;
	v5 =	vshll.u32 v3, $0x1;
	v8 =	vmul.u32 $0x360000, v2  }
0x41: {  	s18 =	simm.s32 $0x30;
	s14 =	sor.u32 $0xA0, s14;
	s17 =	sadd.s32 $0x10, s15;
	v2 =	vand.u32 $0x80, v1;
	v0 =	vor.u32 v7, v0;
	v5 =	vand.u32 $0xFFFFFF00, v5  }
0x42: {  	s16 =	smov.u32 s14;
	s15 =	smov.u32 s14;
	v1 =	vld.msk [tilespmem:s17+$0x0 ss:$0x1], $0xffff;
	v3 =	vand.u32 $0x7F, v3;
	(ifvalue) =	ssetifvalue $0x7FFFFFFF;
	v6 =	vshrl.u32 v4, $0x1;
	v5 =	vadd.s32 v8, v5  }
.LBB2_3:
0x43: {  	s18 =	sadd.s32 $0x10, s18  }
0x44: {  	vm1 =	veq.s32 v4, $0x80000000;
	v4 =	vand.u32 $0x1, v4;
	v6 =	vand.u32 $0x1FFFFF, v6;
	s15 =	sadd.s32 $0x10, s15;
	p0 =	slt.u32 s18, $0x40  }
.Ltmp3:
0x45: {  	v5 =	vor.u32 v2, v5;
	v4 =	vsel vm1, $0xFFFFFFFF, v4;
	v7 =	vsel vm1, $0xFFFFFFFF, v6;
	(pc) =	sbr.rel @p0 .LBB2_3-.Ltmp3, $4  }
0x46: {  	v2 =	vshrl.u32 v4, $0x1;
	v6 =	vshll.u32 v7, $0x1;
	v4 =	vshll.u32 v4, $0x7;
	[tilespmem:s16], [sflag:$0x1] =	stream.indirect_vreg.gather [hbm4b:s2+s10], $0x1, v0, vm0, $0x4038;
	[tilespmem:$0x140] =	vst v63  }
0x47: {  	v0 =	vor.u32 v3, v5;
	s16 =	smov.u32 s15;
	v8 =	vmul.u32 $0x360000, v2;
	v2 =	vand.u32 $0x80, v4  }
0x48: {  	s17 =	sadd.s32 $0x10, s17;
	v9 =	vand.u32 $0xFFFFFF00, v6  }
0x49: {  	v3 =	vand.u32 $0x7F, v7;
	v6 =	vshrl.u32 v1, $0x1;
	v5 =	vadd.s32 v8, v9;
	(ifvalue) =	ssetifvalue $0x7FFFFFFF;
	v4 =	vmovc v1;
	v1 =	vld.msk [tilespmem:s17+$0x0 ss:$0x1], $0xffff  }
.Ltmp4:
0x4a: {  	_ = 	snop;
	(pc) =	sbr.rel .LBB2_4-.Ltmp4, $1  }
0x4b: {  	_ =	sdelay $0x3  }
.LBB2_6:
0x4c: {  	_ =	sfence.sel $0x180000  }
0x4d: {  	s2 =	simm.s32 $0x2;
	[bflag:$0x0] =	sbarrier.arrive $0xFFFF  }
0x4e: {  	s30 =	simm.s32 $0x3;
	[sflag:s2] =	ssyncpa.u1 $0x1  }
0x4f: {  	s31 =	simm.s32 $0x1;
	[sflag:s30] =	ssyncpa.u1 $0x1  }
0x50: {  	[sflag:s31] =	ssyncpa.u1 $0x1  }
0x51: {  	p0 =	sne.s32 s1, $0x0;
	_ =	strace $0x90000053  }
0x52: {  	s0 =	sadd.s32 @!p0 $0x100000, s0;
	[bflag:$0x2] =	sbarrier.arrive $0xFFFF  }
0x53: {  	[sflag:s0] =	ssyncadd.tile.s32 @!p0 $0x1;
	_ =	shalt  }
.Lfunc_end2:
_tile_overlayer_lowered:
.L_overlay_start_2:
0x54: {  	(tag) =	ssettag $0x2  }
0x55: {  	s0 =	rddreg [dreg:$0x0];
	s2 =	stileid.u32  }
0x56: {  	s1 =	rddreg [dreg:$0x1];
	p0 =	sne.s32 s2, $0x0  }
0x57: {  	s3 =	rddreg [dreg:$0x2];
	[bflag:$0x3] =	sbarrier.arrive $0xFFFF;
	s2 =	simm.s32 @!p0 $0x1C01  }
0x58: {  	[timem:s3], [sflag:s2] =	dma.local @!p0 [hbm:s0], s1  }
0x59: {  	s0 =	simm.s32 @!p0 $0x1  }
0x5a: {  	_ =	swait.ge @!p0 [sflag:s0], s1  }
0x5b: {  	s1 =	ssub.s32 @!p0 $0x0, s1;
	[sflag:s0] =	ssyncset.done @!p0 $0x0  }
0x5c: {  	[sflag:s0] =	ssyncadd.s32 @!p0 s1  }
0x5d: {  	[bflag:$0x3] =	sbarrier.arrive $0xFFFF  }
0x5e: {  	_ =	shalt  }

// kernel: gather_offload_async_start.6
scs
__scs_entry_jumppad:
0x0: {  	(pc) =	sbr.rel $0x88, $3  }
0x1: {  	(tag) =	ssettag $0x0;
	lr =	simm.s32 $0x1  }
0x2: {  	[smem:$0x3F9E] =	sst lr;
	_ =	strace $0xD0000000  }
0x3: {  	_ = 	snop  }
0x4: {  	_ = 	snop  }
0x5: {  	_ = 	snop  }
0x6: {  	_ = 	snop  }
0x7: {  	_ = 	snop  }
__scs_overlays_trampoline_lowered:
0x8: {  	[smem:$0x3FAD] =	sst s0  }
0x9: {  	[smem:$0x3FAE] =	sst s1  }
0xa: {  	[smem:$0x3FAF] =	sst s2  }
0xb: {  	[smem:$0x3FB0] =	sst s3  }
0xc: {  	[smem:$0x3FB1] =	sst s4  }
0xd: {  	[smem:$0x3FB2] =	sst s5  }
0xe: {  	[smem:$0x3FB3] =	sst s6  }
0xf: {  	[smem:$0x3FB4] =	sst s7  }
0x10: {  	[smem:$0x3FB5] =	sst s8  }
0x11: {  	[smem:$0x3FB6] =	sst s9;
	s0 =	simm.s32 @!p0 $0x0  }
0x12: {  	s1 =	sld [smem:$0x3F9C];
	s0 =	simm.s32 @p0 $0x1  }
0x13: {  	[smem:$0x3FB7] =	sst s0;
	s0 =	simm.s32 @!p1 $0x0  }
0x14: {  	s2 =	sld [smem:$0x3F9B];
	s0 =	simm.s32 @p1 $0x1  }
0x15: {  	[smem:$0x3FB8] =	sst s0;
	s0 =	simm.s32 @!p2 $0x0  }
0x16: {  	s3 =	sld [smem:$0x3FDB];
	s0 =	simm.s32 @p2 $0x1  }
0x17: {  	s4 =	simm.s32 $0x1BF5;
	[smem:$0x3FBA] =	sst s0  }
0x18: {  	s0 =	sld [smem:$0x3F9D];
	_ =	swait.ge [sflag:s4], $0x0  }
0x19: {  	s7 =	sld [smem:$0x3F9E]  }
0x1a: {  	s8 =	sadd.s32 $0xFFFFE003, lr  }
0x1b: {  	s9 =	sadd.s32 $0xFFFFFEF7, lr;
	s5 =	simm.s32 $0xFFFFFFFF;
	p2 =	slt.u32 s8, $0xFFFFF086  }
0x1c: {  	p1 =	slt.u32 s9, $0xF7A;
	s5 =	simm.s32 @!p2 $0x0  }
0x1d: {  	s5 =	simm.s32 @p1 $0x1;
	p0 =	seq.s32 s7, s2  }
0x1e: {  	s7 =	smul.u32 @!p0 $0xF7A, s2;
	p2 =	seq.s32 @!p0 s5, $0x0  }
0x1f: {  	s9 =	smul.u32 $0xF7A, s1;
	s8 =	simm.s32 @!p0 $0x1BF5;
	p2 =	por !p2, p0  }
0x20: {  	[sflag:s8] =	ssyncset.s32 @!p0 $0xFFFFF086;
	s6 =	sadd.s32 @!p0 s3, s7;
	s7 =	simm.s32 @!p0 $0x108  }
0x21: {  	s3 =	sadd.s32 s3, s9;
	s6 =	sadd.s32 @!p0 $0x88, s6;
	s7 =	simm.s32 @p2 $0x1082  }
0x22: {  	[simem:s7], [sflag:s8] =	dma.local @!p0 [hbm:s6], $0xF7A  }
0x23: {  	s9 =	sor.u32 $0xD0000000, s2;
	s6 =	simm.s32 $0x108;
	_ =	swait.ge @!p0 [sflag:s8], $0x0  }
0x24: {  	s3 =	sadd.s32 $0x88, s3;
	s6 =	simm.s32 @!p1 $0x1082;
	[sflag:s4] =	ssyncset.s32 $0xFFFFF086  }
0x25: {  	[simem:s6], [sflag:s4] =	dma.local [hbm:s3], $0xF7A  }
0x26: {  	[smem:$0x3F9E] =	sst s1;
	(tag) =	ssettag s2;
	_ =	strace s9  }
0x27: {  	s1 =	sld [smem:$0x3FAE]  }
0x28: {  	s2 =	sld [smem:$0x3FAF]  }
0x29: {  	s4 =	sld [smem:$0x3FB1]  }
0x2a: {  	p0 =	seq.s32 s5, $0x0;
	s5 =	sld [smem:$0x3FB2]  }
0x2b: {  	s6 =	sld [smem:$0x3FB3]  }
0x2c: {  	s7 =	sld [smem:$0x3FB4]  }
0x2d: {  	s3 =	simm.s32 $0x108;
	s8 =	sld [smem:$0x3FB5]  }
0x2e: {  	s3 =	simm.s32 @!p0 $0x1082;
	s9 =	sld [smem:$0x3FB6]  }
0x2f: {  	lr =	sadd.s32 s0, s3;
	s0 =	sld [smem:$0x3FAD]  }
0x30: {  	s3 =	sld [smem:$0x3FB0]  }
0x31: {  	[smem:$0x3FB9] =	sst s10  }
0x32: {  	s10 =	sld [smem:$0x3FB7];
	_ =	sdelay $0x3  }
0x33: {  	p0 =	seq.s32 s10, $0x1;
	s10 =	sld [smem:$0x3FB9];
	_ =	sdelay $0x3  }
0x34: {  	[smem:$0x3FB9] =	sst s10  }
0x35: {  	s10 =	sld [smem:$0x3FB8];
	_ =	sdelay $0x3  }
0x36: {  	p1 =	seq.s32 s10, $0x1;
	s10 =	sld [smem:$0x3FB9];
	_ =	sdelay $0x3  }
0x37: {  	[smem:$0x3FB9] =	sst s10  }
0x38: {  	s10 =	sld [smem:$0x3FBA]  }
0x39: {  	_ = 	snop;
	(pc) =	sbr.ind lr, $3  }
0x3a: {  	_ = 	snop  }
0x3b: {  	_ = 	snop  }
0x3c: {  	p2 =	seq.s32 s10, $0x1;
	s10 =	sld [smem:$0x3FB9]  }
0x3d: {  	_ =	shalt  }
0x3e: {  	_ =	shalt  }
0x3f: {  	_ =	shalt  }
0x40: {  	_ =	shalt  }
0x41: {  	_ =	shalt  }
0x42: {  	_ =	shalt  }
0x43: {  	_ =	shalt  }
0x44: {  	_ =	shalt  }
0x45: {  	_ =	shalt  }
0x46: {  	_ =	shalt  }
0x47: {  	_ =	shalt  }
0x48: {  	_ =	shalt  }
0x49: {  	_ =	shalt  }
0x4a: {  	_ =	shalt  }
0x4b: {  	_ =	shalt  }
0x4c: {  	_ =	shalt  }
0x4d: {  	_ =	shalt  }
0x4e: {  	_ =	shalt  }
0x4f: {  	_ =	shalt  }
0x50: {  	_ =	shalt  }
0x51: {  	_ =	shalt  }
0x52: {  	_ =	shalt  }
0x53: {  	_ =	shalt  }
0x54: {  	_ =	shalt  }
0x55: {  	_ =	shalt  }
0x56: {  	_ =	shalt  }
0x57: {  	_ =	shalt  }
0x58: {  	_ =	shalt  }
0x59: {  	_ =	shalt  }
0x5a: {  	_ =	shalt  }
0x5b: {  	_ =	shalt  }
0x5c: {  	_ =	shalt  }
0x5d: {  	_ =	shalt  }
0x5e: {  	_ =	shalt  }
0x5f: {  	_ =	shalt  }
0x60: {  	_ =	shalt  }
0x61: {  	_ =	shalt  }
0x62: {  	_ =	shalt  }
0x63: {  	_ =	shalt  }
0x64: {  	_ =	shalt  }
0x65: {  	_ =	shalt  }
0x66: {  	_ =	shalt  }
0x67: {  	_ =	shalt  }
0x68: {  	_ =	shalt  }
0x69: {  	_ =	shalt  }
0x6a: {  	_ =	shalt  }
0x6b: {  	_ =	shalt  }
0x6c: {  	_ =	shalt  }
0x6d: {  	_ =	shalt  }
0x6e: {  	_ =	shalt  }
0x6f: {  	_ =	shalt  }
0x70: {  	_ =	shalt  }
0x71: {  	_ =	shalt  }
0x72: {  	_ =	shalt  }
0x73: {  	_ =	shalt  }
0x74: {  	_ =	shalt  }
0x75: {  	_ =	shalt  }
0x76: {  	_ =	shalt  }
0x77: {  	_ =	shalt  }
0x78: {  	_ =	shalt  }
0x79: {  	_ =	shalt  }
0x7a: {  	_ =	shalt  }
0x7b: {  	_ =	shalt  }
0x7c: {  	_ =	shalt  }
0x7d: {  	_ =	shalt  }
0x7e: {  	_ =	shalt  }
0x7f: {  	_ =	shalt  }
0x80: {  	_ =	shalt  }
0x81: {  	_ =	shalt  }
0x82: {  	_ =	shalt  }
0x83: {  	_ =	shalt  }
0x84: {  	_ =	shalt  }
0x85: {  	_ =	shalt  }
0x86: {  	_ =	shalt  }
0x87: {  	_ =	shalt  }
.Lfunc_end0:
.L_simem_size_0:
called_computation.6_lowered:
.L_overlay_start_0:
0x88: {  	s0 =	sld [smem:$0x3FD9]  }
0x89: {  	s1 =	sld [smem:$0x3FFE];
	_ =	sdelay $0x3  }
0x8a: {  	s0 =	sadd.s32 s1, s0  }
0x8b: {  	[smem:$0x3FC5] =	sst s0  }
0x8c: {  	_ = 	snop  }
0x8d: {  	(tm) =	ssettm $0x1  }
0x8e: {  	s15 =	sld [smem:$0x3FFB];
	_ =	sdelay $0x3  }
0x8f: {  	_ =	strace s15  }
0x90: {  	s0 =	sld [smem:$0x3FFC];
	_ =	sdelay $0x3  }
0x91: {  	_ =	strace s0  }
0x92: {  	s0 =	sld [smem:$0x3FFD];
	_ =	sdelay $0x3  }
0x93: {  	_ =	strace s0  }
0x94: {  	_ =	strace $0x8FFFFFFF  }
0x95: {  	s16 =	sld [smem:$0x3FDB];
	_ =	sdelay $0x1  }
0x96: {  	s17 =	simm.s32 $_scs_section_size  }
0x97: {  	s2 =	simm.s32 $_size__tile_overlayer_lowered;
	s3 =	simm.s32 $_tile_overlayer_lowered  }
0x98: {  	s20 =	simm.s32 $0x1BFF;
	s19 =	sshll.u32 s3, $0x1;
	s0 =	sadd.s32 s17, s16  }
0x99: {  	s4 =	simm.s32 $0x0;
	s18 =	sshll.u32 s2, $0x1;
	s2 =	sadd.s32 s19, s0  }
0x9a: {  	[timem:s4], [sflag:s20] =	dma.local [hbm:s2], s18  }
0x9b: {  	_ =	swait.ge [sflag:s20], s18  }
0x9c: {  	s1 =	ssub.s32 $0x0, s18;
	[sflag:s20] =	ssyncset.done $0x0  }
0x9d: {  	[sflag:s20] =	ssyncadd.s32 s1;
	_ =	sdelay $0x1  }
0x9e: {  	s21 =	simm.s32 $0x1B8B  }
0x9f: {  	_ =	swait.ge [sflag:s21], $0x1  }
0xa0: {  	[sflag:s21] =	ssyncset.done $0x0  }
0xa1: {  	s23 =	simm.s32 $0x1B8E;
	s22 =	sld [smem:$0x3FFE];
	[sflag:s21] =	ssyncadd.s32 $0xFFFFFFFF  }
0xa2: {  	s24 =	simm.s32 $execute0_lowered;
	[smem:$0x3FD2] =	sst s23  }
0xa3: {  	s2 =	sshll.u32 s24, $0x1;
	_ =	strace $0x8000004C;
	[dreg:$0x1] =	wrdreg $0xFFFFFFFF  }
0xa4: {  	s25 =	simm.s32 $_size_execute0_lowered;
	s0 =	sadd.s32 s0, s2;
	[dreg:$0x0] =	wrdreg $0x0  }
0xa5: {  	s2 =	sshll.u32 s25, $0x1;
	[dreg:$0x2] =	wrdreg s0  }
0xa6: {  	[dreg:$0x3] =	wrdreg s2  }
0xa7: {  	[dreg:$0x4] =	wrdreg $0xC0  }
0xa8: {  	_ =	task [dreg:s4], $0x5FFFF  }
0xa9: {  	[dreg:$0x1] =	wrdreg $0xFFFFFFFF  }
0xaa: {  	[dreg:$0x0] =	wrdreg $0x60  }
0xab: {  	[dreg:$0x2] =	wrdreg s22  }
0xac: {  	[dreg:$0x3] =	wrdreg $0x9  }
0xad: {  	_ =	task.clear_ibuf [dreg:s4], $0x4FFFF;
	_ =	strace $0x9000004C  }
0xae: {  	s26 =	simm.s32 $0x9;
	_ =	strace $0x8000004E  }
0xaf: {  	_ =	swait.ge [sflag:s26], $0x1  }
0xb0: {  	[sflag:s26] =	ssyncadd.s32 $0xFFFFFFFF  }
0xb1: {  	_ =	strace $0x9000004E  }
0xb2: {  	_ =	sfence  }
0xb3: {  	s28 =	sld [smem:$0x0];
	_ =	sdelay $0x1  }
0xb4: {  	s29 =	srdreg.scid  }
0xb5: {  	s30 =	sshll.u32 s29, $0xD;
	s31 =	sshrl.u32 s29, $0x2  }
0xb6: {  	s1 =	sand.u32 $0x1, s29;
	s2 =	sand.u32 $0x4000, s30;
	s0 =	sadd.s32 s31, s28  }
0xb7: {  	s1 =	sor.u32 s2, s1;
	s0 =	sshll.u32 s0, $0x11  }
0xb8: {  	s0 =	sor.u32 s0, s1  }
0xb9: {  	s0 =	sadd.s32 $0x8F2B, s0  }
0xba: {  	[sflag:s0] =	ssyncadd.remote.s32 $0x1  }
0xbb: {  	_ =	sfence.sel $0xFFFF  }
0xbc: {  	[dreg:$0x0] =	wrdreg $0xFFFFFFFF;
	(pc) =	sbr.abs _section_cstart, $3  }
0xbd: {  	[dreg:$0x1] =	wrdreg $0xFFFFFFFF  }
0xbe: {  	_ =	task.clear_ibuf [dreg:s4], $0x2FFFF;
	_ =	strace $0x9FFFFFFF  }
0xbf: {  	(tm) =	ssettm $0x7FFFFFFF  }
tec
execute0_lowered:
.L_overlay_start_1:
0x0: {  	(tag) =	ssettag $0x1  }
0x1: {  	s2 =	rddreg [dreg:$0x0]  }
0x2: {  	s0 =	rddreg [dreg:$0x1]  }
0x3: {  	s1 =	stileid.u32;
	_ =	strace $0x8000004D;
	s5 =	simm.s32 $0x1  }
0x4: {  	s6 =	simm.s32 $0x500;
	s8 =	simm.s32 $0x1;
	s9 =	simm.s32 $0x3  }
0x5: {  	s10 =	simm.s32 $0x0;
	s13 =	simm.s32 $0x0;
	s4 =	smul.u32 $0x50, s1  }
0x6: {  	s12 =	simm.s32 $0x0;
	s3 =	sadd.s32 $0x200, s2;
	p0 =	slt.u32 s1, $0xA  }
.Ltmp0:
0x7: {  	s6 =	simm.s32 @!p0 $0x0;
	s7 =	ssub.s32 $0x7D0, s4;
	(pc) =	sbr.rel .LBB2_1-.Ltmp0, $4  }
0x8: {  	s8 =	simm.s32 @!p0 $0x0;
	p0 =	sne.s32 s7, s6;
	s7 =	simm.s32 $0x1  }
0x9: {  	[sflag:s5] =	ssyncpa.u1 $0x0;
	s6 =	simm.s32 $0x2;
	s7 =	simm.s32 @!p0 $0x0  }
0xa: {  	s11 =	smov.u32 s4;
	[sflag:s6] =	ssyncpa.u1 $0x0;
	s7 =	sadd.s32 s8, s7  }
0xb: {  	vm0 =	vmmov $0xffff;
	s8 =	sadd.s32 $0x6C200, s2;
	[sflag:s9] =	ssyncpa.u1 $0x0;
	s9 =	sadd.s32 $0x1, s7  }
.LBB2_4:
0xc: {  	vm1 =	veq.s32 v4, $0x80000000;
	v56 =	vand.u32 $0x1, v4;
	v6 =	vand.u32 $0x1FFFFF, v6  }
0xd: {  	v2 =	vor.u32 v2, v5;
	v59 =	vshrl.u32 v1, $0x1;
	v60 =	vand.u32 $0x1, v1  }
0xe: {  	v4 =	vsel vm1, $0xFFFFFFFF, v56;
	v6 =	vsel vm1, $0xFFFFFFFF, v6;
	v2 =	vor.u32 v3, v2  }
0xf: {  	vm1 =	veq.s32 v1, $0x80000000;
	v5 =	vand.u32 $0x1FFFFF, v59;
	v7 =	vshrl.u32 v4, $0x1  }
0x10: {  	v57 =	vshll.u32 v6, $0x1;
	v4 =	vshll.u32 v4, $0x7;
	v1 =	vsel vm1, $0xFFFFFFFF, v60  }
0x11: {  	v5 =	vsel vm1, $0xFFFFFFFF, v5;
	v6 =	vand.u32 $0x7F, v6;
	v7 =	vmul.u32 $0x360000, v7  }
0x12: {  	v58 =	vand.u32 $0xFFFFFF00, v57;
	v4 =	vand.u32 $0x80, v4;
	v61 =	vshrl.u32 v1, $0x1  }
0x13: {  	v62 =	vshll.u32 v5, $0x1;
	v3 =	vadd.s32 v7, v58;
	v7 =	vmul.u32 $0x360000, v61  }
0x14: {  	v1 =	vshll.u32 v1, $0x7;
	v3 =	vor.u32 v4, v3;
	v4 =	vand.u32 $0xFFFFFF00, v62  }
0x15: {  	v1 =	vand.u32 $0x80, v1;
	v3 =	vor.u32 v6, v3;
	v4 =	vadd.s32 v7, v4  }
0x16: {  	[tilespmem:s16], [sflag:$0x1] =	stream.indirect_vreg.gather [hbm4b:s3+s10], $0x1, v0, vm0, $0x4038;
	v63 =	vand.u32 $0x7F, v5;
	v1 =	vor.u32 v1, v4;
	[tilespmem:$0x140] =	vst v63  }
0x17: {  	s15 =	sadd.s32 $0x10, s15;
	(ifvalue) =	ssetifvalue $0x7FFFFFFF;
	v0 =	vor.u32 v63, v1  }
0x18: {  	[tilespmem:s15], [sflag:$0x1] =	stream.indirect_vreg.gather [hbm4b:s3+s10], $0x1, v2, vm0, $0x4038;
	[tilespmem:$0x140] =	vst v63  }
0x19: {  	s15 =	sadd.s32 $0x10, s15;
	(ifvalue) =	ssetifvalue $0x7FFFFFFF  }
0x1a: {  	[tilespmem:s15], [sflag:$0x1] =	stream.indirect_vreg.gather [hbm4b:s3+s10], $0x1, v3, vm0, $0x4038;
	[tilespmem:$0x140] =	vst v63  }
0x1b: {  	s15 =	sadd.s32 $0x10, s15;
	(ifvalue) =	ssetifvalue $0x7FFFFFFF  }
0x1c: {  	[tilespmem:s15], [sflag:$0x1] =	stream.indirect_vreg.gather [hbm4b:s3+s10], $0x1, v0, vm0, $0x4038;
	[tilespmem:$0x140] =	vst v63  }
0x1d: {  	_ =	swait.ge [sflag:s5], $0x50  }
0x1e: {  	s30 =	sshrl.u32 s13, $0x3;
	[sflag:s5] =	ssyncset.done $0x0  }
0x1f: {  	s31 =	sand.u32 $0x7, s13;
	s15 =	sadd.s32 s2, s30;
	[sflag:s5] =	ssyncadd.s32 $0xFFFFFFB0  }
0x20: {  	[hbm4b:s15+s31] =	stream.linear.scatter [tilespmem:s14], [sflag:$0x3], $0x50, $0x38;
	[tilespmem:$0x140] =	vst v63  }
.LBB2_5:
0x21: {  	s15 =	sadd.s32 $0x500, s11  }
0x22: {  	p1 =	sgt.s32 s15, $0x7CF  }
0x23: {  	s15 =	smov.u32 @p1 s4;
	p1 =	sne.s32 s12, s9  }
.Ltmp1:
0x24: {  	p0 =	slt.u32 s12, $0x2;
	(pc) =	sbr.rel @!p1 .LBB2_6-.Ltmp1, $4  }
0x25: {  	s14 =	simm.s32 @!p0 $0x3  }
0x26: {  	_ =	swait.ge @!p0 [sflag:s14], $0x50  }
0x27: {  	s16 =	sadd.s32 $0x1, s12;
	s13 =	smov.u32 s11;
	[sflag:s14] =	ssyncset.done @!p0 $0x0  }
0x28: {  	s12 =	smov.u32 s16;
	s11 =	smov.u32 s15;
	[sflag:s14] =	ssyncadd.s32 @!p0 $0xFFFFFFB0  }
.LBB2_1:
0x29: {  	p0 =	sge.u32 s12, s7  }
0x2a: {  	s14 =	sxor.u32 @!p0 $0x1, s12  }
0x2b: {  	s14 =	smul.u32 @!p0 $0x140, s14  }
0x2c: {  	s31 =	sadd.s32 $0xFFFFFFFF, s12;
	s15 =	sshrl.u32 @!p0 s11, $0x3  }
0x2d: {  	s16 =	sand.u32 @!p0 $0x7, s11;
	s15 =	sadd.s32 @!p0 s8, s15;
	s14 =	sshra.s32 @!p0 s14, $0x2  }
0x2e: {  	[tilespmem:s14], [sflag:$0x2] =	stream.linear.gather @!p0 [hbm4b:s15+s16], $0x50, $0x38;
	[tilespmem:$0x140] =	vst v63  }
0x2f: {  	p0 =	sge.u32 s31, s7  }
.Ltmp2:
0x30: {  	_ = 	snop;
	(pc) =	sbr.rel @p0 .LBB2_5-.Ltmp2, $1  }
0x31: {  	_ =	sdelay $0x3  }
0x32: {  	s14 =	sand.u32 $0x1, s12  }
0x33: {  	_ =	swait.ge [sflag:s6], $0x50;
	p0 =	seq.s32 s14, $0x1;
	s14 =	simm.s32 $0x50  }
0x34: {  	[sflag:s6] =	ssyncset.done $0x0;
	s14 =	simm.s32 @!p0 $0x0  }
0x35: {  	[sflag:s6] =	ssyncadd.s32 $0xFFFFFFB0;
	(ifvalue) =	ssetifvalue $0x7FFFFFFF;
	v0 =	vld.msk [tilespmem:s14+$0x0 ss:$0x1], $0xffff  }
0x36: {  	s15 =	sadd.s32 $0x10, s14  }
0x37: {  	v1 =	vld.msk [tilespmem:s15+$0x0 ss:$0x1], $0xffff;
	_ =	sdelay $0x2  }
0x38: {  	v2 =	vshrl.u32 v0, $0x1  }
0x39: {  	vm1 =	veq.s32 v0, $0x80000000;
	v0 =	vand.u32 $0x1, v0;
	v2 =	vand.u32 $0x1FFFFF, v2  }
0x3a: {  	v0 =	vsel vm1, $0xFFFFFFFF, v0;
	v6 =	vshrl.u32 v1, $0x1;
	v2 =	vsel vm1, $0xFFFFFFFF, v2  }
0x3b: {  	v3 =	vshrl.u32 v0, $0x1;
	v0 =	vshll.u32 v0, $0x7;
	vm1 =	veq.s32 v1, $0x80000000  }
0x3c: {  	s15 =	sadd.s32 $0x10, s15;
	v1 =	vand.u32 $0x1, v1;
	v4 =	vshll.u32 v2, $0x1;
	v3 =	vmul.u32 $0x360000, v3  }
0x3d: {  	v0 =	vand.u32 $0x80, v0;
	v7 =	vand.u32 $0x7F, v2;
	v5 =	vand.u32 $0xFFFFFF00, v4;
	v4 =	vld.msk [tilespmem:s15+$0x0 ss:$0x1], $0xffff  }
0x3e: {  	v1 =	vsel vm1, $0xFFFFFFFF, v1;
	v2 =	vadd.s32 v3, v5;
	v3 =	vand.u32 $0x1FFFFF, v6  }
0x3f: {  	v3 =	vsel vm1, $0xFFFFFFFF, v3;
	v0 =	vor.u32 v0, v2;
	v2 =	vshrl.u32 v1, $0x1  }
0x40: {  	v1 =	vshll.u32 v1, $0x7;
	v5 =	vshll.u32 v3, $0x1;
	v8 =	vmul.u32 $0x360000, v2  }
0x41: {  	s18 =	simm.s32 $0x30;
	s14 =	sor.u32 $0xA0, s14;
	s17 =	sadd.s32 $0x10, s15;
	v2 =	vand.u32 $0x80, v1;
	v0 =	vor.u32 v7, v0;
	v5 =	vand.u32 $0xFFFFFF00, v5  }
0x42: {  	s16 =	smov.u32 s14;
	s15 =	smov.u32 s14;
	v1 =	vld.msk [tilespmem:s17+$0x0 ss:$0x1], $0xffff;
	v3 =	vand.u32 $0x7F, v3;
	(ifvalue) =	ssetifvalue $0x7FFFFFFF;
	v6 =	vshrl.u32 v4, $0x1;
	v5 =	vadd.s32 v8, v5  }
.LBB2_3:
0x43: {  	s18 =	sadd.s32 $0x10, s18  }
0x44: {  	vm1 =	veq.s32 v4, $0x80000000;
	v4 =	vand.u32 $0x1, v4;
	v6 =	vand.u32 $0x1FFFFF, v6;
	s15 =	sadd.s32 $0x10, s15;
	p0 =	slt.u32 s18, $0x40  }
.Ltmp3:
0x45: {  	v5 =	vor.u32 v2, v5;
	v4 =	vsel vm1, $0xFFFFFFFF, v4;
	v7 =	vsel vm1, $0xFFFFFFFF, v6;
	(pc) =	sbr.rel @p0 .LBB2_3-.Ltmp3, $4  }
0x46: {  	v2 =	vshrl.u32 v4, $0x1;
	v6 =	vshll.u32 v7, $0x1;
	v4 =	vshll.u32 v4, $0x7;
	[tilespmem:s16], [sflag:$0x1] =	stream.indirect_vreg.gather [hbm4b:s3+s10], $0x1, v0, vm0, $0x4038;
	[tilespmem:$0x140] =	vst v63  }
0x47: {  	v0 =	vor.u32 v3, v5;
	s16 =	smov.u32 s15;
	v8 =	vmul.u32 $0x360000, v2;
	v2 =	vand.u32 $0x80, v4  }
0x48: {  	s17 =	sadd.s32 $0x10, s17;
	v9 =	vand.u32 $0xFFFFFF00, v6  }
0x49: {  	v3 =	vand.u32 $0x7F, v7;
	v6 =	vshrl.u32 v1, $0x1;
	v5 =	vadd.s32 v8, v9;
	(ifvalue) =	ssetifvalue $0x7FFFFFFF;
	v4 =	vmovc v1;
	v1 =	vld.msk [tilespmem:s17+$0x0 ss:$0x1], $0xffff  }
.Ltmp4:
0x4a: {  	_ = 	snop;
	(pc) =	sbr.rel .LBB2_4-.Ltmp4, $1  }
0x4b: {  	_ =	sdelay $0x3  }
.LBB2_6:
0x4c: {  	_ =	sfence.sel $0x180000  }
0x4d: {  	s2 =	simm.s32 $0x2;
	[bflag:$0x0] =	sbarrier.arrive $0xFFFF  }
0x4e: {  	s30 =	simm.s32 $0x3;
	[sflag:s2] =	ssyncpa.u1 $0x1  }
0x4f: {  	s31 =	simm.s32 $0x1;
	[sflag:s30] =	ssyncpa.u1 $0x1  }
0x50: {  	[sflag:s31] =	ssyncpa.u1 $0x1  }
0x51: {  	p0 =	sne.s32 s1, $0x0;
	_ =	strace $0x9000004D  }
0x52: {  	s0 =	sadd.s32 @!p0 $0x100000, s0;
	[bflag:$0x2] =	sbarrier.arrive $0xFFFF  }
0x53: {  	[sflag:s0] =	ssyncadd.tile.s32 @!p0 $0x1;
	_ =	shalt  }
.Lfunc_end2:
_tile_overlayer_lowered:
.L_overlay_start_2:
0x54: {  	(tag) =	ssettag $0x2  }
0x55: {  	s0 =	rddreg [dreg:$0x0];
	s2 =	stileid.u32  }
0x56: {  	s1 =	rddreg [dreg:$0x1];
	p0 =	sne.s32 s2, $0x0  }
0x57: {  	s3 =	rddreg [dreg:$0x2];
	[bflag:$0x3] =	sbarrier.arrive $0xFFFF;
	s2 =	simm.s32 @!p0 $0x1C01  }
0x58: {  	[timem:s3], [sflag:s2] =	dma.local @!p0 [hbm:s0], s1  }
0x59: {  	s0 =	simm.s32 @!p0 $0x1  }
0x5a: {  	_ =	swait.ge @!p0 [sflag:s0], s1  }
0x5b: {  	s1 =	ssub.s32 @!p0 $0x0, s1;
	[sflag:s0] =	ssyncset.done @!p0 $0x0  }
0x5c: {  	[sflag:s0] =	ssyncadd.s32 @!p0 s1  }
0x5d: {  	[bflag:$0x3] =	sbarrier.arrive $0xFFFF  }
0x5e: {  	_ =	shalt  }

// kernel: gather_offload_async_start.7
scs
__scs_entry_jumppad:
0x0: {  	(pc) =	sbr.rel $0x88, $3  }
0x1: {  	(tag) =	ssettag $0x0;
	lr =	simm.s32 $0x1  }
0x2: {  	[smem:$0x3F9E] =	sst lr;
	_ =	strace $0xD0000000  }
0x3: {  	_ = 	snop  }
0x4: {  	_ = 	snop  }
0x5: {  	_ = 	snop  }
0x6: {  	_ = 	snop  }
0x7: {  	_ = 	snop  }
__scs_overlays_trampoline_lowered:
0x8: {  	[smem:$0x3FAD] =	sst s0  }
0x9: {  	[smem:$0x3FAE] =	sst s1  }
0xa: {  	[smem:$0x3FAF] =	sst s2  }
0xb: {  	[smem:$0x3FB0] =	sst s3  }
0xc: {  	[smem:$0x3FB1] =	sst s4  }
0xd: {  	[smem:$0x3FB2] =	sst s5  }
0xe: {  	[smem:$0x3FB3] =	sst s6  }
0xf: {  	[smem:$0x3FB4] =	sst s7  }
0x10: {  	[smem:$0x3FB5] =	sst s8  }
0x11: {  	[smem:$0x3FB6] =	sst s9;
	s0 =	simm.s32 @!p0 $0x0  }
0x12: {  	s1 =	sld [smem:$0x3F9C];
	s0 =	simm.s32 @p0 $0x1  }
0x13: {  	[smem:$0x3FB7] =	sst s0;
	s0 =	simm.s32 @!p1 $0x0  }
0x14: {  	s2 =	sld [smem:$0x3F9B];
	s0 =	simm.s32 @p1 $0x1  }
0x15: {  	[smem:$0x3FB8] =	sst s0;
	s0 =	simm.s32 @!p2 $0x0  }
0x16: {  	s3 =	sld [smem:$0x3FDB];
	s0 =	simm.s32 @p2 $0x1  }
0x17: {  	s4 =	simm.s32 $0x1BF5;
	[smem:$0x3FBA] =	sst s0  }
0x18: {  	s0 =	sld [smem:$0x3F9D];
	_ =	swait.ge [sflag:s4], $0x0  }
0x19: {  	s7 =	sld [smem:$0x3F9E]  }
0x1a: {  	s8 =	sadd.s32 $0xFFFFE003, lr  }
0x1b: {  	s9 =	sadd.s32 $0xFFFFFEF7, lr;
	s5 =	simm.s32 $0xFFFFFFFF;
	p2 =	slt.u32 s8, $0xFFFFF086  }
0x1c: {  	p1 =	slt.u32 s9, $0xF7A;
	s5 =	simm.s32 @!p2 $0x0  }
0x1d: {  	s5 =	simm.s32 @p1 $0x1;
	p0 =	seq.s32 s7, s2  }
0x1e: {  	s7 =	smul.u32 @!p0 $0xF7A, s2;
	p2 =	seq.s32 @!p0 s5, $0x0  }
0x1f: {  	s9 =	smul.u32 $0xF7A, s1;
	s8 =	simm.s32 @!p0 $0x1BF5;
	p2 =	por !p2, p0  }
0x20: {  	[sflag:s8] =	ssyncset.s32 @!p0 $0xFFFFF086;
	s6 =	sadd.s32 @!p0 s3, s7;
	s7 =	simm.s32 @!p0 $0x108  }
0x21: {  	s3 =	sadd.s32 s3, s9;
	s6 =	sadd.s32 @!p0 $0x88, s6;
	s7 =	simm.s32 @p2 $0x1082  }
0x22: {  	[simem:s7], [sflag:s8] =	dma.local @!p0 [hbm:s6], $0xF7A  }
0x23: {  	s9 =	sor.u32 $0xD0000000, s2;
	s6 =	simm.s32 $0x108;
	_ =	swait.ge @!p0 [sflag:s8], $0x0  }
0x24: {  	s3 =	sadd.s32 $0x88, s3;
	s6 =	simm.s32 @!p1 $0x1082;
	[sflag:s4] =	ssyncset.s32 $0xFFFFF086  }
0x25: {  	[simem:s6], [sflag:s4] =	dma.local [hbm:s3], $0xF7A  }
0x26: {  	[smem:$0x3F9E] =	sst s1;
	(tag) =	ssettag s2;
	_ =	strace s9  }
0x27: {  	s1 =	sld [smem:$0x3FAE]  }
0x28: {  	s2 =	sld [smem:$0x3FAF]  }
0x29: {  	s4 =	sld [smem:$0x3FB1]  }
0x2a: {  	p0 =	seq.s32 s5, $0x0;
	s5 =	sld [smem:$0x3FB2]  }
0x2b: {  	s6 =	sld [smem:$0x3FB3]  }
0x2c: {  	s7 =	sld [smem:$0x3FB4]  }
0x2d: {  	s3 =	simm.s32 $0x108;
	s8 =	sld [smem:$0x3FB5]  }
0x2e: {  	s3 =	simm.s32 @!p0 $0x1082;
	s9 =	sld [smem:$0x3FB6]  }
0x2f: {  	lr =	sadd.s32 s0, s3;
	s0 =	sld [smem:$0x3FAD]  }
0x30: {  	s3 =	sld [smem:$0x3FB0]  }
0x31: {  	[smem:$0x3FB9] =	sst s10  }
0x32: {  	s10 =	sld [smem:$0x3FB7];
	_ =	sdelay $0x3  }
0x33: {  	p0 =	seq.s32 s10, $0x1;
	s10 =	sld [smem:$0x3FB9];
	_ =	sdelay $0x3  }
0x34: {  	[smem:$0x3FB9] =	sst s10  }
0x35: {  	s10 =	sld [smem:$0x3FB8];
	_ =	sdelay $0x3  }
0x36: {  	p1 =	seq.s32 s10, $0x1;
	s10 =	sld [smem:$0x3FB9];
	_ =	sdelay $0x3  }
0x37: {  	[smem:$0x3FB9] =	sst s10  }
0x38: {  	s10 =	sld [smem:$0x3FBA]  }
0x39: {  	_ = 	snop;
	(pc) =	sbr.ind lr, $3  }
0x3a: {  	_ = 	snop  }
0x3b: {  	_ = 	snop  }
0x3c: {  	p2 =	seq.s32 s10, $0x1;
	s10 =	sld [smem:$0x3FB9]  }
0x3d: {  	_ =	shalt  }
0x3e: {  	_ =	shalt  }
0x3f: {  	_ =	shalt  }
0x40: {  	_ =	shalt  }
0x41: {  	_ =	shalt  }
0x42: {  	_ =	shalt  }
0x43: {  	_ =	shalt  }
0x44: {  	_ =	shalt  }
0x45: {  	_ =	shalt  }
0x46: {  	_ =	shalt  }
0x47: {  	_ =	shalt  }
0x48: {  	_ =	shalt  }
0x49: {  	_ =	shalt  }
0x4a: {  	_ =	shalt  }
0x4b: {  	_ =	shalt  }
0x4c: {  	_ =	shalt  }
0x4d: {  	_ =	shalt  }
0x4e: {  	_ =	shalt  }
0x4f: {  	_ =	shalt  }
0x50: {  	_ =	shalt  }
0x51: {  	_ =	shalt  }
0x52: {  	_ =	shalt  }
0x53: {  	_ =	shalt  }
0x54: {  	_ =	shalt  }
0x55: {  	_ =	shalt  }
0x56: {  	_ =	shalt  }
0x57: {  	_ =	shalt  }
0x58: {  	_ =	shalt  }
0x59: {  	_ =	shalt  }
0x5a: {  	_ =	shalt  }
0x5b: {  	_ =	shalt  }
0x5c: {  	_ =	shalt  }
0x5d: {  	_ =	shalt  }
0x5e: {  	_ =	shalt  }
0x5f: {  	_ =	shalt  }
0x60: {  	_ =	shalt  }
0x61: {  	_ =	shalt  }
0x62: {  	_ =	shalt  }
0x63: {  	_ =	shalt  }
0x64: {  	_ =	shalt  }
0x65: {  	_ =	shalt  }
0x66: {  	_ =	shalt  }
0x67: {  	_ =	shalt  }
0x68: {  	_ =	shalt  }
0x69: {  	_ =	shalt  }
0x6a: {  	_ =	shalt  }
0x6b: {  	_ =	shalt  }
0x6c: {  	_ =	shalt  }
0x6d: {  	_ =	shalt  }
0x6e: {  	_ =	shalt  }
0x6f: {  	_ =	shalt  }
0x70: {  	_ =	shalt  }
0x71: {  	_ =	shalt  }
0x72: {  	_ =	shalt  }
0x73: {  	_ =	shalt  }
0x74: {  	_ =	shalt  }
0x75: {  	_ =	shalt  }
0x76: {  	_ =	shalt  }
0x77: {  	_ =	shalt  }
0x78: {  	_ =	shalt  }
0x79: {  	_ =	shalt  }
0x7a: {  	_ =	shalt  }
0x7b: {  	_ =	shalt  }
0x7c: {  	_ =	shalt  }
0x7d: {  	_ =	shalt  }
0x7e: {  	_ =	shalt  }
0x7f: {  	_ =	shalt  }
0x80: {  	_ =	shalt  }
0x81: {  	_ =	shalt  }
0x82: {  	_ =	shalt  }
0x83: {  	_ =	shalt  }
0x84: {  	_ =	shalt  }
0x85: {  	_ =	shalt  }
0x86: {  	_ =	shalt  }
0x87: {  	_ =	shalt  }
.Lfunc_end0:
.L_simem_size_0:
called_computation.7_lowered:
.L_overlay_start_0:
0x88: {  	s0 =	sld [smem:$0x3FD9]  }
0x89: {  	s1 =	sld [smem:$0x3FFE];
	_ =	sdelay $0x3  }
0x8a: {  	s0 =	sadd.s32 s1, s0  }
0x8b: {  	[smem:$0x3FC5] =	sst s0  }
0x8c: {  	_ = 	snop  }
0x8d: {  	(tm) =	ssettm $0x1  }
0x8e: {  	s15 =	sld [smem:$0x3FFB];
	_ =	sdelay $0x3  }
0x8f: {  	_ =	strace s15  }
0x90: {  	s0 =	sld [smem:$0x3FFC];
	_ =	sdelay $0x3  }
0x91: {  	_ =	strace s0  }
0x92: {  	s0 =	sld [smem:$0x3FFD];
	_ =	sdelay $0x3  }
0x93: {  	_ =	strace s0  }
0x94: {  	_ =	strace $0x8FFFFFFF  }
0x95: {  	s16 =	sld [smem:$0x3FDB];
	_ =	sdelay $0x1  }
0x96: {  	s17 =	simm.s32 $_scs_section_size  }
0x97: {  	s2 =	simm.s32 $_size__tile_overlayer_lowered;
	s3 =	simm.s32 $_tile_overlayer_lowered  }
0x98: {  	s20 =	simm.s32 $0x1BFF;
	s19 =	sshll.u32 s3, $0x1;
	s0 =	sadd.s32 s17, s16  }
0x99: {  	s4 =	simm.s32 $0x0;
	s18 =	sshll.u32 s2, $0x1;
	s2 =	sadd.s32 s19, s0  }
0x9a: {  	[timem:s4], [sflag:s20] =	dma.local [hbm:s2], s18  }
0x9b: {  	_ =	swait.ge [sflag:s20], s18  }
0x9c: {  	s1 =	ssub.s32 $0x0, s18;
	[sflag:s20] =	ssyncset.done $0x0  }
0x9d: {  	[sflag:s20] =	ssyncadd.s32 s1;
	_ =	sdelay $0x1  }
0x9e: {  	s21 =	simm.s32 $0x1B8B  }
0x9f: {  	_ =	swait.ge [sflag:s21], $0x1  }
0xa0: {  	[sflag:s21] =	ssyncset.done $0x0  }
0xa1: {  	s23 =	simm.s32 $0x1B8E;
	s22 =	sld [smem:$0x3FFE];
	[sflag:s21] =	ssyncadd.s32 $0xFFFFFFFF  }
0xa2: {  	s24 =	simm.s32 $execute0_lowered;
	[smem:$0x3FD2] =	sst s23  }
0xa3: {  	s2 =	sshll.u32 s24, $0x1;
	_ =	strace $0x80000049;
	[dreg:$0x1] =	wrdreg $0xFFFFFFFF  }
0xa4: {  	s25 =	simm.s32 $_size_execute0_lowered;
	s0 =	sadd.s32 s0, s2;
	[dreg:$0x0] =	wrdreg $0x0  }
0xa5: {  	s2 =	sshll.u32 s25, $0x1;
	[dreg:$0x2] =	wrdreg s0  }
0xa6: {  	[dreg:$0x3] =	wrdreg s2  }
0xa7: {  	[dreg:$0x4] =	wrdreg $0xC0  }
0xa8: {  	_ =	task [dreg:s4], $0x5FFFF  }
0xa9: {  	[dreg:$0x1] =	wrdreg $0xFFFFFFFF  }
0xaa: {  	[dreg:$0x0] =	wrdreg $0x60  }
0xab: {  	[dreg:$0x2] =	wrdreg s22  }
0xac: {  	[dreg:$0x3] =	wrdreg $0x9  }
0xad: {  	_ =	task.clear_ibuf [dreg:s4], $0x4FFFF;
	_ =	strace $0x90000049  }
0xae: {  	s26 =	simm.s32 $0x9;
	_ =	strace $0x8000004B  }
0xaf: {  	_ =	swait.ge [sflag:s26], $0x1  }
0xb0: {  	[sflag:s26] =	ssyncadd.s32 $0xFFFFFFFF  }
0xb1: {  	_ =	strace $0x9000004B  }
0xb2: {  	_ =	sfence  }
0xb3: {  	s28 =	sld [smem:$0x0];
	_ =	sdelay $0x1  }
0xb4: {  	s29 =	srdreg.scid  }
0xb5: {  	s30 =	sshll.u32 s29, $0xD;
	s31 =	sshrl.u32 s29, $0x2  }
0xb6: {  	s1 =	sand.u32 $0x1, s29;
	s2 =	sand.u32 $0x4000, s30;
	s0 =	sadd.s32 s31, s28  }
0xb7: {  	s1 =	sor.u32 s2, s1;
	s0 =	sshll.u32 s0, $0x11  }
0xb8: {  	s0 =	sor.u32 s0, s1  }
0xb9: {  	s0 =	sadd.s32 $0x8F2B, s0  }
0xba: {  	[sflag:s0] =	ssyncadd.remote.s32 $0x1  }
0xbb: {  	_ =	sfence.sel $0xFFFF  }
0xbc: {  	[dreg:$0x0] =	wrdreg $0xFFFFFFFF;
	(pc) =	sbr.abs _section_cstart, $3  }
0xbd: {  	[dreg:$0x1] =	wrdreg $0xFFFFFFFF  }
0xbe: {  	_ =	task.clear_ibuf [dreg:s4], $0x2FFFF;
	_ =	strace $0x9FFFFFFF  }
0xbf: {  	(tm) =	ssettm $0x7FFFFFFF  }
tec
execute0_lowered:
.L_overlay_start_1:
0x0: {  	(tag) =	ssettag $0x1  }
0x1: {  	s2 =	rddreg [dreg:$0x0]  }
0x2: {  	s0 =	rddreg [dreg:$0x1]  }
0x3: {  	s1 =	stileid.u32;
	_ =	strace $0x8000004A;
	s5 =	simm.s32 $0x1  }
0x4: {  	s6 =	simm.s32 $0x500;
	s8 =	simm.s32 $0x1;
	s9 =	simm.s32 $0x3  }
0x5: {  	s10 =	simm.s32 $0x0;
	s13 =	simm.s32 $0x0;
	s4 =	smul.u32 $0x50, s1  }
0x6: {  	s12 =	simm.s32 $0x0;
	s3 =	sadd.s32 $0x200, s2;
	p0 =	slt.u32 s1, $0xA  }
.Ltmp0:
0x7: {  	s6 =	simm.s32 @!p0 $0x0;
	s7 =	ssub.s32 $0x7D0, s4;
	(pc) =	sbr.rel .LBB2_1-.Ltmp0, $4  }
0x8: {  	s8 =	simm.s32 @!p0 $0x0;
	p0 =	sne.s32 s7, s6;
	s7 =	simm.s32 $0x1  }
0x9: {  	[sflag:s5] =	ssyncpa.u1 $0x0;
	s6 =	simm.s32 $0x2;
	s7 =	simm.s32 @!p0 $0x0  }
0xa: {  	s11 =	smov.u32 s4;
	[sflag:s6] =	ssyncpa.u1 $0x0;
	s7 =	sadd.s32 s8, s7  }
0xb: {  	vm0 =	vmmov $0xffff;
	s8 =	sadd.s32 $0x6CA00, s2;
	[sflag:s9] =	ssyncpa.u1 $0x0;
	s9 =	sadd.s32 $0x1, s7  }
.LBB2_4:
0xc: {  	vm1 =	veq.s32 v4, $0x80000000;
	v56 =	vand.u32 $0x1, v4;
	v6 =	vand.u32 $0x1FFFFF, v6  }
0xd: {  	v2 =	vor.u32 v2, v5;
	v59 =	vshrl.u32 v1, $0x1;
	v60 =	vand.u32 $0x1, v1  }
0xe: {  	v4 =	vsel vm1, $0xFFFFFFFF, v56;
	v6 =	vsel vm1, $0xFFFFFFFF, v6;
	v2 =	vor.u32 v3, v2  }
0xf: {  	vm1 =	veq.s32 v1, $0x80000000;
	v5 =	vand.u32 $0x1FFFFF, v59;
	v7 =	vshrl.u32 v4, $0x1  }
0x10: {  	v57 =	vshll.u32 v6, $0x1;
	v4 =	vshll.u32 v4, $0x7;
	v1 =	vsel vm1, $0xFFFFFFFF, v60  }
0x11: {  	v5 =	vsel vm1, $0xFFFFFFFF, v5;
	v6 =	vand.u32 $0x7F, v6;
	v7 =	vmul.u32 $0x360000, v7  }
0x12: {  	v58 =	vand.u32 $0xFFFFFF00, v57;
	v4 =	vand.u32 $0x80, v4;
	v61 =	vshrl.u32 v1, $0x1  }
0x13: {  	v62 =	vshll.u32 v5, $0x1;
	v3 =	vadd.s32 v7, v58;
	v7 =	vmul.u32 $0x360000, v61  }
0x14: {  	v1 =	vshll.u32 v1, $0x7;
	v3 =	vor.u32 v4, v3;
	v4 =	vand.u32 $0xFFFFFF00, v62  }
0x15: {  	v1 =	vand.u32 $0x80, v1;
	v3 =	vor.u32 v6, v3;
	v4 =	vadd.s32 v7, v4  }
0x16: {  	[tilespmem:s16], [sflag:$0x1] =	stream.indirect_vreg.gather [hbm4b:s3+s10], $0x1, v0, vm0, $0x4038;
	v63 =	vand.u32 $0x7F, v5;
	v1 =	vor.u32 v1, v4;
	[tilespmem:$0x140] =	vst v63  }
0x17: {  	s15 =	sadd.s32 $0x10, s15;
	(ifvalue) =	ssetifvalue $0x7FFFFFFF;
	v0 =	vor.u32 v63, v1  }
0x18: {  	[tilespmem:s15], [sflag:$0x1] =	stream.indirect_vreg.gather [hbm4b:s3+s10], $0x1, v2, vm0, $0x4038;
	[tilespmem:$0x140] =	vst v63  }
0x19: {  	s15 =	sadd.s32 $0x10, s15;
	(ifvalue) =	ssetifvalue $0x7FFFFFFF  }
0x1a: {  	[tilespmem:s15], [sflag:$0x1] =	stream.indirect_vreg.gather [hbm4b:s3+s10], $0x1, v3, vm0, $0x4038;
	[tilespmem:$0x140] =	vst v63  }
0x1b: {  	s15 =	sadd.s32 $0x10, s15;
	(ifvalue) =	ssetifvalue $0x7FFFFFFF  }
0x1c: {  	[tilespmem:s15], [sflag:$0x1] =	stream.indirect_vreg.gather [hbm4b:s3+s10], $0x1, v0, vm0, $0x4038;
	[tilespmem:$0x140] =	vst v63  }
0x1d: {  	_ =	swait.ge [sflag:s5], $0x50  }
0x1e: {  	s30 =	sshrl.u32 s13, $0x3;
	[sflag:s5] =	ssyncset.done $0x0  }
0x1f: {  	s31 =	sand.u32 $0x7, s13;
	s15 =	sadd.s32 s8, s30;
	[sflag:s5] =	ssyncadd.s32 $0xFFFFFFB0  }
0x20: {  	[hbm4b:s15+s31] =	stream.linear.scatter [tilespmem:s14], [sflag:$0x3], $0x50, $0x38;
	[tilespmem:$0x140] =	vst v63  }
.LBB2_5:
0x21: {  	s15 =	sadd.s32 $0x500, s11  }
0x22: {  	p1 =	sgt.s32 s15, $0x7CF  }
0x23: {  	s15 =	smov.u32 @p1 s4;
	p1 =	sne.s32 s12, s9  }
.Ltmp1:
0x24: {  	p0 =	slt.u32 s12, $0x2;
	(pc) =	sbr.rel @!p1 .LBB2_6-.Ltmp1, $4  }
0x25: {  	s14 =	simm.s32 @!p0 $0x3  }
0x26: {  	_ =	swait.ge @!p0 [sflag:s14], $0x50  }
0x27: {  	s16 =	sadd.s32 $0x1, s12;
	s13 =	smov.u32 s11;
	[sflag:s14] =	ssyncset.done @!p0 $0x0  }
0x28: {  	s12 =	smov.u32 s16;
	s11 =	smov.u32 s15;
	[sflag:s14] =	ssyncadd.s32 @!p0 $0xFFFFFFB0  }
.LBB2_1:
0x29: {  	p0 =	sge.u32 s12, s7  }
0x2a: {  	s14 =	sxor.u32 @!p0 $0x1, s12  }
0x2b: {  	s14 =	smul.u32 @!p0 $0x140, s14  }
0x2c: {  	s31 =	sadd.s32 $0xFFFFFFFF, s12;
	s15 =	sshrl.u32 @!p0 s11, $0x3  }
0x2d: {  	s16 =	sand.u32 @!p0 $0x7, s11;
	s15 =	sadd.s32 @!p0 s2, s15;
	s14 =	sshra.s32 @!p0 s14, $0x2  }
0x2e: {  	[tilespmem:s14], [sflag:$0x2] =	stream.linear.gather @!p0 [hbm4b:s15+s16], $0x50, $0x38;
	[tilespmem:$0x140] =	vst v63  }
0x2f: {  	p0 =	sge.u32 s31, s7  }
.Ltmp2:
0x30: {  	_ = 	snop;
	(pc) =	sbr.rel @p0 .LBB2_5-.Ltmp2, $1  }
0x31: {  	_ =	sdelay $0x3  }
0x32: {  	s14 =	sand.u32 $0x1, s12  }
0x33: {  	_ =	swait.ge [sflag:s6], $0x50;
	p0 =	seq.s32 s14, $0x1;
	s14 =	simm.s32 $0x50  }
0x34: {  	[sflag:s6] =	ssyncset.done $0x0;
	s14 =	simm.s32 @!p0 $0x0  }
0x35: {  	[sflag:s6] =	ssyncadd.s32 $0xFFFFFFB0;
	(ifvalue) =	ssetifvalue $0x7FFFFFFF;
	v0 =	vld.msk [tilespmem:s14+$0x0 ss:$0x1], $0xffff  }
0x36: {  	s15 =	sadd.s32 $0x10, s14  }
0x37: {  	v1 =	vld.msk [tilespmem:s15+$0x0 ss:$0x1], $0xffff;
	_ =	sdelay $0x2  }
0x38: {  	v2 =	vshrl.u32 v0, $0x1  }
0x39: {  	vm1 =	veq.s32 v0, $0x80000000;
	v0 =	vand.u32 $0x1, v0;
	v2 =	vand.u32 $0x1FFFFF, v2  }
0x3a: {  	v0 =	vsel vm1, $0xFFFFFFFF, v0;
	v6 =	vshrl.u32 v1, $0x1;
	v2 =	vsel vm1, $0xFFFFFFFF, v2  }
0x3b: {  	v3 =	vshrl.u32 v0, $0x1;
	v0 =	vshll.u32 v0, $0x7;
	vm1 =	veq.s32 v1, $0x80000000  }
0x3c: {  	s15 =	sadd.s32 $0x10, s15;
	v1 =	vand.u32 $0x1, v1;
	v4 =	vshll.u32 v2, $0x1;
	v3 =	vmul.u32 $0x360000, v3  }
0x3d: {  	v0 =	vand.u32 $0x80, v0;
	v7 =	vand.u32 $0x7F, v2;
	v5 =	vand.u32 $0xFFFFFF00, v4;
	v4 =	vld.msk [tilespmem:s15+$0x0 ss:$0x1], $0xffff  }
0x3e: {  	v1 =	vsel vm1, $0xFFFFFFFF, v1;
	v2 =	vadd.s32 v3, v5;
	v3 =	vand.u32 $0x1FFFFF, v6  }
0x3f: {  	v3 =	vsel vm1, $0xFFFFFFFF, v3;
	v0 =	vor.u32 v0, v2;
	v2 =	vshrl.u32 v1, $0x1  }
0x40: {  	v1 =	vshll.u32 v1, $0x7;
	v5 =	vshll.u32 v3, $0x1;
	v8 =	vmul.u32 $0x360000, v2  }
0x41: {  	s18 =	simm.s32 $0x30;
	s14 =	sor.u32 $0xA0, s14;
	s17 =	sadd.s32 $0x10, s15;
	v2 =	vand.u32 $0x80, v1;
	v0 =	vor.u32 v7, v0;
	v5 =	vand.u32 $0xFFFFFF00, v5  }
0x42: {  	s16 =	smov.u32 s14;
	s15 =	smov.u32 s14;
	v1 =	vld.msk [tilespmem:s17+$0x0 ss:$0x1], $0xffff;
	v3 =	vand.u32 $0x7F, v3;
	(ifvalue) =	ssetifvalue $0x7FFFFFFF;
	v6 =	vshrl.u32 v4, $0x1;
	v5 =	vadd.s32 v8, v5  }
.LBB2_3:
0x43: {  	s18 =	sadd.s32 $0x10, s18  }
0x44: {  	vm1 =	veq.s32 v4, $0x80000000;
	v4 =	vand.u32 $0x1, v4;
	v6 =	vand.u32 $0x1FFFFF, v6;
	s15 =	sadd.s32 $0x10, s15;
	p0 =	slt.u32 s18, $0x40  }
.Ltmp3:
0x45: {  	v5 =	vor.u32 v2, v5;
	v4 =	vsel vm1, $0xFFFFFFFF, v4;
	v7 =	vsel vm1, $0xFFFFFFFF, v6;
	(pc) =	sbr.rel @p0 .LBB2_3-.Ltmp3, $4  }
0x46: {  	v2 =	vshrl.u32 v4, $0x1;
	v6 =	vshll.u32 v7, $0x1;
	v4 =	vshll.u32 v4, $0x7;
	[tilespmem:s16], [sflag:$0x1] =	stream.indirect_vreg.gather [hbm4b:s3+s10], $0x1, v0, vm0, $0x4038;
	[tilespmem:$0x140] =	vst v63  }
0x47: {  	v0 =	vor.u32 v3, v5;
	s16 =	smov.u32 s15;
	v8 =	vmul.u32 $0x360000, v2;
	v2 =	vand.u32 $0x80, v4  }
0x48: {  	s17 =	sadd.s32 $0x10, s17;
	v9 =	vand.u32 $0xFFFFFF00, v6  }
0x49: {  	v3 =	vand.u32 $0x7F, v7;
	v6 =	vshrl.u32 v1, $0x1;
	v5 =	vadd.s32 v8, v9;
	(ifvalue) =	ssetifvalue $0x7FFFFFFF;
	v4 =	vmovc v1;
	v1 =	vld.msk [tilespmem:s17+$0x0 ss:$0x1], $0xffff  }
.Ltmp4:
0x4a: {  	_ = 	snop;
	(pc) =	sbr.rel .LBB2_4-.Ltmp4, $1  }
0x4b: {  	_ =	sdelay $0x3  }
.LBB2_6:
0x4c: {  	_ =	sfence.sel $0x180000  }
0x4d: {  	s2 =	simm.s32 $0x2;
	[bflag:$0x0] =	sbarrier.arrive $0xFFFF  }
0x4e: {  	s30 =	simm.s32 $0x3;
	[sflag:s2] =	ssyncpa.u1 $0x1  }
0x4f: {  	s31 =	simm.s32 $0x1;
	[sflag:s30] =	ssyncpa.u1 $0x1  }
0x50: {  	[sflag:s31] =	ssyncpa.u1 $0x1  }
0x51: {  	p0 =	sne.s32 s1, $0x0;
	_ =	strace $0x9000004A  }
0x52: {  	s0 =	sadd.s32 @!p0 $0x100000, s0;
	[bflag:$0x2] =	sbarrier.arrive $0xFFFF  }
0x53: {  	[sflag:s0] =	ssyncadd.tile.s32 @!p0 $0x1;
	_ =	shalt  }
.Lfunc_end2:
_tile_overlayer_lowered:
.L_overlay_start_2:
0x54: {  	(tag) =	ssettag $0x2  }
0x55: {  	s0 =	rddreg [dreg:$0x0];
	s2 =	stileid.u32  }
0x56: {  	s1 =	rddreg [dreg:$0x1];
	p0 =	sne.s32 s2, $0x0  }
0x57: {  	s3 =	rddreg [dreg:$0x2];
	[bflag:$0x3] =	sbarrier.arrive $0xFFFF;
	s2 =	simm.s32 @!p0 $0x1C01  }
0x58: {  	[timem:s3], [sflag:s2] =	dma.local @!p0 [hbm:s0], s1  }
0x59: {  	s0 =	simm.s32 @!p0 $0x1  }
0x5a: {  	_ =	swait.ge @!p0 [sflag:s0], s1  }
0x5b: {  	s1 =	ssub.s32 @!p0 $0x0, s1;
	[sflag:s0] =	ssyncset.done @!p0 $0x0  }
0x5c: {  	[sflag:s0] =	ssyncadd.s32 @!p0 s1  }
0x5d: {  	[bflag:$0x3] =	sbarrier.arrive $0xFFFF  }
0x5e: {  	_ =	shalt  }

// kernel: gather_offload_async_start
scs
__scs_entry_jumppad:
0x0: {  	(pc) =	sbr.rel $0x88, $3  }
0x1: {  	(tag) =	ssettag $0x0;
	lr =	simm.s32 $0x1  }
0x2: {  	[smem:$0x3F9E] =	sst lr;
	_ =	strace $0xD0000000  }
0x3: {  	_ = 	snop  }
0x4: {  	_ = 	snop  }
0x5: {  	_ = 	snop  }
0x6: {  	_ = 	snop  }
0x7: {  	_ = 	snop  }
__scs_overlays_trampoline_lowered:
0x8: {  	[smem:$0x3FAD] =	sst s0  }
0x9: {  	[smem:$0x3FAE] =	sst s1  }
0xa: {  	[smem:$0x3FAF] =	sst s2  }
0xb: {  	[smem:$0x3FB0] =	sst s3  }
0xc: {  	[smem:$0x3FB1] =	sst s4  }
0xd: {  	[smem:$0x3FB2] =	sst s5  }
0xe: {  	[smem:$0x3FB3] =	sst s6  }
0xf: {  	[smem:$0x3FB4] =	sst s7  }
0x10: {  	[smem:$0x3FB5] =	sst s8  }
0x11: {  	[smem:$0x3FB6] =	sst s9;
	s0 =	simm.s32 @!p0 $0x0  }
0x12: {  	s1 =	sld [smem:$0x3F9C];
	s0 =	simm.s32 @p0 $0x1  }
0x13: {  	[smem:$0x3FB7] =	sst s0;
	s0 =	simm.s32 @!p1 $0x0  }
0x14: {  	s2 =	sld [smem:$0x3F9B];
	s0 =	simm.s32 @p1 $0x1  }
0x15: {  	[smem:$0x3FB8] =	sst s0;
	s0 =	simm.s32 @!p2 $0x0  }
0x16: {  	s3 =	sld [smem:$0x3FDB];
	s0 =	simm.s32 @p2 $0x1  }
0x17: {  	s4 =	simm.s32 $0x1BF5;
	[smem:$0x3FBA] =	sst s0  }
0x18: {  	s0 =	sld [smem:$0x3F9D];
	_ =	swait.ge [sflag:s4], $0x0  }
0x19: {  	s7 =	sld [smem:$0x3F9E]  }
0x1a: {  	s8 =	sadd.s32 $0xFFFFE003, lr  }
0x1b: {  	s9 =	sadd.s32 $0xFFFFFEF7, lr;
	s5 =	simm.s32 $0xFFFFFFFF;
	p2 =	slt.u32 s8, $0xFFFFF086  }
0x1c: {  	p1 =	slt.u32 s9, $0xF7A;
	s5 =	simm.s32 @!p2 $0x0  }
0x1d: {  	s5 =	simm.s32 @p1 $0x1;
	p0 =	seq.s32 s7, s2  }
0x1e: {  	s7 =	smul.u32 @!p0 $0xF7A, s2;
	p2 =	seq.s32 @!p0 s5, $0x0  }
0x1f: {  	s9 =	smul.u32 $0xF7A, s1;
	s8 =	simm.s32 @!p0 $0x1BF5;
	p2 =	por !p2, p0  }
0x20: {  	[sflag:s8] =	ssyncset.s32 @!p0 $0xFFFFF086;
	s6 =	sadd.s32 @!p0 s3, s7;
	s7 =	simm.s32 @!p0 $0x108  }
0x21: {  	s3 =	sadd.s32 s3, s9;
	s6 =	sadd.s32 @!p0 $0x88, s6;
	s7 =	simm.s32 @p2 $0x1082  }
0x22: {  	[simem:s7], [sflag:s8] =	dma.local @!p0 [hbm:s6], $0xF7A  }
0x23: {  	s9 =	sor.u32 $0xD0000000, s2;
	s6 =	simm.s32 $0x108;
	_ =	swait.ge @!p0 [sflag:s8], $0x0  }
0x24: {  	s3 =	sadd.s32 $0x88, s3;
	s6 =	simm.s32 @!p1 $0x1082;
	[sflag:s4] =	ssyncset.s32 $0xFFFFF086  }
0x25: {  	[simem:s6], [sflag:s4] =	dma.local [hbm:s3], $0xF7A  }
0x26: {  	[smem:$0x3F9E] =	sst s1;
	(tag) =	ssettag s2;
	_ =	strace s9  }
0x27: {  	s1 =	sld [smem:$0x3FAE]  }
0x28: {  	s2 =	sld [smem:$0x3FAF]  }
0x29: {  	s4 =	sld [smem:$0x3FB1]  }
0x2a: {  	p0 =	seq.s32 s5, $0x0;
	s5 =	sld [smem:$0x3FB2]  }
0x2b: {  	s6 =	sld [smem:$0x3FB3]  }
0x2c: {  	s7 =	sld [smem:$0x3FB4]  }
0x2d: {  	s3 =	simm.s32 $0x108;
	s8 =	sld [smem:$0x3FB5]  }
0x2e: {  	s3 =	simm.s32 @!p0 $0x1082;
	s9 =	sld [smem:$0x3FB6]  }
0x2f: {  	lr =	sadd.s32 s0, s3;
	s0 =	sld [smem:$0x3FAD]  }
0x30: {  	s3 =	sld [smem:$0x3FB0]  }
0x31: {  	[smem:$0x3FB9] =	sst s10  }
0x32: {  	s10 =	sld [smem:$0x3FB7];
	_ =	sdelay $0x3  }
0x33: {  	p0 =	seq.s32 s10, $0x1;
	s10 =	sld [smem:$0x3FB9];
	_ =	sdelay $0x3  }
0x34: {  	[smem:$0x3FB9] =	sst s10  }
0x35: {  	s10 =	sld [smem:$0x3FB8];
	_ =	sdelay $0x3  }
0x36: {  	p1 =	seq.s32 s10, $0x1;
	s10 =	sld [smem:$0x3FB9];
	_ =	sdelay $0x3  }
0x37: {  	[smem:$0x3FB9] =	sst s10  }
0x38: {  	s10 =	sld [smem:$0x3FBA]  }
0x39: {  	_ = 	snop;
	(pc) =	sbr.ind lr, $3  }
0x3a: {  	_ = 	snop  }
0x3b: {  	_ = 	snop  }
0x3c: {  	p2 =	seq.s32 s10, $0x1;
	s10 =	sld [smem:$0x3FB9]  }
0x3d: {  	_ =	shalt  }
0x3e: {  	_ =	shalt  }
0x3f: {  	_ =	shalt  }
0x40: {  	_ =	shalt  }
0x41: {  	_ =	shalt  }
0x42: {  	_ =	shalt  }
0x43: {  	_ =	shalt  }
0x44: {  	_ =	shalt  }
0x45: {  	_ =	shalt  }
0x46: {  	_ =	shalt  }
0x47: {  	_ =	shalt  }
0x48: {  	_ =	shalt  }
0x49: {  	_ =	shalt  }
0x4a: {  	_ =	shalt  }
0x4b: {  	_ =	shalt  }
0x4c: {  	_ =	shalt  }
0x4d: {  	_ =	shalt  }
0x4e: {  	_ =	shalt  }
0x4f: {  	_ =	shalt  }
0x50: {  	_ =	shalt  }
0x51: {  	_ =	shalt  }
0x52: {  	_ =	shalt  }
0x53: {  	_ =	shalt  }
0x54: {  	_ =	shalt  }
0x55: {  	_ =	shalt  }
0x56: {  	_ =	shalt  }
0x57: {  	_ =	shalt  }
0x58: {  	_ =	shalt  }
0x59: {  	_ =	shalt  }
0x5a: {  	_ =	shalt  }
0x5b: {  	_ =	shalt  }
0x5c: {  	_ =	shalt  }
0x5d: {  	_ =	shalt  }
0x5e: {  	_ =	shalt  }
0x5f: {  	_ =	shalt  }
0x60: {  	_ =	shalt  }
0x61: {  	_ =	shalt  }
0x62: {  	_ =	shalt  }
0x63: {  	_ =	shalt  }
0x64: {  	_ =	shalt  }
0x65: {  	_ =	shalt  }
0x66: {  	_ =	shalt  }
0x67: {  	_ =	shalt  }
0x68: {  	_ =	shalt  }
0x69: {  	_ =	shalt  }
0x6a: {  	_ =	shalt  }
0x6b: {  	_ =	shalt  }
0x6c: {  	_ =	shalt  }
0x6d: {  	_ =	shalt  }
0x6e: {  	_ =	shalt  }
0x6f: {  	_ =	shalt  }
0x70: {  	_ =	shalt  }
0x71: {  	_ =	shalt  }
0x72: {  	_ =	shalt  }
0x73: {  	_ =	shalt  }
0x74: {  	_ =	shalt  }
0x75: {  	_ =	shalt  }
0x76: {  	_ =	shalt  }
0x77: {  	_ =	shalt  }
0x78: {  	_ =	shalt  }
0x79: {  	_ =	shalt  }
0x7a: {  	_ =	shalt  }
0x7b: {  	_ =	shalt  }
0x7c: {  	_ =	shalt  }
0x7d: {  	_ =	shalt  }
0x7e: {  	_ =	shalt  }
0x7f: {  	_ =	shalt  }
0x80: {  	_ =	shalt  }
0x81: {  	_ =	shalt  }
0x82: {  	_ =	shalt  }
0x83: {  	_ =	shalt  }
0x84: {  	_ =	shalt  }
0x85: {  	_ =	shalt  }
0x86: {  	_ =	shalt  }
0x87: {  	_ =	shalt  }
.Lfunc_end0:
.L_simem_size_0:
called_computation_lowered:
.L_overlay_start_0:
0x88: {  	s0 =	sld [smem:$0x3FD9]  }
0x89: {  	s1 =	sld [smem:$0x3FFE];
	_ =	sdelay $0x3  }
0x8a: {  	s0 =	sadd.s32 s1, s0  }
0x8b: {  	[smem:$0x3FC5] =	sst s0  }
0x8c: {  	_ = 	snop  }
0x8d: {  	s0 =	sld [smem:$0x3FD0];
	(tm) =	ssettm $0x1  }
0x8e: {  	s16 =	sld [smem:$0x3FFB];
	_ =	sdelay $0x3  }
0x8f: {  	_ =	strace s16  }
0x90: {  	s1 =	sld [smem:$0x3FFC];
	_ =	sdelay $0x3  }
0x91: {  	_ =	strace s1  }
0x92: {  	s1 =	sld [smem:$0x3FFD];
	_ =	sdelay $0x3  }
0x93: {  	_ =	strace s1  }
0x94: {  	_ =	strace $0x8FFFFFFF  }
0x95: {  	s17 =	sld [smem:$0x3FDB];
	_ =	sdelay $0x1  }
0x96: {  	s2 =	simm.s32 $_scs_section_size  }
0x97: {  	s3 =	simm.s32 $_size__tile_overlayer_lowered;
	s4 =	simm.s32 $_tile_overlayer_lowered  }
0x98: {  	s20 =	simm.s32 $0x1BFF;
	s19 =	sshll.u32 s4, $0x1;
	s1 =	sadd.s32 s2, s17  }
0x99: {  	s5 =	simm.s32 $0x0;
	s18 =	sshll.u32 s3, $0x1;
	s3 =	sadd.s32 s19, s1  }
0x9a: {  	[timem:s5], [sflag:s20] =	dma.local [hbm:s3], s18  }
0x9b: {  	_ =	swait.ge [sflag:s20], s18  }
0x9c: {  	s2 =	ssub.s32 $0x0, s18;
	[sflag:s20] =	ssyncset.done $0x0  }
0x9d: {  	[sflag:s20] =	ssyncadd.s32 s2;
	_ =	sdelay $0x1  }
0x9e: {  	s21 =	simm.s32 $0x1B8B  }
0x9f: {  	_ =	swait.ge [sflag:s21], $0x1  }
0xa0: {  	[sflag:s21] =	ssyncset.done $0x0  }
0xa1: {  	s23 =	simm.s32 $0x1B8E;
	s22 =	sld [smem:$0x3FFE];
	[sflag:s21] =	ssyncadd.s32 $0xFFFFFFFF  }
0xa2: {  	s24 =	simm.s32 $execute0_lowered;
	[smem:$0x3FD2] =	sst s23  }
0xa3: {  	s3 =	sshll.u32 s24, $0x1;
	_ =	strace $0x80000046;
	[dreg:$0x1] =	wrdreg $0xFFFFFFFF  }
0xa4: {  	s25 =	simm.s32 $_size_execute0_lowered;
	s1 =	sadd.s32 s1, s3;
	[dreg:$0x0] =	wrdreg $0x0  }
0xa5: {  	s3 =	sshll.u32 s25, $0x1;
	[dreg:$0x2] =	wrdreg s1  }
0xa6: {  	[dreg:$0x3] =	wrdreg s3  }
0xa7: {  	[dreg:$0x4] =	wrdreg $0xC0  }
0xa8: {  	_ =	task [dreg:s5], $0x5FFFF  }
0xa9: {  	[dreg:$0x1] =	wrdreg $0xFFFFFFFF  }
0xaa: {  	[dreg:$0x0] =	wrdreg $0x60  }
0xab: {  	[dreg:$0x2] =	wrdreg s22  }
0xac: {  	[dreg:$0x3] =	wrdreg s0  }
0xad: {  	[dreg:$0x4] =	wrdreg $0x9  }
0xae: {  	_ =	task.clear_ibuf [dreg:s5], $0x5FFFF;
	_ =	strace $0x90000046  }
0xaf: {  	s26 =	simm.s32 $0x9;
	_ =	strace $0x80000048  }
0xb0: {  	_ =	swait.ge [sflag:s26], $0x1  }
0xb1: {  	[sflag:s26] =	ssyncadd.s32 $0xFFFFFFFF  }
0xb2: {  	_ =	strace $0x90000048  }
0xb3: {  	_ =	sfence  }
0xb4: {  	s28 =	sld [smem:$0x0];
	_ =	sdelay $0x1  }
0xb5: {  	s29 =	srdreg.scid  }
0xb6: {  	s30 =	sshll.u32 s29, $0xD;
	s31 =	sshrl.u32 s29, $0x2  }
0xb7: {  	s2 =	sand.u32 $0x4000, s30;
	s1 =	sand.u32 $0x1, s29;
	s0 =	sadd.s32 s31, s28  }
0xb8: {  	s1 =	sor.u32 s2, s1;
	s0 =	sshll.u32 s0, $0x11  }
0xb9: {  	s0 =	sor.u32 s0, s1  }
0xba: {  	s0 =	sadd.s32 $0x8F2B, s0  }
0xbb: {  	[sflag:s0] =	ssyncadd.remote.s32 $0x1  }
0xbc: {  	_ =	sfence.sel $0xFFFF  }
0xbd: {  	[dreg:$0x0] =	wrdreg $0xFFFFFFFF;
	(pc) =	sbr.abs _section_cstart, $3  }
0xbe: {  	[dreg:$0x1] =	wrdreg $0xFFFFFFFF  }
0xbf: {  	_ =	task.clear_ibuf [dreg:s5], $0x2FFFF;
	_ =	strace $0x9FFFFFFF  }
0xc0: {  	(tm) =	ssettm $0x7FFFFFFF  }
0xc1: {  	_ =	shalt  }
tec
execute0_lowered:
.L_overlay_start_1:
0x0: {  	(tag) =	ssettag $0x1  }
0x1: {  	s2 =	rddreg [dreg:$0x0]  }
0x2: {  	s3 =	rddreg [dreg:$0x1]  }
0x3: {  	s0 =	rddreg [dreg:$0x2];
	s1 =	stileid.u32;
	_ =	strace $0x80000047  }
0x4: {  	s5 =	simm.s32 $0x1;
	s6 =	simm.s32 $0x500;
	s8 =	simm.s32 $0x1  }
0x5: {  	s9 =	simm.s32 $0x3;
	s10 =	simm.s32 $0x0;
	s4 =	smul.u32 $0x50, s1  }
0x6: {  	s13 =	simm.s32 $0x0;
	s12 =	simm.s32 $0x0;
	p0 =	slt.u32 s1, $0xA  }
.Ltmp0:
0x7: {  	s6 =	simm.s32 @!p0 $0x0;
	s7 =	ssub.s32 $0x7D0, s4;
	(pc) =	sbr.rel .LBB2_1-.Ltmp0, $4  }
0x8: {  	s8 =	simm.s32 @!p0 $0x0;
	p0 =	sne.s32 s7, s6;
	s7 =	simm.s32 $0x1  }
0x9: {  	[sflag:s5] =	ssyncpa.u1 $0x0;
	s6 =	simm.s32 $0x2;
	s7 =	simm.s32 @!p0 $0x0  }
0xa: {  	s11 =	smov.u32 s4;
	[sflag:s6] =	ssyncpa.u1 $0x0;
	s7 =	sadd.s32 s8, s7  }
0xb: {  	vm0 =	vmmov $0xffff;
	s8 =	sadd.s32 $0x100000, s2;
	[sflag:s9] =	ssyncpa.u1 $0x0;
	s9 =	sadd.s32 $0x1, s7  }
.LBB2_4:
0xc: {  	vm1 =	veq.s32 v4, $0x80000000;
	v56 =	vand.u32 $0x1, v4;
	v6 =	vand.u32 $0x7FFFF, v6  }
0xd: {  	v2 =	vor.u32 v2, v5;
	v59 =	vshrl.u32 v1, $0x1;
	v60 =	vand.u32 $0x1, v1  }
0xe: {  	v4 =	vsel vm1, $0xFFFFFFFF, v56;
	v6 =	vsel vm1, $0xFFFFFFFF, v6;
	v2 =	vor.u32 v3, v2  }
0xf: {  	vm1 =	veq.s32 v1, $0x80000000;
	v5 =	vand.u32 $0x7FFFF, v59;
	v7 =	vshrl.u32 v4, $0x1  }
0x10: {  	v57 =	vshll.u32 v6, $0x1;
	v4 =	vshll.u32 v4, $0x7;
	v1 =	vsel vm1, $0xFFFFFFFF, v60  }
0x11: {  	v5 =	vsel vm1, $0xFFFFFFFF, v5;
	v6 =	vand.u32 $0x7F, v6;
	v7 =	vmul.u32 $0x90000, v7  }
0x12: {  	v58 =	vand.u32 $0xFFFFFF00, v57;
	v4 =	vand.u32 $0x80, v4;
	v61 =	vshrl.u32 v1, $0x1  }
0x13: {  	v62 =	vshll.u32 v5, $0x1;
	v3 =	vadd.s32 v7, v58;
	v7 =	vmul.u32 $0x90000, v61  }
0x14: {  	v1 =	vshll.u32 v1, $0x7;
	v3 =	vor.u32 v4, v3;
	v4 =	vand.u32 $0xFFFFFF00, v62  }
0x15: {  	v1 =	vand.u32 $0x80, v1;
	v3 =	vor.u32 v6, v3;
	v4 =	vadd.s32 v7, v4  }
0x16: {  	[tilespmem:s16], [sflag:$0x1] =	stream.indirect_vreg.gather [hbm4b:s8+s10], $0x1, v0, vm0, $0x4038;
	v63 =	vand.u32 $0x7F, v5;
	v1 =	vor.u32 v1, v4;
	[tilespmem:$0x140] =	vst v63  }
0x17: {  	s15 =	sadd.s32 $0x10, s15;
	(ifvalue) =	ssetifvalue $0x7FFFFFFF;
	v0 =	vor.u32 v63, v1  }
0x18: {  	[tilespmem:s15], [sflag:$0x1] =	stream.indirect_vreg.gather [hbm4b:s8+s10], $0x1, v2, vm0, $0x4038;
	[tilespmem:$0x140] =	vst v63  }
0x19: {  	s15 =	sadd.s32 $0x10, s15;
	(ifvalue) =	ssetifvalue $0x7FFFFFFF  }
0x1a: {  	[tilespmem:s15], [sflag:$0x1] =	stream.indirect_vreg.gather [hbm4b:s8+s10], $0x1, v3, vm0, $0x4038;
	[tilespmem:$0x140] =	vst v63  }
0x1b: {  	s15 =	sadd.s32 $0x10, s15;
	(ifvalue) =	ssetifvalue $0x7FFFFFFF  }
0x1c: {  	[tilespmem:s15], [sflag:$0x1] =	stream.indirect_vreg.gather [hbm4b:s8+s10], $0x1, v0, vm0, $0x4038;
	[tilespmem:$0x140] =	vst v63  }
0x1d: {  	_ =	swait.ge [sflag:s5], $0x50  }
0x1e: {  	s30 =	sshrl.u32 s13, $0x3;
	[sflag:s5] =	ssyncset.done $0x0  }
0x1f: {  	s31 =	sand.u32 $0x7, s13;
	s15 =	sadd.s32 s2, s30;
	[sflag:s5] =	ssyncadd.s32 $0xFFFFFFB0  }
0x20: {  	[hbm4b:s15+s31] =	stream.linear.scatter [tilespmem:s14], [sflag:$0x3], $0x50, $0x38;
	[tilespmem:$0x140] =	vst v63  }
.LBB2_5:
0x21: {  	s15 =	sadd.s32 $0x500, s11  }
0x22: {  	p1 =	sgt.s32 s15, $0x7CF  }
0x23: {  	s15 =	smov.u32 @p1 s4;
	p1 =	sne.s32 s12, s9  }
.Ltmp1:
0x24: {  	p0 =	slt.u32 s12, $0x2;
	(pc) =	sbr.rel @!p1 .LBB2_6-.Ltmp1, $4  }
0x25: {  	s14 =	simm.s32 @!p0 $0x3  }
0x26: {  	_ =	swait.ge @!p0 [sflag:s14], $0x50  }
0x27: {  	s16 =	sadd.s32 $0x1, s12;
	s13 =	smov.u32 s11;
	[sflag:s14] =	ssyncset.done @!p0 $0x0  }
0x28: {  	s12 =	smov.u32 s16;
	s11 =	smov.u32 s15;
	[sflag:s14] =	ssyncadd.s32 @!p0 $0xFFFFFFB0  }
.LBB2_1:
0x29: {  	p0 =	sge.u32 s12, s7  }
0x2a: {  	s14 =	sxor.u32 @!p0 $0x1, s12  }
0x2b: {  	s14 =	smul.u32 @!p0 $0x140, s14  }
0x2c: {  	s31 =	sadd.s32 $0xFFFFFFFF, s12;
	s15 =	sshrl.u32 @!p0 s11, $0x3  }
0x2d: {  	s16 =	sand.u32 @!p0 $0x7, s11;
	s15 =	sadd.s32 @!p0 s3, s15;
	s14 =	sshra.s32 @!p0 s14, $0x2  }
0x2e: {  	[tilespmem:s14], [sflag:$0x2] =	stream.linear.gather @!p0 [hbm4b:s15+s16], $0x50, $0x38;
	[tilespmem:$0x140] =	vst v63  }
0x2f: {  	p0 =	sge.u32 s31, s7  }
.Ltmp2:
0x30: {  	_ = 	snop;
	(pc) =	sbr.rel @p0 .LBB2_5-.Ltmp2, $1  }
0x31: {  	_ =	sdelay $0x3  }
0x32: {  	s14 =	sand.u32 $0x1, s12  }
0x33: {  	_ =	swait.ge [sflag:s6], $0x50;
	p0 =	seq.s32 s14, $0x1;
	s14 =	simm.s32 $0x50  }
0x34: {  	[sflag:s6] =	ssyncset.done $0x0;
	s14 =	simm.s32 @!p0 $0x0  }
0x35: {  	[sflag:s6] =	ssyncadd.s32 $0xFFFFFFB0;
	(ifvalue) =	ssetifvalue $0x7FFFFFFF;
	v0 =	vld.msk [tilespmem:s14+$0x0 ss:$0x1], $0xffff  }
0x36: {  	s15 =	sadd.s32 $0x10, s14  }
0x37: {  	v1 =	vld.msk [tilespmem:s15+$0x0 ss:$0x1], $0xffff;
	_ =	sdelay $0x2  }
0x38: {  	v2 =	vshrl.u32 v0, $0x1  }
0x39: {  	vm1 =	veq.s32 v0, $0x80000000;
	v0 =	vand.u32 $0x1, v0;
	v2 =	vand.u32 $0x7FFFF, v2  }
0x3a: {  	v0 =	vsel vm1, $0xFFFFFFFF, v0;
	v6 =	vshrl.u32 v1, $0x1;
	v2 =	vsel vm1, $0xFFFFFFFF, v2  }
0x3b: {  	v3 =	vshrl.u32 v0, $0x1;
	v0 =	vshll.u32 v0, $0x7;
	vm1 =	veq.s32 v1, $0x80000000  }
0x3c: {  	s15 =	sadd.s32 $0x10, s15;
	v1 =	vand.u32 $0x1, v1;
	v4 =	vshll.u32 v2, $0x1;
	v3 =	vmul.u32 $0x90000, v3  }
0x3d: {  	v0 =	vand.u32 $0x80, v0;
	v7 =	vand.u32 $0x7F, v2;
	v5 =	vand.u32 $0xFFFFFF00, v4;
	v4 =	vld.msk [tilespmem:s15+$0x0 ss:$0x1], $0xffff  }
0x3e: {  	v1 =	vsel vm1, $0xFFFFFFFF, v1;
	v2 =	vadd.s32 v3, v5;
	v3 =	vand.u32 $0x7FFFF, v6  }
0x3f: {  	v3 =	vsel vm1, $0xFFFFFFFF, v3;
	v0 =	vor.u32 v0, v2;
	v2 =	vshrl.u32 v1, $0x1  }
0x40: {  	v1 =	vshll.u32 v1, $0x7;
	v5 =	vshll.u32 v3, $0x1;
	v8 =	vmul.u32 $0x90000, v2  }
0x41: {  	s18 =	simm.s32 $0x30;
	s14 =	sor.u32 $0xA0, s14;
	s17 =	sadd.s32 $0x10, s15;
	v2 =	vand.u32 $0x80, v1;
	v0 =	vor.u32 v7, v0;
	v5 =	vand.u32 $0xFFFFFF00, v5  }
0x42: {  	s16 =	smov.u32 s14;
	s15 =	smov.u32 s14;
	v1 =	vld.msk [tilespmem:s17+$0x0 ss:$0x1], $0xffff;
	v3 =	vand.u32 $0x7F, v3;
	(ifvalue) =	ssetifvalue $0x7FFFFFFF;
	v6 =	vshrl.u32 v4, $0x1;
	v5 =	vadd.s32 v8, v5  }
.LBB2_3:
0x43: {  	s18 =	sadd.s32 $0x10, s18  }
0x44: {  	vm1 =	veq.s32 v4, $0x80000000;
	v4 =	vand.u32 $0x1, v4;
	v6 =	vand.u32 $0x7FFFF, v6;
	s15 =	sadd.s32 $0x10, s15;
	p0 =	slt.u32 s18, $0x40  }
.Ltmp3:
0x45: {  	v5 =	vor.u32 v2, v5;
	v4 =	vsel vm1, $0xFFFFFFFF, v4;
	v7 =	vsel vm1, $0xFFFFFFFF, v6;
	(pc) =	sbr.rel @p0 .LBB2_3-.Ltmp3, $4  }
0x46: {  	v2 =	vshrl.u32 v4, $0x1;
	v6 =	vshll.u32 v7, $0x1;
	v4 =	vshll.u32 v4, $0x7;
	[tilespmem:s16], [sflag:$0x1] =	stream.indirect_vreg.gather [hbm4b:s8+s10], $0x1, v0, vm0, $0x4038;
	[tilespmem:$0x140] =	vst v63  }
0x47: {  	v0 =	vor.u32 v3, v5;
	s16 =	smov.u32 s15;
	v8 =	vmul.u32 $0x90000, v2;
	v2 =	vand.u32 $0x80, v4  }
0x48: {  	s17 =	sadd.s32 $0x10, s17;
	v9 =	vand.u32 $0xFFFFFF00, v6  }
0x49: {  	v3 =	vand.u32 $0x7F, v7;
	v6 =	vshrl.u32 v1, $0x1;
	v5 =	vadd.s32 v8, v9;
	(ifvalue) =	ssetifvalue $0x7FFFFFFF;
	v4 =	vmovc v1;
	v1 =	vld.msk [tilespmem:s17+$0x0 ss:$0x1], $0xffff  }
.Ltmp4:
0x4a: {  	_ = 	snop;
	(pc) =	sbr.rel .LBB2_4-.Ltmp4, $1  }
0x4b: {  	_ =	sdelay $0x3  }
.LBB2_6:
0x4c: {  	_ =	sfence.sel $0x180000  }
0x4d: {  	s2 =	simm.s32 $0x2;
	[bflag:$0x0] =	sbarrier.arrive $0xFFFF  }
0x4e: {  	s30 =	simm.s32 $0x3;
	[sflag:s2] =	ssyncpa.u1 $0x1  }
0x4f: {  	s31 =	simm.s32 $0x1;
	[sflag:s30] =	ssyncpa.u1 $0x1  }
0x50: {  	[sflag:s31] =	ssyncpa.u1 $0x1  }
0x51: {  	p0 =	sne.s32 s1, $0x0;
	_ =	strace $0x90000047  }
0x52: {  	s0 =	sadd.s32 @!p0 $0x100000, s0;
	[bflag:$0x2] =	sbarrier.arrive $0xFFFF  }
0x53: {  	[sflag:s0] =	ssyncadd.tile.s32 @!p0 $0x1;
	_ =	shalt  }
.Lfunc_end2:
_tile_overlayer_lowered:
.L_overlay_start_2:
0x54: {  	(tag) =	ssettag $0x2  }
0x55: {  	s0 =	rddreg [dreg:$0x0];
	s2 =	stileid.u32  }
0x56: {  	s1 =	rddreg [dreg:$0x1];
	p0 =	sne.s32 s2, $0x0  }
0x57: {  	s3 =	rddreg [dreg:$0x2];
	[bflag:$0x3] =	sbarrier.arrive $0xFFFF;
	s2 =	simm.s32 @!p0 $0x1C01  }
0x58: {  	[timem:s3], [sflag:s2] =	dma.local @!p0 [hbm:s0], s1  }
0x59: {  	s0 =	simm.s32 @!p0 $0x1  }
0x5a: {  	_ =	swait.ge @!p0 [sflag:s0], s1  }
0x5b: {  	s1 =	ssub.s32 @!p0 $0x0, s1;
	[sflag:s0] =	ssyncset.done @!p0 $0x0  }
0x5c: {  	[sflag:s0] =	ssyncadd.s32 @!p0 s1  }
0x5d: {  	[bflag:$0x3] =	sbarrier.arrive $0xFFFF  }
0x5e: {  	_ =	shalt  }

</sc_bundles>
